<compile_context>
chip_gen: v7x
topology: tpu7x:2x2x1
jax: 0.10.2.dev20260603
libtpu: 0.0.44.dev20260713+nightly
codegen_flags: <defaults>
</compile_context>

<pallas_src>
import functools

import jax
import jax.numpy as jnp
from jax import lax
from jax.experimental import pallas as pl
from jax.experimental.pallas import tpu as pltpu
from jax.experimental.pallas import tpu_sc as plsc

NC = 2
NS = 16
NW = NC * NS
ECHUNK = 128

_MESH = plsc.VectorSubcoreMesh(
    core_axis_name="c", subcore_axis_name="s", num_cores=NC, num_subcores=NS
)


def _deg_call(dstp, zeros1d):
    nw, ch, _ = dstp.shape
    npad = zeros1d.shape[0]

    @functools.partial(
        pl.kernel,
        out_type=jax.ShapeDtypeStruct((NC, npad), jnp.float32),
        mesh=_MESH,
        scratch_types=[
            pltpu.VMEM((ch, ECHUNK), jnp.int32),
            pltpu.VMEM((ECHUNK,), jnp.float32),
            pltpu.VMEM_SHARED((npad,), jnp.float32),
            pltpu.SemaphoreType.DMA,
        ],
    )
    def deg_kernel(dst_hbm, zeros_hbm, deg_out, dst_v, ones_v, shared_deg, sem):
        c = lax.axis_index("c")
        s = lax.axis_index("s")
        wid = c * NS + s
        pltpu.sync_copy(dst_hbm.at[wid], dst_v)
        for i in range(ECHUNK // 16):
            ones_v[pl.ds(i * 16, 16)] = jnp.ones((16,), jnp.float32)

        @pl.when(s == 0)
        def _():
            pltpu.sync_copy(zeros_hbm, shared_deg)

        plsc.subcore_barrier()

        def body(j, carry):
            pltpu.sync_copy(ones_v, shared_deg.at[dst_v.at[j]], add=True)
            return carry

        lax.fori_loop(0, ch, body, 0)
        plsc.subcore_barrier()

        @pl.when(s == 0)
        def _():
            pltpu.sync_copy(shared_deg, deg_out.at[c])

    return deg_kernel(dstp, zeros1d)


def _scatter_call(y, srcp, dstp, zeros2d):
    nw, ch, _ = srcp.shape
    npad, d = zeros2d.shape
    stride = npad // NS
    nph = 2
    chp = ch // nph

    @functools.partial(
        pl.kernel,
        out_type=jax.ShapeDtypeStruct((NC, npad, d), jnp.float32),
        mesh=_MESH,
        scratch_types=[
            pltpu.VMEM((chp, ECHUNK), jnp.int32),
            pltpu.VMEM((chp, ECHUNK), jnp.int32),
            pltpu.VMEM((ECHUNK, d), jnp.float32),
            pltpu.VMEM((ECHUNK, d), jnp.float32),
            pltpu.VMEM_SHARED((npad, d), jnp.float32),
            pltpu.SemaphoreType.DMA,
            pltpu.SemaphoreType.DMA,
        ],
    )
    def scat_kernel(y_hbm, src_hbm, dst_hbm, zeros_hbm, z_out,
                    src_v, dst_v, buf0, buf1, shared_z, sem0, sem1):
        c = lax.axis_index("c")
        s = lax.axis_index("s")
        wid = c * NS + s

        @pl.when(s == 0)
        def _():
            pltpu.sync_copy(zeros_hbm, shared_z)

        plsc.subcore_barrier()

        for ph in range(nph):
            pltpu.sync_copy(src_hbm.at[wid, pl.ds(ph * chp, chp)], src_v)
            pltpu.sync_copy(dst_hbm.at[wid, pl.ds(ph * chp, chp)], dst_v)
            pltpu.async_copy(y_hbm.at[src_v.at[0]], buf0, sem0)

            def body(k2, carry):
                j0 = 2 * k2
                pltpu.async_copy(y_hbm.at[src_v.at[j0 + 1]], buf1, sem1)
                pltpu.make_async_copy(y_hbm.at[src_v.at[j0]], buf0, sem0).wait()
                pltpu.sync_copy(buf0, shared_z.at[dst_v.at[j0]], add=True)

                @pl.when(j0 + 2 < chp)
                def _():
                    pltpu.async_copy(y_hbm.at[src_v.at[j0 + 2]], buf0, sem0)

                pltpu.make_async_copy(y_hbm.at[src_v.at[j0 + 1]], buf1, sem1).wait()
                pltpu.sync_copy(buf1, shared_z.at[dst_v.at[j0 + 1]], add=True)
                return carry

            lax.fori_loop(0, chp // 2, body, 0)
        plsc.subcore_barrier()
        pltpu.sync_copy(
            shared_z.at[pl.ds(s * stride, stride)],
            z_out.at[c, pl.ds(s * stride, stride)],
        )

    return scat_kernel(y, srcp, dstp, zeros2d)


def _tc_first(degT, x, w0):
    n, _ = x.shape
    d_out = w0.shape[1]
    npad = degT.shape[0]

    def body(deg_ref, x_ref, w_ref, dinv_ref, y_ref):
        cnt = deg_ref[:, 0:1] + deg_ref[:, 1:2] + 1.0
        dinv = lax.rsqrt(cnt)
        dinv_ref[...] = dinv
        xw = jnp.dot(x_ref[...], w_ref[...], preferred_element_type=jnp.float32)
        y_ref[...] = xw * dinv[:n]

    return pl.pallas_call(
        body,
        out_shape=(
            jax.ShapeDtypeStruct((npad, 1), jnp.float32),
            jax.ShapeDtypeStruct((n, d_out), jnp.float32),
        ),
    )(degT, x, w0)


def _tc_mid(z, y, dinv, b, hprev, wn):
    n, d = y.shape

    def body(z_ref, y_ref, dinv_ref, b_ref, *rest):
        if hprev is not None:
            h_ref, w_ref, hout_ref, yout_ref = rest
        else:
            w_ref, hout_ref, yout_ref = rest
        dv = dinv_ref[:n]
        g = (z_ref[0, :n] + z_ref[1, :n] + y_ref[...]) * dv + b_ref[...]
        if hprev is not None:
            g = g + h_ref[...]
        h = jnp.where(g > 0.0, g, jnp.exp(g) - 1.0)
        hout_ref[...] = h
        yout_ref[...] = (
            jnp.dot(h, w_ref[...], preferred_element_type=jnp.float32) * dv
        )

    args = [z, y, dinv, b] + ([hprev] if hprev is not None else []) + [wn]
    return pl.pallas_call(
        body,
        out_shape=(
            jax.ShapeDtypeStruct((n, d), jnp.float32),
            jax.ShapeDtypeStruct((n, wn.shape[1]), jnp.float32),
        ),
    )(*args)


def _tc_last(z, y, dinv, b, hprev):
    n, d = y.shape

    def body(z_ref, y_ref, dinv_ref, b_ref, h_ref, hout_ref):
        g = (z_ref[0, :n] + z_ref[1, :n] + y_ref[...]) * dinv_ref[:n] + b_ref[...]
        g = g + h_ref[...]
        hout_ref[...] = jnp.where(g > 0.0, g, jnp.exp(g) - 1.0)

    return pl.pallas_call(
        body,
        out_shape=jax.ShapeDtypeStruct((n, d), jnp.float32),
    )(z, y, dinv, b, hprev)


def kernel(x, edge_index, W0, b0, W1, b1, W2, b2):
    n, d = x.shape
    e = edge_index.shape[1]
    npad = -(-(n + 1) // (NS * 8)) * (NS * 8)
    ch = -(-e // (NW * ECHUNK))
    ch = -(-ch // 4) * 4
    epad = NW * ch * ECHUNK
    pad = epad - e

    src = edge_index[0].astype(jnp.int32)
    dst = edge_index[1].astype(jnp.int32)
    pad_i = jnp.arange(pad, dtype=jnp.int32)
    srcp = jnp.concatenate([src, pad_i % n]).reshape(NW, ch, ECHUNK)
    dstp = jnp.concatenate([dst, n + pad_i % (npad - n)]).reshape(
        NW, ch, ECHUNK
    )
    zeros2d = jnp.zeros((npad, d), jnp.float32)
    zeros1d = jnp.zeros((npad,), jnp.float32)

    deg = _deg_call(dstp, zeros1d)
    dinv, y = _tc_first(deg.T, x, W0)

    z = _scatter_call(y, srcp, dstp, zeros2d)
    h, y = _tc_mid(z, y, dinv, b0, None, W1)

    z = _scatter_call(y, srcp, dstp, zeros2d)
    h, y = _tc_mid(z, y, dinv, b1, h, W2)

    z = _scatter_call(y, srcp, dstp, zeros2d)
    return _tc_last(z, y, dinv, b2, h)

# --- scband reference (transcript-rebuilt; emitter-appended) ---
"""Pipeline reference for scband-gcn-layers-38439957299969 (READ-ONLY COPY).

The authoritative reference and input builder live on the scoring server;
editing this copy changes nothing except your own understanding.
"""

import jax, jax.numpy as jnp
import numpy as np

N_NODES = 10000
N_EDGES = 320000
D_IN = 128
D_H = 128
NUM_LAYERS = 3


def setup_inputs(seed: int = 0) -> dict:
    key = jax.random.key(seed)
    ks = jax.random.split(key, 2 + 2 * NUM_LAYERS)
    x = jax.random.normal(ks[0], (N_NODES, D_IN), dtype=jnp.float32)
    edge_index = jax.random.randint(ks[1], (2, N_EDGES), 0, N_NODES, dtype=jnp.int64)
    inp = {"x": x, "edge_index": edge_index}
    dims = [(D_IN, D_H)] + [(D_H, D_H)] * (NUM_LAYERS - 1)
    for i, (din, dout) in enumerate(dims):
        scale = (6.0 / (din + dout)) ** 0.5
        inp[f"W{i}"] = jax.random.uniform(ks[2 + 2 * i], (din, dout), dtype=jnp.float32, minval=-scale, maxval=scale)
        inp[f"b{i}"] = jnp.zeros((dout,), dtype=jnp.float32)
    return inp


def _gcn_conv(x, src, dst, W, b, num_nodes):
    # PyG GCNConv: add self-loops, symmetric normalization D^-1/2 (A+I) D^-1/2, then linear + bias
    loop = jnp.arange(num_nodes, dtype=src.dtype)
    s = jnp.concatenate([src, loop])
    d = jnp.concatenate([dst, loop])
    deg = jnp.zeros((num_nodes,), dtype=x.dtype).at[d].add(1.0)
    dinv = jnp.where(deg > 0, deg ** -0.5, 0.0)
    norm = dinv[s] * dinv[d]
    xw = x @ W
    msg = jnp.take(xw, s, axis=0) * norm[:, None]
    out = jnp.zeros((num_nodes, W.shape[1]), dtype=x.dtype).at[d].add(msg)
    return out + b


def reference(x, edge_index, W0, b0, W1, b1, W2, b2):
    num_nodes = x.shape[0]
    src, dst = edge_index[0], edge_index[1]
    Ws = [W0, W1, W2]
    bs = [b0, b1, b2]
    h = None
    for i in range(NUM_LAYERS):
        if i:
            h = _gcn_conv(h, src, dst, Ws[i], bs[i], num_nodes) + h
        else:
            h = _gcn_conv(x, src, dst, Ws[i], bs[i], num_nodes)
        h = jax.nn.elu(h)
    return h

if __name__ == "__main__":
    import jax
    _d = setup_inputs()
    print(jax.jit(kernel)(*tuple(_d.values())))

</pallas_src>

<mosaic_0001>
#map = affine_map<(d0, d1) -> (0, 0)>
#map1 = affine_map<(d0, d1) -> (0, 0, 0)>
module attributes {stable_mosaic.version = 14 : i64} {
  func.func @scat_kernel(%arg0: i32, %arg1: i32, %arg2: memref<10000x128xf32, #tpu.memory_space<hbm>>, %arg3: memref<32x80x128xi32, #tpu.memory_space<hbm>>, %arg4: memref<32x80x128xi32, #tpu.memory_space<hbm>>, %arg5: memref<10112x128xf32, #tpu.memory_space<hbm>>, %arg6: memref<2x10112x128xf32, #tpu.memory_space<hbm>>, %arg7: memref<40x128xi32, #tpu.memory_space<vmem>>, %arg8: memref<40x128xi32, #tpu.memory_space<vmem>>, %arg9: memref<128x128xf32, #tpu.memory_space<vmem>>, %arg10: memref<128x128xf32, #tpu.memory_space<vmem>>, %arg11: memref<10112x128xf32, #tpu.memory_space<vmem_shared>>, %arg12: memref<!tpu.dma_semaphore, #tpu.memory_space<semaphore_mem>>, %arg13: memref<!tpu.dma_semaphore, #tpu.memory_space<semaphore_mem>>) attributes {dimension_semantics = [#tpu.dimension_semantics<core_parallel>, #tpu.dimension_semantics<subcore_parallel>], iteration_bounds = array<i64: 2, 16>, scalar_prefetch = 0 : i64, scratch_operands = 7 : i64, tpu.core_type = #tpu.core_type<sc_vector_subcore>, window_params = [{transform_indices = #map}, {transform_indices = #map1}, {transform_indices = #map1}, {transform_indices = #map}, {transform_indices = #map1}]} {
    %mul3A = arith.constant 16 : i32
    %mul3A_0 = arith.muli %arg0, %mul3A : i32
    %add3A = arith.addi %mul3A_0, %arg1 : i32
    %eq3A = arith.constant 0 : i32
    %eq3A_1 = arith.cmpi eq, %arg1, %eq3A : i32
    %convert_element_type3A = arith.extui %eq3A_1 : i1 to i32
    %cond3A = arith.constant 0 : i32
    %cond3A_2 = arith.cmpi ne, %convert_element_type3A, %cond3A : i32
    scf.if %cond3A_2 {
      "tpu.region"() ({
        %run_scoped3A = tpu.sem_alloc : memref<!tpu.dma_semaphore, #tpu.memory_space<semaphore_mem>>
        tpu.enqueue_dma source(%arg5 : memref<10112x128xf32, #tpu.memory_space<hbm>>) target(%arg11 : memref<10112x128xf32, #tpu.memory_space<vmem_shared>>) target_semaphore(%run_scoped3A : memref<!tpu.dma_semaphore, #tpu.memory_space<semaphore_mem>>)
        tpu.wait_dma2 semaphore(%run_scoped3A : memref<!tpu.dma_semaphore, #tpu.memory_space<semaphore_mem>>) src(%arg5 : memref<10112x128xf32, #tpu.memory_space<hbm>>) dst(%arg11 : memref<10112x128xf32, #tpu.memory_space<vmem_shared>>)
        tpu.yield
      }) : () -> ()
    } else {
    }
    %barrier3A = arith.constant 0 : index
    tpu.barrier barrier_id(%barrier3A)
    "tpu.region"() ({
      %run_scoped3A = tpu.sem_alloc : memref<!tpu.dma_semaphore, #tpu.memory_space<semaphore_mem>>
      %dma_start3A_32 = arith.constant 0 : i32
      %dma_start3A_33 = arith.constant 0 : i32
      %dma_start3A_34 = tpu.memref_slice %arg3[%add3A, %dma_start3A_32, %dma_start3A_33] : memref<32x80x128xi32, #tpu.memory_space<hbm>> -> memref<1x40x128xi32, #tpu.memory_space<hbm>>
      %dma_start3A_35 = tpu.memref_squeeze %dma_start3A_34 : memref<1x40x128xi32, #tpu.memory_space<hbm>> -> memref<40x128xi32, #tpu.memory_space<hbm>>
      %dma_start3A_36 = arith.constant 0 : i32
      %dma_start3A_37 = arith.constant 0 : i32
      %dma_start3A_38 = tpu.memref_slice %arg3[%add3A, %dma_start3A_36, %dma_start3A_37] : memref<32x80x128xi32, #tpu.memory_space<hbm>> -> memref<1x40x128xi32, #tpu.memory_space<hbm>>
      %dma_start3A_39 = tpu.memref_squeeze %dma_start3A_38 : memref<1x40x128xi32, #tpu.memory_space<hbm>> -> memref<40x128xi32, #tpu.memory_space<hbm>>
      tpu.enqueue_dma source(%dma_start3A_39 : memref<40x128xi32, #tpu.memory_space<hbm>>) target(%arg7 : memref<40x128xi32, #tpu.memory_space<vmem>>) target_semaphore(%run_scoped3A : memref<!tpu.dma_semaphore, #tpu.memory_space<semaphore_mem>>)
      %dma_wait3A = arith.constant 0 : i32
      %dma_wait3A_40 = arith.constant 0 : i32
      %dma_wait3A_41 = tpu.memref_slice %arg3[%add3A, %dma_wait3A, %dma_wait3A_40] : memref<32x80x128xi32, #tpu.memory_space<hbm>> -> memref<1x40x128xi32, #tpu.memory_space<hbm>>
      %dma_wait3A_42 = tpu.memref_squeeze %dma_wait3A_41 : memref<1x40x128xi32, #tpu.memory_space<hbm>> -> memref<40x128xi32, #tpu.memory_space<hbm>>
      %dma_wait3A_43 = arith.constant 0 : i32
      %dma_wait3A_44 = arith.constant 0 : i32
      %dma_wait3A_45 = tpu.memref_slice %arg3[%add3A, %dma_wait3A_43, %dma_wait3A_44] : memref<32x80x128xi32, #tpu.memory_space<hbm>> -> memref<1x40x128xi32, #tpu.memory_space<hbm>>
      %dma_wait3A_46 = tpu.memref_squeeze %dma_wait3A_45 : memref<1x40x128xi32, #tpu.memory_space<hbm>> -> memref<40x128xi32, #tpu.memory_space<hbm>>
      tpu.wait_dma2 semaphore(%run_scoped3A : memref<!tpu.dma_semaphore, #tpu.memory_space<semaphore_mem>>) src(%dma_wait3A_46 : memref<40x128xi32, #tpu.memory_space<hbm>>) dst(%arg7 : memref<40x128xi32, #tpu.memory_space<vmem>>)
      tpu.yield
    }) : () -> ()
    "tpu.region"() ({
      %run_scoped3A = tpu.sem_alloc : memref<!tpu.dma_semaphore, #tpu.memory_space<semaphore_mem>>
      %dma_start3A_32 = arith.constant 0 : i32
      %dma_start3A_33 = arith.constant 0 : i32
      %dma_start3A_34 = tpu.memref_slice %arg4[%add3A, %dma_start3A_32, %dma_start3A_33] : memref<32x80x128xi32, #tpu.memory_space<hbm>> -> memref<1x40x128xi32, #tpu.memory_space<hbm>>
      %dma_start3A_35 = tpu.memref_squeeze %dma_start3A_34 : memref<1x40x128xi32, #tpu.memory_space<hbm>> -> memref<40x128xi32, #tpu.memory_space<hbm>>
      %dma_start3A_36 = arith.constant 0 : i32
      %dma_start3A_37 = arith.constant 0 : i32
      %dma_start3A_38 = tpu.memref_slice %arg4[%add3A, %dma_start3A_36, %dma_start3A_37] : memref<32x80x128xi32, #tpu.memory_space<hbm>> -> memref<1x40x128xi32, #tpu.memory_space<hbm>>
      %dma_start3A_39 = tpu.memref_squeeze %dma_start3A_38 : memref<1x40x128xi32, #tpu.memory_space<hbm>> -> memref<40x128xi32, #tpu.memory_space<hbm>>
      tpu.enqueue_dma source(%dma_start3A_39 : memref<40x128xi32, #tpu.memory_space<hbm>>) target(%arg8 : memref<40x128xi32, #tpu.memory_space<vmem>>) target_semaphore(%run_scoped3A : memref<!tpu.dma_semaphore, #tpu.memory_space<semaphore_mem>>)
      %dma_wait3A = arith.constant 0 : i32
      %dma_wait3A_40 = arith.constant 0 : i32
      %dma_wait3A_41 = tpu.memref_slice %arg4[%add3A, %dma_wait3A, %dma_wait3A_40] : memref<32x80x128xi32, #tpu.memory_space<hbm>> -> memref<1x40x128xi32, #tpu.memory_space<hbm>>
      %dma_wait3A_42 = tpu.memref_squeeze %dma_wait3A_41 : memref<1x40x128xi32, #tpu.memory_space<hbm>> -> memref<40x128xi32, #tpu.memory_space<hbm>>
      %dma_wait3A_43 = arith.constant 0 : i32
      %dma_wait3A_44 = arith.constant 0 : i32
      %dma_wait3A_45 = tpu.memref_slice %arg4[%add3A, %dma_wait3A_43, %dma_wait3A_44] : memref<32x80x128xi32, #tpu.memory_space<hbm>> -> memref<1x40x128xi32, #tpu.memory_space<hbm>>
      %dma_wait3A_46 = tpu.memref_squeeze %dma_wait3A_45 : memref<1x40x128xi32, #tpu.memory_space<hbm>> -> memref<40x128xi32, #tpu.memory_space<hbm>>
      tpu.wait_dma2 semaphore(%run_scoped3A : memref<!tpu.dma_semaphore, #tpu.memory_space<semaphore_mem>>) src(%dma_wait3A_46 : memref<40x128xi32, #tpu.memory_space<hbm>>) dst(%arg8 : memref<40x128xi32, #tpu.memory_space<vmem>>)
      tpu.yield
    }) : () -> ()
    %dma_start3A = arith.constant 0 : i32
    %dma_start3A_3 = arith.constant 0 : i32
    %dma_start3A_4 = tpu.memref_slice %arg7[%dma_start3A, %dma_start3A_3] : memref<40x128xi32, #tpu.memory_space<vmem>> -> memref<1x128xi32, #tpu.memory_space<vmem>>
    %dma_start3A_5 = tpu.memref_squeeze %dma_start3A_4 : memref<1x128xi32, #tpu.memory_space<vmem>> -> memref<128xi32, #tpu.memory_space<vmem>>
    %dma_start3A_6 = arith.constant 0 : i32
    %dma_start3A_7 = arith.constant 0 : i32
    %dma_start3A_8 = tpu.memref_slice %arg2[%dma_start3A_6, %dma_start3A_7] : memref<10000x128xf32, #tpu.memory_space<hbm>> -> memref<10000x128xf32, #tpu.memory_space<hbm>>
    tpu.enqueue_indirect_dma source(%dma_start3A_8 : memref<10000x128xf32, #tpu.memory_space<hbm>>) target(%arg9 : memref<128x128xf32, #tpu.memory_space<vmem>>) offsets(%dma_start3A_5 : memref<128xi32, #tpu.memory_space<vmem>>) semaphore(%arg12 : memref<!tpu.dma_semaphore, #tpu.memory_space<semaphore_mem>>)
    %scan3A = arith.constant 0 : i32
    %scan3A_9 = arith.constant 0 : i32
    %scan3A_10 = arith.constant 20 : i32
    %scan3A_11 = arith.addi %scan3A_9, %scan3A_10 : i32
    %scan3A_12 = arith.constant 1 : i32
    scf.for %scan3A_32 = %scan3A_9 to %scan3A_11 step %scan3A_12  : i32 {
      %mul3A_33 = arith.constant 2 : i32
      %mul3A_34 = arith.muli %mul3A_33, %scan3A_32 : i32
      %add3A_35 = arith.constant 1 : i32
      %add3A_36 = arith.addi %mul3A_34, %add3A_35 : i32
      %dma_start3A_37 = arith.constant 0 : i32
      %dma_start3A_38 = tpu.memref_slice %arg7[%add3A_36, %dma_start3A_37] : memref<40x128xi32, #tpu.memory_space<vmem>> -> memref<1x128xi32, #tpu.memory_space<vmem>>
      %dma_start3A_39 = tpu.memref_squeeze %dma_start3A_38 : memref<1x128xi32, #tpu.memory_space<vmem>> -> memref<128xi32, #tpu.memory_space<vmem>>
      %dma_start3A_40 = arith.constant 0 : i32
      %dma_start3A_41 = arith.constant 0 : i32
      %dma_start3A_42 = tpu.memref_slice %arg2[%dma_start3A_40, %dma_start3A_41] : memref<10000x128xf32, #tpu.memory_space<hbm>> -> memref<10000x128xf32, #tpu.memory_space<hbm>>
      tpu.enqueue_indirect_dma source(%dma_start3A_42 : memref<10000x128xf32, #tpu.memory_space<hbm>>) target(%arg10 : memref<128x128xf32, #tpu.memory_space<vmem>>) offsets(%dma_start3A_39 : memref<128xi32, #tpu.memory_space<vmem>>) semaphore(%arg13 : memref<!tpu.dma_semaphore, #tpu.memory_space<semaphore_mem>>)
      %dma_wait3A = arith.constant 0 : i32
      %dma_wait3A_43 = tpu.memref_slice %arg7[%mul3A_34, %dma_wait3A] : memref<40x128xi32, #tpu.memory_space<vmem>> -> memref<1x128xi32, #tpu.memory_space<vmem>>
      %dma_wait3A_44 = tpu.memref_squeeze %dma_wait3A_43 : memref<1x128xi32, #tpu.memory_space<vmem>> -> memref<128xi32, #tpu.memory_space<vmem>>
      %dma_wait3A_45 = arith.constant 0 : i32
      %dma_wait3A_46 = arith.constant 0 : i32
      %dma_wait3A_47 = tpu.memref_slice %arg2[%dma_wait3A_45, %dma_wait3A_46] : memref<10000x128xf32, #tpu.memory_space<hbm>> -> memref<10000x128xf32, #tpu.memory_space<hbm>>
      tpu.wait_indirect_dma semaphore(%arg12 : memref<!tpu.dma_semaphore, #tpu.memory_space<semaphore_mem>>) src(%dma_wait3A_47 : memref<10000x128xf32, #tpu.memory_space<hbm>>) dst(%arg9 : memref<128x128xf32, #tpu.memory_space<vmem>>)
      "tpu.region"() ({
        %run_scoped3A = tpu.sem_alloc : memref<!tpu.dma_semaphore, #tpu.memory_space<semaphore_mem>>
        %dma_start3A_64 = arith.constant 0 : i32
        %dma_start3A_65 = tpu.memref_slice %arg8[%mul3A_34, %dma_start3A_64] : memref<40x128xi32, #tpu.memory_space<vmem>> -> memref<1x128xi32, #tpu.memory_space<vmem>>
        %dma_start3A_66 = tpu.memref_squeeze %dma_start3A_65 : memref<1x128xi32, #tpu.memory_space<vmem>> -> memref<128xi32, #tpu.memory_space<vmem>>
        %dma_start3A_67 = arith.constant 0 : i32
        %dma_start3A_68 = arith.constant 0 : i32
        %dma_start3A_69 = tpu.memref_slice %arg11[%dma_start3A_67, %dma_start3A_68] : memref<10112x128xf32, #tpu.memory_space<vmem_shared>> -> memref<10112x128xf32, #tpu.memory_space<vmem_shared>>
        tpu.enqueue_indirect_dma source(%arg9 : memref<128x128xf32, #tpu.memory_space<vmem>>) target(%dma_start3A_69 : memref<10112x128xf32, #tpu.memory_space<vmem_shared>>) offsets(%dma_start3A_66 : memref<128xi32, #tpu.memory_space<vmem>>) semaphore(%run_scoped3A : memref<!tpu.dma_semaphore, #tpu.memory_space<semaphore_mem>>) {add = true}
        %dma_wait3A_70 = arith.constant 0 : i32
        %dma_wait3A_71 = tpu.memref_slice %arg8[%mul3A_34, %dma_wait3A_70] : memref<40x128xi32, #tpu.memory_space<vmem>> -> memref<1x128xi32, #tpu.memory_space<vmem>>
        %dma_wait3A_72 = tpu.memref_squeeze %dma_wait3A_71 : memref<1x128xi32, #tpu.memory_space<vmem>> -> memref<128xi32, #tpu.memory_space<vmem>>
        %dma_wait3A_73 = arith.constant 0 : i32
        %dma_wait3A_74 = arith.constant 0 : i32
        %dma_wait3A_75 = tpu.memref_slice %arg11[%dma_wait3A_73, %dma_wait3A_74] : memref<10112x128xf32, #tpu.memory_space<vmem_shared>> -> memref<10112x128xf32, #tpu.memory_space<vmem_shared>>
        tpu.wait_indirect_dma semaphore(%run_scoped3A : memref<!tpu.dma_semaphore, #tpu.memory_space<semaphore_mem>>) src(%arg9 : memref<128x128xf32, #tpu.memory_space<vmem>>) dst(%dma_wait3A_75 : memref<10112x128xf32, #tpu.memory_space<vmem_shared>>)
        tpu.yield
      }) : () -> ()
      %add3A_48 = arith.constant 2 : i32
      %add3A_49 = arith.addi %mul3A_34, %add3A_48 : i32
      %lt3A = arith.constant 40 : i32
      %lt3A_50 = arith.cmpi slt, %add3A_49, %lt3A : i32
      %convert_element_type3A_51 = arith.extui %lt3A_50 : i1 to i32
      %cond3A_52 = arith.constant 0 : i32
      %cond3A_53 = arith.cmpi ne, %convert_element_type3A_51, %cond3A_52 : i32
      scf.if %cond3A_53 {
        %add3A_64 = arith.constant 2 : i32
        %add3A_65 = arith.addi %mul3A_34, %add3A_64 : i32
        %dma_start3A_66 = arith.constant 0 : i32
        %dma_start3A_67 = tpu.memref_slice %arg7[%add3A_65, %dma_start3A_66] : memref<40x128xi32, #tpu.memory_space<vmem>> -> memref<1x128xi32, #tpu.memory_space<vmem>>
        %dma_start3A_68 = tpu.memref_squeeze %dma_start3A_67 : memref<1x128xi32, #tpu.memory_space<vmem>> -> memref<128xi32, #tpu.memory_space<vmem>>
        %dma_start3A_69 = arith.constant 0 : i32
        %dma_start3A_70 = arith.constant 0 : i32
        %dma_start3A_71 = tpu.memref_slice %arg2[%dma_start3A_69, %dma_start3A_70] : memref<10000x128xf32, #tpu.memory_space<hbm>> -> memref<10000x128xf32, #tpu.memory_space<hbm>>
        tpu.enqueue_indirect_dma source(%dma_start3A_71 : memref<10000x128xf32, #tpu.memory_space<hbm>>) target(%arg9 : memref<128x128xf32, #tpu.memory_space<vmem>>) offsets(%dma_start3A_68 : memref<128xi32, #tpu.memory_space<vmem>>) semaphore(%arg12 : memref<!tpu.dma_semaphore, #tpu.memory_space<semaphore_mem>>)
      } else {
      }
      %add3A_54 = arith.constant 1 : i32
      %add3A_55 = arith.addi %mul3A_34, %add3A_54 : i32
      %dma_wait3A_56 = arith.constant 0 : i32
      %dma_wait3A_57 = tpu.memref_slice %arg7[%add3A_55, %dma_wait3A_56] : memref<40x128xi32, #tpu.memory_space<vmem>> -> memref<1x128xi32, #tpu.memory_space<vmem>>
      %dma_wait3A_58 = tpu.memref_squeeze %dma_wait3A_57 : memref<1x128xi32, #tpu.memory_space<vmem>> -> memref<128xi32, #tpu.memory_space<vmem>>
      %dma_wait3A_59 = arith.constant 0 : i32
      %dma_wait3A_60 = arith.constant 0 : i32
      %dma_wait3A_61 = tpu.memref_slice %arg2[%dma_wait3A_59, %dma_wait3A_60] : memref<10000x128xf32, #tpu.memory_space<hbm>> -> memref<10000x128xf32, #tpu.memory_space<hbm>>
      tpu.wait_indirect_dma semaphore(%arg13 : memref<!tpu.dma_semaphore, #tpu.memory_space<semaphore_mem>>) src(%dma_wait3A_61 : memref<10000x128xf32, #tpu.memory_space<hbm>>) dst(%arg10 : memref<128x128xf32, #tpu.memory_space<vmem>>)
      %add3A_62 = arith.constant 1 : i32
      %add3A_63 = arith.addi %mul3A_34, %add3A_62 : i32
      "tpu.region"() ({
        %run_scoped3A = tpu.sem_alloc : memref<!tpu.dma_semaphore, #tpu.memory_space<semaphore_mem>>
        %dma_start3A_64 = arith.constant 0 : i32
        %dma_start3A_65 = tpu.memref_slice %arg8[%add3A_63, %dma_start3A_64] : memref<40x128xi32, #tpu.memory_space<vmem>> -> memref<1x128xi32, #tpu.memory_space<vmem>>
        %dma_start3A_66 = tpu.memref_squeeze %dma_start3A_65 : memref<1x128xi32, #tpu.memory_space<vmem>> -> memref<128xi32, #tpu.memory_space<vmem>>
        %dma_start3A_67 = arith.constant 0 : i32
        %dma_start3A_68 = arith.constant 0 : i32
        %dma_start3A_69 = tpu.memref_slice %arg11[%dma_start3A_67, %dma_start3A_68] : memref<10112x128xf32, #tpu.memory_space<vmem_shared>> -> memref<10112x128xf32, #tpu.memory_space<vmem_shared>>
        tpu.enqueue_indirect_dma source(%arg10 : memref<128x128xf32, #tpu.memory_space<vmem>>) target(%dma_start3A_69 : memref<10112x128xf32, #tpu.memory_space<vmem_shared>>) offsets(%dma_start3A_66 : memref<128xi32, #tpu.memory_space<vmem>>) semaphore(%run_scoped3A : memref<!tpu.dma_semaphore, #tpu.memory_space<semaphore_mem>>) {add = true}
        %dma_wait3A_70 = arith.constant 0 : i32
        %dma_wait3A_71 = tpu.memref_slice %arg8[%add3A_63, %dma_wait3A_70] : memref<40x128xi32, #tpu.memory_space<vmem>> -> memref<1x128xi32, #tpu.memory_space<vmem>>
        %dma_wait3A_72 = tpu.memref_squeeze %dma_wait3A_71 : memref<1x128xi32, #tpu.memory_space<vmem>> -> memref<128xi32, #tpu.memory_space<vmem>>
        %dma_wait3A_73 = arith.constant 0 : i32
        %dma_wait3A_74 = arith.constant 0 : i32
        %dma_wait3A_75 = tpu.memref_slice %arg11[%dma_wait3A_73, %dma_wait3A_74] : memref<10112x128xf32, #tpu.memory_space<vmem_shared>> -> memref<10112x128xf32, #tpu.memory_space<vmem_shared>>
        tpu.wait_indirect_dma semaphore(%run_scoped3A : memref<!tpu.dma_semaphore, #tpu.memory_space<semaphore_mem>>) src(%arg10 : memref<128x128xf32, #tpu.memory_space<vmem>>) dst(%dma_wait3A_75 : memref<10112x128xf32, #tpu.memory_space<vmem_shared>>)
        tpu.yield
      }) : () -> ()
    }
    %scan3A_13 = arith.constant 20 : i32
    "tpu.region"() ({
      %run_scoped3A = tpu.sem_alloc : memref<!tpu.dma_semaphore, #tpu.memory_space<semaphore_mem>>
      %dma_start3A_32 = arith.constant 40 : i32
      %dma_start3A_33 = arith.constant 0 : i32
      %dma_start3A_34 = tpu.memref_slice %arg3[%add3A, %dma_start3A_32, %dma_start3A_33] : memref<32x80x128xi32, #tpu.memory_space<hbm>> -> memref<1x40x128xi32, #tpu.memory_space<hbm>>
      %dma_start3A_35 = tpu.memref_squeeze %dma_start3A_34 : memref<1x40x128xi32, #tpu.memory_space<hbm>> -> memref<40x128xi32, #tpu.memory_space<hbm>>
      %dma_start3A_36 = arith.constant 40 : i32
      %dma_start3A_37 = arith.constant 0 : i32
      %dma_start3A_38 = tpu.memref_slice %arg3[%add3A, %dma_start3A_36, %dma_start3A_37] : memref<32x80x128xi32, #tpu.memory_space<hbm>> -> memref<1x40x128xi32, #tpu.memory_space<hbm>>
      %dma_start3A_39 = tpu.memref_squeeze %dma_start3A_38 : memref<1x40x128xi32, #tpu.memory_space<hbm>> -> memref<40x128xi32, #tpu.memory_space<hbm>>
      tpu.enqueue_dma source(%dma_start3A_39 : memref<40x128xi32, #tpu.memory_space<hbm>>) target(%arg7 : memref<40x128xi32, #tpu.memory_space<vmem>>) target_semaphore(%run_scoped3A : memref<!tpu.dma_semaphore, #tpu.memory_space<semaphore_mem>>)
      %dma_wait3A = arith.constant 40 : i32
      %dma_wait3A_40 = arith.constant 0 : i32
      %dma_wait3A_41 = tpu.memref_slice %arg3[%add3A, %dma_wait3A, %dma_wait3A_40] : memref<32x80x128xi32, #tpu.memory_space<hbm>> -> memref<1x40x128xi32, #tpu.memory_space<hbm>>
      %dma_wait3A_42 = tpu.memref_squeeze %dma_wait3A_41 : memref<1x40x128xi32, #tpu.memory_space<hbm>> -> memref<40x128xi32, #tpu.memory_space<hbm>>
      %dma_wait3A_43 = arith.constant 40 : i32
      %dma_wait3A_44 = arith.constant 0 : i32
      %dma_wait3A_45 = tpu.memref_slice %arg3[%add3A, %dma_wait3A_43, %dma_wait3A_44] : memref<32x80x128xi32, #tpu.memory_space<hbm>> -> memref<1x40x128xi32, #tpu.memory_space<hbm>>
      %dma_wait3A_46 = tpu.memref_squeeze %dma_wait3A_45 : memref<1x40x128xi32, #tpu.memory_space<hbm>> -> memref<40x128xi32, #tpu.memory_space<hbm>>
      tpu.wait_dma2 semaphore(%run_scoped3A : memref<!tpu.dma_semaphore, #tpu.memory_space<semaphore_mem>>) src(%dma_wait3A_46 : memref<40x128xi32, #tpu.memory_space<hbm>>) dst(%arg7 : memref<40x128xi32, #tpu.memory_space<vmem>>)
      tpu.yield
    }) : () -> ()
    "tpu.region"() ({
      %run_scoped3A = tpu.sem_alloc : memref<!tpu.dma_semaphore, #tpu.memory_space<semaphore_mem>>
      %dma_start3A_32 = arith.constant 40 : i32
      %dma_start3A_33 = arith.constant 0 : i32
      %dma_start3A_34 = tpu.memref_slice %arg4[%add3A, %dma_start3A_32, %dma_start3A_33] : memref<32x80x128xi32, #tpu.memory_space<hbm>> -> memref<1x40x128xi32, #tpu.memory_space<hbm>>
      %dma_start3A_35 = tpu.memref_squeeze %dma_start3A_34 : memref<1x40x128xi32, #tpu.memory_space<hbm>> -> memref<40x128xi32, #tpu.memory_space<hbm>>
      %dma_start3A_36 = arith.constant 40 : i32
      %dma_start3A_37 = arith.constant 0 : i32
      %dma_start3A_38 = tpu.memref_slice %arg4[%add3A, %dma_start3A_36, %dma_start3A_37] : memref<32x80x128xi32, #tpu.memory_space<hbm>> -> memref<1x40x128xi32, #tpu.memory_space<hbm>>
      %dma_start3A_39 = tpu.memref_squeeze %dma_start3A_38 : memref<1x40x128xi32, #tpu.memory_space<hbm>> -> memref<40x128xi32, #tpu.memory_space<hbm>>
      tpu.enqueue_dma source(%dma_start3A_39 : memref<40x128xi32, #tpu.memory_space<hbm>>) target(%arg8 : memref<40x128xi32, #tpu.memory_space<vmem>>) target_semaphore(%run_scoped3A : memref<!tpu.dma_semaphore, #tpu.memory_space<semaphore_mem>>)
      %dma_wait3A = arith.constant 40 : i32
      %dma_wait3A_40 = arith.constant 0 : i32
      %dma_wait3A_41 = tpu.memref_slice %arg4[%add3A, %dma_wait3A, %dma_wait3A_40] : memref<32x80x128xi32, #tpu.memory_space<hbm>> -> memref<1x40x128xi32, #tpu.memory_space<hbm>>
      %dma_wait3A_42 = tpu.memref_squeeze %dma_wait3A_41 : memref<1x40x128xi32, #tpu.memory_space<hbm>> -> memref<40x128xi32, #tpu.memory_space<hbm>>
      %dma_wait3A_43 = arith.constant 40 : i32
      %dma_wait3A_44 = arith.constant 0 : i32
      %dma_wait3A_45 = tpu.memref_slice %arg4[%add3A, %dma_wait3A_43, %dma_wait3A_44] : memref<32x80x128xi32, #tpu.memory_space<hbm>> -> memref<1x40x128xi32, #tpu.memory_space<hbm>>
      %dma_wait3A_46 = tpu.memref_squeeze %dma_wait3A_45 : memref<1x40x128xi32, #tpu.memory_space<hbm>> -> memref<40x128xi32, #tpu.memory_space<hbm>>
      tpu.wait_dma2 semaphore(%run_scoped3A : memref<!tpu.dma_semaphore, #tpu.memory_space<semaphore_mem>>) src(%dma_wait3A_46 : memref<40x128xi32, #tpu.memory_space<hbm>>) dst(%arg8 : memref<40x128xi32, #tpu.memory_space<vmem>>)
      tpu.yield
    }) : () -> ()
    %dma_start3A_14 = arith.constant 0 : i32
    %dma_start3A_15 = arith.constant 0 : i32
    %dma_start3A_16 = tpu.memref_slice %arg7[%dma_start3A_14, %dma_start3A_15] : memref<40x128xi32, #tpu.memory_space<vmem>> -> memref<1x128xi32, #tpu.memory_space<vmem>>
    %dma_start3A_17 = tpu.memref_squeeze %dma_start3A_16 : memref<1x128xi32, #tpu.memory_space<vmem>> -> memref<128xi32, #tpu.memory_space<vmem>>
    %dma_start3A_18 = arith.constant 0 : i32
    %dma_start3A_19 = arith.constant 0 : i32
    %dma_start3A_20 = tpu.memref_slice %arg2[%dma_start3A_18, %dma_start3A_19] : memref<10000x128xf32, #tpu.memory_space<hbm>> -> memref<10000x128xf32, #tpu.memory_space<hbm>>
    tpu.enqueue_indirect_dma source(%dma_start3A_20 : memref<10000x128xf32, #tpu.memory_space<hbm>>) target(%arg9 : memref<128x128xf32, #tpu.memory_space<vmem>>) offsets(%dma_start3A_17 : memref<128xi32, #tpu.memory_space<vmem>>) semaphore(%arg12 : memref<!tpu.dma_semaphore, #tpu.memory_space<semaphore_mem>>)
    %scan3A_21 = arith.constant 0 : i32
    %scan3A_22 = arith.constant 0 : i32
    %scan3A_23 = arith.constant 20 : i32
    %scan3A_24 = arith.addi %scan3A_22, %scan3A_23 : i32
    %scan3A_25 = arith.constant 1 : i32
    scf.for %scan3A_32 = %scan3A_22 to %scan3A_24 step %scan3A_25  : i32 {
      %mul3A_33 = arith.constant 2 : i32
      %mul3A_34 = arith.muli %mul3A_33, %scan3A_32 : i32
      %add3A_35 = arith.constant 1 : i32
      %add3A_36 = arith.addi %mul3A_34, %add3A_35 : i32
      %dma_start3A_37 = arith.constant 0 : i32
      %dma_start3A_38 = tpu.memref_slice %arg7[%add3A_36, %dma_start3A_37] : memref<40x128xi32, #tpu.memory_space<vmem>> -> memref<1x128xi32, #tpu.memory_space<vmem>>
      %dma_start3A_39 = tpu.memref_squeeze %dma_start3A_38 : memref<1x128xi32, #tpu.memory_space<vmem>> -> memref<128xi32, #tpu.memory_space<vmem>>
      %dma_start3A_40 = arith.constant 0 : i32
      %dma_start3A_41 = arith.constant 0 : i32
      %dma_start3A_42 = tpu.memref_slice %arg2[%dma_start3A_40, %dma_start3A_41] : memref<10000x128xf32, #tpu.memory_space<hbm>> -> memref<10000x128xf32, #tpu.memory_space<hbm>>
      tpu.enqueue_indirect_dma source(%dma_start3A_42 : memref<10000x128xf32, #tpu.memory_space<hbm>>) target(%arg10 : memref<128x128xf32, #tpu.memory_space<vmem>>) offsets(%dma_start3A_39 : memref<128xi32, #tpu.memory_space<vmem>>) semaphore(%arg13 : memref<!tpu.dma_semaphore, #tpu.memory_space<semaphore_mem>>)
      %dma_wait3A = arith.constant 0 : i32
      %dma_wait3A_43 = tpu.memref_slice %arg7[%mul3A_34, %dma_wait3A] : memref<40x128xi32, #tpu.memory_space<vmem>> -> memref<1x128xi32, #tpu.memory_space<vmem>>
      %dma_wait3A_44 = tpu.memref_squeeze %dma_wait3A_43 : memref<1x128xi32, #tpu.memory_space<vmem>> -> memref<128xi32, #tpu.memory_space<vmem>>
      %dma_wait3A_45 = arith.constant 0 : i32
      %dma_wait3A_46 = arith.constant 0 : i32
      %dma_wait3A_47 = tpu.memref_slice %arg2[%dma_wait3A_45, %dma_wait3A_46] : memref<10000x128xf32, #tpu.memory_space<hbm>> -> memref<10000x128xf32, #tpu.memory_space<hbm>>
      tpu.wait_indirect_dma semaphore(%arg12 : memref<!tpu.dma_semaphore, #tpu.memory_space<semaphore_mem>>) src(%dma_wait3A_47 : memref<10000x128xf32, #tpu.memory_space<hbm>>) dst(%arg9 : memref<128x128xf32, #tpu.memory_space<vmem>>)
      "tpu.region"() ({
        %run_scoped3A = tpu.sem_alloc : memref<!tpu.dma_semaphore, #tpu.memory_space<semaphore_mem>>
        %dma_start3A_64 = arith.constant 0 : i32
        %dma_start3A_65 = tpu.memref_slice %arg8[%mul3A_34, %dma_start3A_64] : memref<40x128xi32, #tpu.memory_space<vmem>> -> memref<1x128xi32, #tpu.memory_space<vmem>>
        %dma_start3A_66 = tpu.memref_squeeze %dma_start3A_65 : memref<1x128xi32, #tpu.memory_space<vmem>> -> memref<128xi32, #tpu.memory_space<vmem>>
        %dma_start3A_67 = arith.constant 0 : i32
        %dma_start3A_68 = arith.constant 0 : i32
        %dma_start3A_69 = tpu.memref_slice %arg11[%dma_start3A_67, %dma_start3A_68] : memref<10112x128xf32, #tpu.memory_space<vmem_shared>> -> memref<10112x128xf32, #tpu.memory_space<vmem_shared>>
        tpu.enqueue_indirect_dma source(%arg9 : memref<128x128xf32, #tpu.memory_space<vmem>>) target(%dma_start3A_69 : memref<10112x128xf32, #tpu.memory_space<vmem_shared>>) offsets(%dma_start3A_66 : memref<128xi32, #tpu.memory_space<vmem>>) semaphore(%run_scoped3A : memref<!tpu.dma_semaphore, #tpu.memory_space<semaphore_mem>>) {add = true}
        %dma_wait3A_70 = arith.constant 0 : i32
        %dma_wait3A_71 = tpu.memref_slice %arg8[%mul3A_34, %dma_wait3A_70] : memref<40x128xi32, #tpu.memory_space<vmem>> -> memref<1x128xi32, #tpu.memory_space<vmem>>
        %dma_wait3A_72 = tpu.memref_squeeze %dma_wait3A_71 : memref<1x128xi32, #tpu.memory_space<vmem>> -> memref<128xi32, #tpu.memory_space<vmem>>
        %dma_wait3A_73 = arith.constant 0 : i32
        %dma_wait3A_74 = arith.constant 0 : i32
        %dma_wait3A_75 = tpu.memref_slice %arg11[%dma_wait3A_73, %dma_wait3A_74] : memref<10112x128xf32, #tpu.memory_space<vmem_shared>> -> memref<10112x128xf32, #tpu.memory_space<vmem_shared>>
        tpu.wait_indirect_dma semaphore(%run_scoped3A : memref<!tpu.dma_semaphore, #tpu.memory_space<semaphore_mem>>) src(%arg9 : memref<128x128xf32, #tpu.memory_space<vmem>>) dst(%dma_wait3A_75 : memref<10112x128xf32, #tpu.memory_space<vmem_shared>>)
        tpu.yield
      }) : () -> ()
      %add3A_48 = arith.constant 2 : i32
      %add3A_49 = arith.addi %mul3A_34, %add3A_48 : i32
      %lt3A = arith.constant 40 : i32
      %lt3A_50 = arith.cmpi slt, %add3A_49, %lt3A : i32
      %convert_element_type3A_51 = arith.extui %lt3A_50 : i1 to i32
      %cond3A_52 = arith.constant 0 : i32
      %cond3A_53 = arith.cmpi ne, %convert_element_type3A_51, %cond3A_52 : i32
      scf.if %cond3A_53 {
        %add3A_64 = arith.constant 2 : i32
        %add3A_65 = arith.addi %mul3A_34, %add3A_64 : i32
        %dma_start3A_66 = arith.constant 0 : i32
        %dma_start3A_67 = tpu.memref_slice %arg7[%add3A_65, %dma_start3A_66] : memref<40x128xi32, #tpu.memory_space<vmem>> -> memref<1x128xi32, #tpu.memory_space<vmem>>
        %dma_start3A_68 = tpu.memref_squeeze %dma_start3A_67 : memref<1x128xi32, #tpu.memory_space<vmem>> -> memref<128xi32, #tpu.memory_space<vmem>>
        %dma_start3A_69 = arith.constant 0 : i32
        %dma_start3A_70 = arith.constant 0 : i32
        %dma_start3A_71 = tpu.memref_slice %arg2[%dma_start3A_69, %dma_start3A_70] : memref<10000x128xf32, #tpu.memory_space<hbm>> -> memref<10000x128xf32, #tpu.memory_space<hbm>>
        tpu.enqueue_indirect_dma source(%dma_start3A_71 : memref<10000x128xf32, #tpu.memory_space<hbm>>) target(%arg9 : memref<128x128xf32, #tpu.memory_space<vmem>>) offsets(%dma_start3A_68 : memref<128xi32, #tpu.memory_space<vmem>>) semaphore(%arg12 : memref<!tpu.dma_semaphore, #tpu.memory_space<semaphore_mem>>)
      } else {
      }
      %add3A_54 = arith.constant 1 : i32
      %add3A_55 = arith.addi %mul3A_34, %add3A_54 : i32
      %dma_wait3A_56 = arith.constant 0 : i32
      %dma_wait3A_57 = tpu.memref_slice %arg7[%add3A_55, %dma_wait3A_56] : memref<40x128xi32, #tpu.memory_space<vmem>> -> memref<1x128xi32, #tpu.memory_space<vmem>>
      %dma_wait3A_58 = tpu.memref_squeeze %dma_wait3A_57 : memref<1x128xi32, #tpu.memory_space<vmem>> -> memref<128xi32, #tpu.memory_space<vmem>>
      %dma_wait3A_59 = arith.constant 0 : i32
      %dma_wait3A_60 = arith.constant 0 : i32
      %dma_wait3A_61 = tpu.memref_slice %arg2[%dma_wait3A_59, %dma_wait3A_60] : memref<10000x128xf32, #tpu.memory_space<hbm>> -> memref<10000x128xf32, #tpu.memory_space<hbm>>
      tpu.wait_indirect_dma semaphore(%arg13 : memref<!tpu.dma_semaphore, #tpu.memory_space<semaphore_mem>>) src(%dma_wait3A_61 : memref<10000x128xf32, #tpu.memory_space<hbm>>) dst(%arg10 : memref<128x128xf32, #tpu.memory_space<vmem>>)
      %add3A_62 = arith.constant 1 : i32
      %add3A_63 = arith.addi %mul3A_34, %add3A_62 : i32
      "tpu.region"() ({
        %run_scoped3A = tpu.sem_alloc : memref<!tpu.dma_semaphore, #tpu.memory_space<semaphore_mem>>
        %dma_start3A_64 = arith.constant 0 : i32
        %dma_start3A_65 = tpu.memref_slice %arg8[%add3A_63, %dma_start3A_64] : memref<40x128xi32, #tpu.memory_space<vmem>> -> memref<1x128xi32, #tpu.memory_space<vmem>>
        %dma_start3A_66 = tpu.memref_squeeze %dma_start3A_65 : memref<1x128xi32, #tpu.memory_space<vmem>> -> memref<128xi32, #tpu.memory_space<vmem>>
        %dma_start3A_67 = arith.constant 0 : i32
        %dma_start3A_68 = arith.constant 0 : i32
        %dma_start3A_69 = tpu.memref_slice %arg11[%dma_start3A_67, %dma_start3A_68] : memref<10112x128xf32, #tpu.memory_space<vmem_shared>> -> memref<10112x128xf32, #tpu.memory_space<vmem_shared>>
        tpu.enqueue_indirect_dma source(%arg10 : memref<128x128xf32, #tpu.memory_space<vmem>>) target(%dma_start3A_69 : memref<10112x128xf32, #tpu.memory_space<vmem_shared>>) offsets(%dma_start3A_66 : memref<128xi32, #tpu.memory_space<vmem>>) semaphore(%run_scoped3A : memref<!tpu.dma_semaphore, #tpu.memory_space<semaphore_mem>>) {add = true}
        %dma_wait3A_70 = arith.constant 0 : i32
        %dma_wait3A_71 = tpu.memref_slice %arg8[%add3A_63, %dma_wait3A_70] : memref<40x128xi32, #tpu.memory_space<vmem>> -> memref<1x128xi32, #tpu.memory_space<vmem>>
        %dma_wait3A_72 = tpu.memref_squeeze %dma_wait3A_71 : memref<1x128xi32, #tpu.memory_space<vmem>> -> memref<128xi32, #tpu.memory_space<vmem>>
        %dma_wait3A_73 = arith.constant 0 : i32
        %dma_wait3A_74 = arith.constant 0 : i32
        %dma_wait3A_75 = tpu.memref_slice %arg11[%dma_wait3A_73, %dma_wait3A_74] : memref<10112x128xf32, #tpu.memory_space<vmem_shared>> -> memref<10112x128xf32, #tpu.memory_space<vmem_shared>>
        tpu.wait_indirect_dma semaphore(%run_scoped3A : memref<!tpu.dma_semaphore, #tpu.memory_space<semaphore_mem>>) src(%arg10 : memref<128x128xf32, #tpu.memory_space<vmem>>) dst(%dma_wait3A_75 : memref<10112x128xf32, #tpu.memory_space<vmem_shared>>)
        tpu.yield
      }) : () -> ()
    }
    %scan3A_26 = arith.constant 20 : i32
    %barrier3A_27 = arith.constant 0 : index
    tpu.barrier barrier_id(%barrier3A_27)
    %mul3A_28 = arith.constant 632 : i32
    %mul3A_29 = arith.muli %arg1, %mul3A_28 : i32
    %mul3A_30 = arith.constant 632 : i32
    %mul3A_31 = arith.muli %arg1, %mul3A_30 : i32
    "tpu.region"() ({
      %run_scoped3A = tpu.sem_alloc : memref<!tpu.dma_semaphore, #tpu.memory_space<semaphore_mem>>
      %dma_start3A_32 = arith.constant 0 : i32
      %dma_start3A_33 = tpu.memref_slice %arg6[%arg0, %mul3A_31, %dma_start3A_32] : memref<2x10112x128xf32, #tpu.memory_space<hbm>> -> memref<1x632x128xf32, #tpu.memory_space<hbm>>
      %dma_start3A_34 = tpu.memref_squeeze %dma_start3A_33 : memref<1x632x128xf32, #tpu.memory_space<hbm>> -> memref<632x128xf32, #tpu.memory_space<hbm>>
      %dma_start3A_35 = arith.constant 0 : i32
      %dma_start3A_36 = tpu.memref_slice %arg11[%mul3A_29, %dma_start3A_35] : memref<10112x128xf32, #tpu.memory_space<vmem_shared>> -> memref<632x128xf32, #tpu.memory_space<vmem_shared>>
      tpu.enqueue_dma source(%dma_start3A_36 : memref<632x128xf32, #tpu.memory_space<vmem_shared>>) target(%dma_start3A_34 : memref<632x128xf32, #tpu.memory_space<hbm>>) target_semaphore(%run_scoped3A : memref<!tpu.dma_semaphore, #tpu.memory_space<semaphore_mem>>)
      %dma_wait3A = arith.constant 0 : i32
      %dma_wait3A_37 = tpu.memref_slice %arg6[%arg0, %mul3A_31, %dma_wait3A] : memref<2x10112x128xf32, #tpu.memory_space<hbm>> -> memref<1x632x128xf32, #tpu.memory_space<hbm>>
      %dma_wait3A_38 = tpu.memref_squeeze %dma_wait3A_37 : memref<1x632x128xf32, #tpu.memory_space<hbm>> -> memref<632x128xf32, #tpu.memory_space<hbm>>
      %dma_wait3A_39 = arith.constant 0 : i32
      %dma_wait3A_40 = tpu.memref_slice %arg11[%mul3A_29, %dma_wait3A_39] : memref<10112x128xf32, #tpu.memory_space<vmem_shared>> -> memref<632x128xf32, #tpu.memory_space<vmem_shared>>
      tpu.wait_dma2 semaphore(%run_scoped3A : memref<!tpu.dma_semaphore, #tpu.memory_space<semaphore_mem>>) src(%dma_wait3A_40 : memref<632x128xf32, #tpu.memory_space<vmem_shared>>) dst(%dma_wait3A_38 : memref<632x128xf32, #tpu.memory_space<hbm>>)
      tpu.yield
    }) : () -> ()
    return
  }
}

#map = affine_map<(d0, d1) -> (0, 0)>
#map1 = affine_map<(d0, d1) -> (0, 0, 0)>
module attributes {stable_mosaic.version = 14 : i64} {
  func.func @scat_kernel(%arg0: i32, %arg1: i32, %arg2: memref<10000x128xf32, #tpu.memory_space<hbm>>, %arg3: memref<32x80x128xi32, #tpu.memory_space<hbm>>, %arg4: memref<32x80x128xi32, #tpu.memory_space<hbm>>, %arg5: memref<10112x128xf32, #tpu.memory_space<hbm>>, %arg6: memref<2x10112x128xf32, #tpu.memory_space<hbm>>, %arg7: memref<40x128xi32, #tpu.memory_space<vmem>>, %arg8: memref<40x128xi32, #tpu.memory_space<vmem>>, %arg9: memref<128x128xf32, #tpu.memory_space<vmem>>, %arg10: memref<128x128xf32, #tpu.memory_space<vmem>>, %arg11: memref<10112x128xf32, #tpu.memory_space<vmem_shared>>, %arg12: memref<!tpu.dma_semaphore, #tpu.memory_space<semaphore_mem>>, %arg13: memref<!tpu.dma_semaphore, #tpu.memory_space<semaphore_mem>>) attributes {dimension_semantics = [#tpu.dimension_semantics<core_parallel>, #tpu.dimension_semantics<subcore_parallel>], iteration_bounds = array<i64: 2, 16>, scalar_prefetch = 0 : i64, scratch_operands = 7 : i64, tpu.core_type = #tpu.core_type<sc_vector_subcore>, window_params = [{transform_indices = #map}, {transform_indices = #map1}, {transform_indices = #map1}, {transform_indices = #map}, {transform_indices = #map1}]} {
    %mul3A = arith.constant 16 : i32
    %mul3A_0 = arith.muli %arg0, %mul3A : i32
    %add3A = arith.addi %mul3A_0, %arg1 : i32
    %eq3A = arith.constant 0 : i32
    %eq3A_1 = arith.cmpi eq, %arg1, %eq3A : i32
    %convert_element_type3A = arith.extui %eq3A_1 : i1 to i32
    %cond3A = arith.constant 0 : i32
    %cond3A_2 = arith.cmpi ne, %convert_element_type3A, %cond3A : i32
    scf.if %cond3A_2 {
      "tpu.region"() ({
        %run_scoped3A = tpu.sem_alloc : memref<!tpu.dma_semaphore, #tpu.memory_space<semaphore_mem>>
        tpu.enqueue_dma source(%arg5 : memref<10112x128xf32, #tpu.memory_space<hbm>>) target(%arg11 : memref<10112x128xf32, #tpu.memory_space<vmem_shared>>) target_semaphore(%run_scoped3A : memref<!tpu.dma_semaphore, #tpu.memory_space<semaphore_mem>>)
        tpu.wait_dma2 semaphore(%run_scoped3A : memref<!tpu.dma_semaphore, #tpu.memory_space<semaphore_mem>>) src(%arg5 : memref<10112x128xf32, #tpu.memory_space<hbm>>) dst(%arg11 : memref<10112x128xf32, #tpu.memory_space<vmem_shared>>)
        tpu.yield
      }) : () -> ()
    } else {
    }
    %barrier3A = arith.constant 0 : index
    tpu.barrier barrier_id(%barrier3A)
    "tpu.region"() ({
      %run_scoped3A = tpu.sem_alloc : memref<!tpu.dma_semaphore, #tpu.memory_space<semaphore_mem>>
      %dma_start3A_32 = arith.constant 0 : i32
      %dma_start3A_33 = arith.constant 0 : i32
      %dma_start3A_34 = tpu.memref_slice %arg3[%add3A, %dma_start3A_32, %dma_start3A_33] : memref<32x80x128xi32, #tpu.memory_space<hbm>> -> memref<1x40x128xi32, #tpu.memory_space<hbm>>
      %dma_start3A_35 = tpu.memref_squeeze %dma_start3A_34 : memref<1x40x128xi32, #tpu.memory_space<hbm>> -> memref<40x128xi32, #tpu.memory_space<hbm>>
      %dma_start3A_36 = arith.constant 0 : i32
      %dma_start3A_37 = arith.constant 0 : i32
      %dma_start3A_38 = tpu.memref_slice %arg3[%add3A, %dma_start3A_36, %dma_start3A_37] : memref<32x80x128xi32, #tpu.memory_space<hbm>> -> memref<1x40x128xi32, #tpu.memory_space<hbm>>
      %dma_start3A_39 = tpu.memref_squeeze %dma_start3A_38 : memref<1x40x128xi32, #tpu.memory_space<hbm>> -> memref<40x128xi32, #tpu.memory_space<hbm>>
      tpu.enqueue_dma source(%dma_start3A_39 : memref<40x128xi32, #tpu.memory_space<hbm>>) target(%arg7 : memref<40x128xi32, #tpu.memory_space<vmem>>) target_semaphore(%run_scoped3A : memref<!tpu.dma_semaphore, #tpu.memory_space<semaphore_mem>>)
      %dma_wait3A = arith.constant 0 : i32
      %dma_wait3A_40 = arith.constant 0 : i32
      %dma_wait3A_41 = tpu.memref_slice %arg3[%add3A, %dma_wait3A, %dma_wait3A_40] : memref<32x80x128xi32, #tpu.memory_space<hbm>> -> memref<1x40x128xi32, #tpu.memory_space<hbm>>
      %dma_wait3A_42 = tpu.memref_squeeze %dma_wait3A_41 : memref<1x40x128xi32, #tpu.memory_space<hbm>> -> memref<40x128xi32, #tpu.memory_space<hbm>>
      %dma_wait3A_43 = arith.constant 0 : i32
      %dma_wait3A_44 = arith.constant 0 : i32
      %dma_wait3A_45 = tpu.memref_slice %arg3[%add3A, %dma_wait3A_43, %dma_wait3A_44] : memref<32x80x128xi32, #tpu.memory_space<hbm>> -> memref<1x40x128xi32, #tpu.memory_space<hbm>>
      %dma_wait3A_46 = tpu.memref_squeeze %dma_wait3A_45 : memref<1x40x128xi32, #tpu.memory_space<hbm>> -> memref<40x128xi32, #tpu.memory_space<hbm>>
      tpu.wait_dma2 semaphore(%run_scoped3A : memref<!tpu.dma_semaphore, #tpu.memory_space<semaphore_mem>>) src(%dma_wait3A_46 : memref<40x128xi32, #tpu.memory_space<hbm>>) dst(%arg7 : memref<40x128xi32, #tpu.memory_space<vmem>>)
      tpu.yield
    }) : () -> ()
    "tpu.region"() ({
      %run_scoped3A = tpu.sem_alloc : memref<!tpu.dma_semaphore, #tpu.memory_space<semaphore_mem>>
      %dma_start3A_32 = arith.constant 0 : i32
      %dma_start3A_33 = arith.constant 0 : i32
      %dma_start3A_34 = tpu.memref_slice %arg4[%add3A, %dma_start3A_32, %dma_start3A_33] : memref<32x80x128xi32, #tpu.memory_space<hbm>> -> memref<1x40x128xi32, #tpu.memory_space<hbm>>
      %dma_start3A_35 = tpu.memref_squeeze %dma_start3A_34 : memref<1x40x128xi32, #tpu.memory_space<hbm>> -> memref<40x128xi32, #tpu.memory_space<hbm>>
      %dma_start3A_36 = arith.constant 0 : i32
      %dma_start3A_37 = arith.constant 0 : i32
      %dma_start3A_38 = tpu.memref_slice %arg4[%add3A, %dma_start3A_36, %dma_start3A_37] : memref<32x80x128xi32, #tpu.memory_space<hbm>> -> memref<1x40x128xi32, #tpu.memory_space<hbm>>
      %dma_start3A_39 = tpu.memref_squeeze %dma_start3A_38 : memref<1x40x128xi32, #tpu.memory_space<hbm>> -> memref<40x128xi32, #tpu.memory_space<hbm>>
      tpu.enqueue_dma source(%dma_start3A_39 : memref<40x128xi32, #tpu.memory_space<hbm>>) target(%arg8 : memref<40x128xi32, #tpu.memory_space<vmem>>) target_semaphore(%run_scoped3A : memref<!tpu.dma_semaphore, #tpu.memory_space<semaphore_mem>>)
      %dma_wait3A = arith.constant 0 : i32
      %dma_wait3A_40 = arith.constant 0 : i32
      %dma_wait3A_41 = tpu.memref_slice %arg4[%add3A, %dma_wait3A, %dma_wait3A_40] : memref<32x80x128xi32, #tpu.memory_space<hbm>> -> memref<1x40x128xi32, #tpu.memory_space<hbm>>
      %dma_wait3A_42 = tpu.memref_squeeze %dma_wait3A_41 : memref<1x40x128xi32, #tpu.memory_space<hbm>> -> memref<40x128xi32, #tpu.memory_space<hbm>>
      %dma_wait3A_43 = arith.constant 0 : i32
      %dma_wait3A_44 = arith.constant 0 : i32
      %dma_wait3A_45 = tpu.memref_slice %arg4[%add3A, %dma_wait3A_43, %dma_wait3A_44] : memref<32x80x128xi32, #tpu.memory_space<hbm>> -> memref<1x40x128xi32, #tpu.memory_space<hbm>>
      %dma_wait3A_46 = tpu.memref_squeeze %dma_wait3A_45 : memref<1x40x128xi32, #tpu.memory_space<hbm>> -> memref<40x128xi32, #tpu.memory_space<hbm>>
      tpu.wait_dma2 semaphore(%run_scoped3A : memref<!tpu.dma_semaphore, #tpu.memory_space<semaphore_mem>>) src(%dma_wait3A_46 : memref<40x128xi32, #tpu.memory_space<hbm>>) dst(%arg8 : memref<40x128xi32, #tpu.memory_space<vmem>>)
      tpu.yield
    }) : () -> ()
    %dma_start3A = arith.constant 0 : i32
    %dma_start3A_3 = arith.constant 0 : i32
    %dma_start3A_4 = tpu.memref_slice %arg7[%dma_start3A, %dma_start3A_3] : memref<40x128xi32, #tpu.memory_space<vmem>> -> memref<1x128xi32, #tpu.memory_space<vmem>>
    %dma_start3A_5 = tpu.memref_squeeze %dma_start3A_4 : memref<1x128xi32, #tpu.memory_space<vmem>> -> memref<128xi32, #tpu.memory_space<vmem>>
    %dma_start3A_6 = arith.constant 0 : i32
    %dma_start3A_7 = arith.constant 0 : i32
    %dma_start3A_8 = tpu.memref_slice %arg2[%dma_start3A_6, %dma_start3A_7] : memref<10000x128xf32, #tpu.memory_space<hbm>> -> memref<10000x128xf32, #tpu.memory_space<hbm>>
    tpu.enqueue_indirect_dma source(%dma_start3A_8 : memref<10000x128xf32, #tpu.memory_space<hbm>>) target(%arg9 : memref<128x128xf32, #tpu.memory_space<vmem>>) offsets(%dma_start3A_5 : memref<128xi32, #tpu.memory_space<vmem>>) semaphore(%arg12 : memref<!tpu.dma_semaphore, #tpu.memory_space<semaphore_mem>>)
    %scan3A = arith.constant 0 : i32
    %scan3A_9 = arith.constant 0 : i32
    %scan3A_10 = arith.constant 20 : i32
    %scan3A_11 = arith.addi %scan3A_9, %scan3A_10 : i32
    %scan3A_12 = arith.constant 1 : i32
    scf.for %scan3A_32 = %scan3A_9 to %scan3A_11 step %scan3A_12  : i32 {
      %mul3A_33 = arith.constant 2 : i32
      %mul3A_34 = arith.muli %mul3A_33, %scan3A_32 : i32
      %add3A_35 = arith.constant 1 : i32
      %add3A_36 = arith.addi %mul3A_34, %add3A_35 : i32
      %dma_start3A_37 = arith.constant 0 : i32
      %dma_start3A_38 = tpu.memref_slice %arg7[%add3A_36, %dma_start3A_37] : memref<40x128xi32, #tpu.memory_space<vmem>> -> memref<1x128xi32, #tpu.memory_space<vmem>>
      %dma_start3A_39 = tpu.memref_squeeze %dma_start3A_38 : memref<1x128xi32, #tpu.memory_space<vmem>> -> memref<128xi32, #tpu.memory_space<vmem>>
      %dma_start3A_40 = arith.constant 0 : i32
      %dma_start3A_41 = arith.constant 0 : i32
      %dma_start3A_42 = tpu.memref_slice %arg2[%dma_start3A_40, %dma_start3A_41] : memref<10000x128xf32, #tpu.memory_space<hbm>> -> memref<10000x128xf32, #tpu.memory_space<hbm>>
      tpu.enqueue_indirect_dma source(%dma_start3A_42 : memref<10000x128xf32, #tpu.memory_space<hbm>>) target(%arg10 : memref<128x128xf32, #tpu.memory_space<vmem>>) offsets(%dma_start3A_39 : memref<128xi32, #tpu.memory_space<vmem>>) semaphore(%arg13 : memref<!tpu.dma_semaphore, #tpu.memory_space<semaphore_mem>>)
      %dma_wait3A = arith.constant 0 : i32
      %dma_wait3A_43 = tpu.memref_slice %arg7[%mul3A_34, %dma_wait3A] : memref<40x128xi32, #tpu.memory_space<vmem>> -> memref<1x128xi32, #tpu.memory_space<vmem>>
      %dma_wait3A_44 = tpu.memref_squeeze %dma_wait3A_43 : memref<1x128xi32, #tpu.memory_space<vmem>> -> memref<128xi32, #tpu.memory_space<vmem>>
      %dma_wait3A_45 = arith.constant 0 : i32
      %dma_wait3A_46 = arith.constant 0 : i32
      %dma_wait3A_47 = tpu.memref_slice %arg2[%dma_wait3A_45, %dma_wait3A_46] : memref<10000x128xf32, #tpu.memory_space<hbm>> -> memref<10000x128xf32, #tpu.memory_space<hbm>>
      tpu.wait_indirect_dma semaphore(%arg12 : memref<!tpu.dma_semaphore, #tpu.memory_space<semaphore_mem>>) src(%dma_wait3A_47 : memref<10000x128xf32, #tpu.memory_space<hbm>>) dst(%arg9 : memref<128x128xf32, #tpu.memory_space<vmem>>)
      "tpu.region"() ({
        %run_scoped3A = tpu.sem_alloc : memref<!tpu.dma_semaphore, #tpu.memory_space<semaphore_mem>>
        %dma_start3A_64 = arith.constant 0 : i32
        %dma_start3A_65 = tpu.memref_slice %arg8[%mul3A_34, %dma_start3A_64] : memref<40x128xi32, #tpu.memory_space<vmem>> -> memref<1x128xi32, #tpu.memory_space<vmem>>
        %dma_start3A_66 = tpu.memref_squeeze %dma_start3A_65 : memref<1x128xi32, #tpu.memory_space<vmem>> -> memref<128xi32, #tpu.memory_space<vmem>>
        %dma_start3A_67 = arith.constant 0 : i32
        %dma_start3A_68 = arith.constant 0 : i32
        %dma_start3A_69 = tpu.memref_slice %arg11[%dma_start3A_67, %dma_start3A_68] : memref<10112x128xf32, #tpu.memory_space<vmem_shared>> -> memref<10112x128xf32, #tpu.memory_space<vmem_shared>>
        tpu.enqueue_indirect_dma source(%arg9 : memref<128x128xf32, #tpu.memory_space<vmem>>) target(%dma_start3A_69 : memref<10112x128xf32, #tpu.memory_space<vmem_shared>>) offsets(%dma_start3A_66 : memref<128xi32, #tpu.memory_space<vmem>>) semaphore(%run_scoped3A : memref<!tpu.dma_semaphore, #tpu.memory_space<semaphore_mem>>) {add = true}
        %dma_wait3A_70 = arith.constant 0 : i32
        %dma_wait3A_71 = tpu.memref_slice %arg8[%mul3A_34, %dma_wait3A_70] : memref<40x128xi32, #tpu.memory_space<vmem>> -> memref<1x128xi32, #tpu.memory_space<vmem>>
        %dma_wait3A_72 = tpu.memref_squeeze %dma_wait3A_71 : memref<1x128xi32, #tpu.memory_space<vmem>> -> memref<128xi32, #tpu.memory_space<vmem>>
        %dma_wait3A_73 = arith.constant 0 : i32
        %dma_wait3A_74 = arith.constant 0 : i32
        %dma_wait3A_75 = tpu.memref_slice %arg11[%dma_wait3A_73, %dma_wait3A_74] : memref<10112x128xf32, #tpu.memory_space<vmem_shared>> -> memref<10112x128xf32, #tpu.memory_space<vmem_shared>>
        tpu.wait_indirect_dma semaphore(%run_scoped3A : memref<!tpu.dma_semaphore, #tpu.memory_space<semaphore_mem>>) src(%arg9 : memref<128x128xf32, #tpu.memory_space<vmem>>) dst(%dma_wait3A_75 : memref<10112x128xf32, #tpu.memory_space<vmem_shared>>)
        tpu.yield
      }) : () -> ()
      %add3A_48 = arith.constant 2 : i32
      %add3A_49 = arith.addi %mul3A_34, %add3A_48 : i32
      %lt3A = arith.constant 40 : i32
      %lt3A_50 = arith.cmpi slt, %add3A_49, %lt3A : i32
      %convert_element_type3A_51 = arith.extui %lt3A_50 : i1 to i32
      %cond3A_52 = arith.constant 0 : i32
      %cond3A_53 = arith.cmpi ne, %convert_element_type3A_51, %cond3A_52 : i32
      scf.if %cond3A_53 {
        %add3A_64 = arith.constant 2 : i32
        %add3A_65 = arith.addi %mul3A_34, %add3A_64 : i32
        %dma_start3A_66 = arith.constant 0 : i32
        %dma_start3A_67 = tpu.memref_slice %arg7[%add3A_65, %dma_start3A_66] : memref<40x128xi32, #tpu.memory_space<vmem>> -> memref<1x128xi32, #tpu.memory_space<vmem>>
        %dma_start3A_68 = tpu.memref_squeeze %dma_start3A_67 : memref<1x128xi32, #tpu.memory_space<vmem>> -> memref<128xi32, #tpu.memory_space<vmem>>
        %dma_start3A_69 = arith.constant 0 : i32
        %dma_start3A_70 = arith.constant 0 : i32
        %dma_start3A_71 = tpu.memref_slice %arg2[%dma_start3A_69, %dma_start3A_70] : memref<10000x128xf32, #tpu.memory_space<hbm>> -> memref<10000x128xf32, #tpu.memory_space<hbm>>
        tpu.enqueue_indirect_dma source(%dma_start3A_71 : memref<10000x128xf32, #tpu.memory_space<hbm>>) target(%arg9 : memref<128x128xf32, #tpu.memory_space<vmem>>) offsets(%dma_start3A_68 : memref<128xi32, #tpu.memory_space<vmem>>) semaphore(%arg12 : memref<!tpu.dma_semaphore, #tpu.memory_space<semaphore_mem>>)
      } else {
      }
      %add3A_54 = arith.constant 1 : i32
      %add3A_55 = arith.addi %mul3A_34, %add3A_54 : i32
      %dma_wait3A_56 = arith.constant 0 : i32
      %dma_wait3A_57 = tpu.memref_slice %arg7[%add3A_55, %dma_wait3A_56] : memref<40x128xi32, #tpu.memory_space<vmem>> -> memref<1x128xi32, #tpu.memory_space<vmem>>
      %dma_wait3A_58 = tpu.memref_squeeze %dma_wait3A_57 : memref<1x128xi32, #tpu.memory_space<vmem>> -> memref<128xi32, #tpu.memory_space<vmem>>
      %dma_wait3A_59 = arith.constant 0 : i32
      %dma_wait3A_60 = arith.constant 0 : i32
      %dma_wait3A_61 = tpu.memref_slice %arg2[%dma_wait3A_59, %dma_wait3A_60] : memref<10000x128xf32, #tpu.memory_space<hbm>> -> memref<10000x128xf32, #tpu.memory_space<hbm>>
      tpu.wait_indirect_dma semaphore(%arg13 : memref<!tpu.dma_semaphore, #tpu.memory_space<semaphore_mem>>) src(%dma_wait3A_61 : memref<10000x128xf32, #tpu.memory_space<hbm>>) dst(%arg10 : memref<128x128xf32, #tpu.memory_space<vmem>>)
      %add3A_62 = arith.constant 1 : i32
      %add3A_63 = arith.addi %mul3A_34, %add3A_62 : i32
      "tpu.region"() ({
        %run_scoped3A = tpu.sem_alloc : memref<!tpu.dma_semaphore, #tpu.memory_space<semaphore_mem>>
        %dma_start3A_64 = arith.constant 0 : i32
        %dma_start3A_65 = tpu.memref_slice %arg8[%add3A_63, %dma_start3A_64] : memref<40x128xi32, #tpu.memory_space<vmem>> -> memref<1x128xi32, #tpu.memory_space<vmem>>
        %dma_start3A_66 = tpu.memref_squeeze %dma_start3A_65 : memref<1x128xi32, #tpu.memory_space<vmem>> -> memref<128xi32, #tpu.memory_space<vmem>>
        %dma_start3A_67 = arith.constant 0 : i32
        %dma_start3A_68 = arith.constant 0 : i32
        %dma_start3A_69 = tpu.memref_slice %arg11[%dma_start3A_67, %dma_start3A_68] : memref<10112x128xf32, #tpu.memory_space<vmem_shared>> -> memref<10112x128xf32, #tpu.memory_space<vmem_shared>>
        tpu.enqueue_indirect_dma source(%arg10 : memref<128x128xf32, #tpu.memory_space<vmem>>) target(%dma_start3A_69 : memref<10112x128xf32, #tpu.memory_space<vmem_shared>>) offsets(%dma_start3A_66 : memref<128xi32, #tpu.memory_space<vmem>>) semaphore(%run_scoped3A : memref<!tpu.dma_semaphore, #tpu.memory_space<semaphore_mem>>) {add = true}
        %dma_wait3A_70 = arith.constant 0 : i32
        %dma_wait3A_71 = tpu.memref_slice %arg8[%add3A_63, %dma_wait3A_70] : memref<40x128xi32, #tpu.memory_space<vmem>> -> memref<1x128xi32, #tpu.memory_space<vmem>>
        %dma_wait3A_72 = tpu.memref_squeeze %dma_wait3A_71 : memref<1x128xi32, #tpu.memory_space<vmem>> -> memref<128xi32, #tpu.memory_space<vmem>>
        %dma_wait3A_73 = arith.constant 0 : i32
        %dma_wait3A_74 = arith.constant 0 : i32
        %dma_wait3A_75 = tpu.memref_slice %arg11[%dma_wait3A_73, %dma_wait3A_74] : memref<10112x128xf32, #tpu.memory_space<vmem_shared>> -> memref<10112x128xf32, #tpu.memory_space<vmem_shared>>
        tpu.wait_indirect_dma semaphore(%run_scoped3A : memref<!tpu.dma_semaphore, #tpu.memory_space<semaphore_mem>>) src(%arg10 : memref<128x128xf32, #tpu.memory_space<vmem>>) dst(%dma_wait3A_75 : memref<10112x128xf32, #tpu.memory_space<vmem_shared>>)
        tpu.yield
      }) : () -> ()
    }
    %scan3A_13 = arith.constant 20 : i32
    "tpu.region"() ({
      %run_scoped3A = tpu.sem_alloc : memref<!tpu.dma_semaphore, #tpu.memory_space<semaphore_mem>>
      %dma_start3A_32 = arith.constant 40 : i32
      %dma_start3A_33 = arith.constant 0 : i32
      %dma_start3A_34 = tpu.memref_slice %arg3[%add3A, %dma_start3A_32, %dma_start3A_33] : memref<32x80x128xi32, #tpu.memory_space<hbm>> -> memref<1x40x128xi32, #tpu.memory_space<hbm>>
      %dma_start3A_35 = tpu.memref_squeeze %dma_start3A_34 : memref<1x40x128xi32, #tpu.memory_space<hbm>> -> memref<40x128xi32, #tpu.memory_space<hbm>>
      %dma_start3A_36 = arith.constant 40 : i32
      %dma_start3A_37 = arith.constant 0 : i32
      %dma_start3A_38 = tpu.memref_slice %arg3[%add3A, %dma_start3A_36, %dma_start3A_37] : memref<32x80x128xi32, #tpu.memory_space<hbm>> -> memref<1x40x128xi32, #tpu.memory_space<hbm>>
      %dma_start3A_39 = tpu.memref_squeeze %dma_start3A_38 : memref<1x40x128xi32, #tpu.memory_space<hbm>> -> memref<40x128xi32, #tpu.memory_space<hbm>>
      tpu.enqueue_dma source(%dma_start3A_39 : memref<40x128xi32, #tpu.memory_space<hbm>>) target(%arg7 : memref<40x128xi32, #tpu.memory_space<vmem>>) target_semaphore(%run_scoped3A : memref<!tpu.dma_semaphore, #tpu.memory_space<semaphore_mem>>)
      %dma_wait3A = arith.constant 40 : i32
      %dma_wait3A_40 = arith.constant 0 : i32
      %dma_wait3A_41 = tpu.memref_slice %arg3[%add3A, %dma_wait3A, %dma_wait3A_40] : memref<32x80x128xi32, #tpu.memory_space<hbm>> -> memref<1x40x128xi32, #tpu.memory_space<hbm>>
      %dma_wait3A_42 = tpu.memref_squeeze %dma_wait3A_41 : memref<1x40x128xi32, #tpu.memory_space<hbm>> -> memref<40x128xi32, #tpu.memory_space<hbm>>
      %dma_wait3A_43 = arith.constant 40 : i32
      %dma_wait3A_44 = arith.constant 0 : i32
      %dma_wait3A_45 = tpu.memref_slice %arg3[%add3A, %dma_wait3A_43, %dma_wait3A_44] : memref<32x80x128xi32, #tpu.memory_space<hbm>> -> memref<1x40x128xi32, #tpu.memory_space<hbm>>
      %dma_wait3A_46 = tpu.memref_squeeze %dma_wait3A_45 : memref<1x40x128xi32, #tpu.memory_space<hbm>> -> memref<40x128xi32, #tpu.memory_space<hbm>>
      tpu.wait_dma2 semaphore(%run_scoped3A : memref<!tpu.dma_semaphore, #tpu.memory_space<semaphore_mem>>) src(%dma_wait3A_46 : memref<40x128xi32, #tpu.memory_space<hbm>>) dst(%arg7 : memref<40x128xi32, #tpu.memory_space<vmem>>)
      tpu.yield
    }) : () -> ()
    "tpu.region"() ({
      %run_scoped3A = tpu.sem_alloc : memref<!tpu.dma_semaphore, #tpu.memory_space<semaphore_mem>>
      %dma_start3A_32 = arith.constant 40 : i32
      %dma_start3A_33 = arith.constant 0 : i32
      %dma_start3A_34 = tpu.memref_slice %arg4[%add3A, %dma_start3A_32, %dma_start3A_33] : memref<32x80x128xi32, #tpu.memory_space<hbm>> -> memref<1x40x128xi32, #tpu.memory_space<hbm>>
      %dma_start3A_35 = tpu.memref_squeeze %dma_start3A_34 : memref<1x40x128xi32, #tpu.memory_space<hbm>> -> memref<40x128xi32, #tpu.memory_space<hbm>>
      %dma_start3A_36 = arith.constant 40 : i32
      %dma_start3A_37 = arith.constant 0 : i32
      %dma_start3A_38 = tpu.memref_slice %arg4[%add3A, %dma_start3A_36, %dma_start3A_37] : memref<32x80x128xi32, #tpu.memory_space<hbm>> -> memref<1x40x128xi32, #tpu.memory_space<hbm>>
      %dma_start3A_39 = tpu.memref_squeeze %dma_start3A_38 : memref<1x40x128xi32, #tpu.memory_space<hbm>> -> memref<40x128xi32, #tpu.memory_space<hbm>>
      tpu.enqueue_dma source(%dma_start3A_39 : memref<40x128xi32, #tpu.memory_space<hbm>>) target(%arg8 : memref<40x128xi32, #tpu.memory_space<vmem>>) target_semaphore(%run_scoped3A : memref<!tpu.dma_semaphore, #tpu.memory_space<semaphore_mem>>)
      %dma_wait3A = arith.constant 40 : i32
      %dma_wait3A_40 = arith.constant 0 : i32
      %dma_wait3A_41 = tpu.memref_slice %arg4[%add3A, %dma_wait3A, %dma_wait3A_40] : memref<32x80x128xi32, #tpu.memory_space<hbm>> -> memref<1x40x128xi32, #tpu.memory_space<hbm>>
      %dma_wait3A_42 = tpu.memref_squeeze %dma_wait3A_41 : memref<1x40x128xi32, #tpu.memory_space<hbm>> -> memref<40x128xi32, #tpu.memory_space<hbm>>
      %dma_wait3A_43 = arith.constant 40 : i32
      %dma_wait3A_44 = arith.constant 0 : i32
      %dma_wait3A_45 = tpu.memref_slice %arg4[%add3A, %dma_wait3A_43, %dma_wait3A_44] : memref<32x80x128xi32, #tpu.memory_space<hbm>> -> memref<1x40x128xi32, #tpu.memory_space<hbm>>
      %dma_wait3A_46 = tpu.memref_squeeze %dma_wait3A_45 : memref<1x40x128xi32, #tpu.memory_space<hbm>> -> memref<40x128xi32, #tpu.memory_space<hbm>>
      tpu.wait_dma2 semaphore(%run_scoped3A : memref<!tpu.dma_semaphore, #tpu.memory_space<semaphore_mem>>) src(%dma_wait3A_46 : memref<40x128xi32, #tpu.memory_space<hbm>>) dst(%arg8 : memref<40x128xi32, #tpu.memory_space<vmem>>)
      tpu.yield
    }) : () -> ()
    %dma_start3A_14 = arith.constant 0 : i32
    %dma_start3A_15 = arith.constant 0 : i32
    %dma_start3A_16 = tpu.memref_slice %arg7[%dma_start3A_14, %dma_start3A_15] : memref<40x128xi32, #tpu.memory_space<vmem>> -> memref<1x128xi32, #tpu.memory_space<vmem>>
    %dma_start3A_17 = tpu.memref_squeeze %dma_start3A_16 : memref<1x128xi32, #tpu.memory_space<vmem>> -> memref<128xi32, #tpu.memory_space<vmem>>
    %dma_start3A_18 = arith.constant 0 : i32
    %dma_start3A_19 = arith.constant 0 : i32
    %dma_start3A_20 = tpu.memref_slice %arg2[%dma_start3A_18, %dma_start3A_19] : memref<10000x128xf32, #tpu.memory_space<hbm>> -> memref<10000x128xf32, #tpu.memory_space<hbm>>
    tpu.enqueue_indirect_dma source(%dma_start3A_20 : memref<10000x128xf32, #tpu.memory_space<hbm>>) target(%arg9 : memref<128x128xf32, #tpu.memory_space<vmem>>) offsets(%dma_start3A_17 : memref<128xi32, #tpu.memory_space<vmem>>) semaphore(%arg12 : memref<!tpu.dma_semaphore, #tpu.memory_space<semaphore_mem>>)
    %scan3A_21 = arith.constant 0 : i32
    %scan3A_22 = arith.constant 0 : i32
    %scan3A_23 = arith.constant 20 : i32
    %scan3A_24 = arith.addi %scan3A_22, %scan3A_23 : i32
    %scan3A_25 = arith.constant 1 : i32
    scf.for %scan3A_32 = %scan3A_22 to %scan3A_24 step %scan3A_25  : i32 {
      %mul3A_33 = arith.constant 2 : i32
      %mul3A_34 = arith.muli %mul3A_33, %scan3A_32 : i32
      %add3A_35 = arith.constant 1 : i32
      %add3A_36 = arith.addi %mul3A_34, %add3A_35 : i32
      %dma_start3A_37 = arith.constant 0 : i32
      %dma_start3A_38 = tpu.memref_slice %arg7[%add3A_36, %dma_start3A_37] : memref<40x128xi32, #tpu.memory_space<vmem>> -> memref<1x128xi32, #tpu.memory_space<vmem>>
      %dma_start3A_39 = tpu.memref_squeeze %dma_start3A_38 : memref<1x128xi32, #tpu.memory_space<vmem>> -> memref<128xi32, #tpu.memory_space<vmem>>
      %dma_start3A_40 = arith.constant 0 : i32
      %dma_start3A_41 = arith.constant 0 : i32
      %dma_start3A_42 = tpu.memref_slice %arg2[%dma_start3A_40, %dma_start3A_41] : memref<10000x128xf32, #tpu.memory_space<hbm>> -> memref<10000x128xf32, #tpu.memory_space<hbm>>
      tpu.enqueue_indirect_dma source(%dma_start3A_42 : memref<10000x128xf32, #tpu.memory_space<hbm>>) target(%arg10 : memref<128x128xf32, #tpu.memory_space<vmem>>) offsets(%dma_start3A_39 : memref<128xi32, #tpu.memory_space<vmem>>) semaphore(%arg13 : memref<!tpu.dma_semaphore, #tpu.memory_space<semaphore_mem>>)
      %dma_wait3A = arith.constant 0 : i32
      %dma_wait3A_43 = tpu.memref_slice %arg7[%mul3A_34, %dma_wait3A] : memref<40x128xi32, #tpu.memory_space<vmem>> -> memref<1x128xi32, #tpu.memory_space<vmem>>
      %dma_wait3A_44 = tpu.memref_squeeze %dma_wait3A_43 : memref<1x128xi32, #tpu.memory_space<vmem>> -> memref<128xi32, #tpu.memory_space<vmem>>
      %dma_wait3A_45 = arith.constant 0 : i32
      %dma_wait3A_46 = arith.constant 0 : i32
      %dma_wait3A_47 = tpu.memref_slice %arg2[%dma_wait3A_45, %dma_wait3A_46] : memref<10000x128xf32, #tpu.memory_space<hbm>> -> memref<10000x128xf32, #tpu.memory_space<hbm>>
      tpu.wait_indirect_dma semaphore(%arg12 : memref<!tpu.dma_semaphore, #tpu.memory_space<semaphore_mem>>) src(%dma_wait3A_47 : memref<10000x128xf32, #tpu.memory_space<hbm>>) dst(%arg9 : memref<128x128xf32, #tpu.memory_space<vmem>>)
      "tpu.region"() ({
        %run_scoped3A = tpu.sem_alloc : memref<!tpu.dma_semaphore, #tpu.memory_space<semaphore_mem>>
        %dma_start3A_64 = arith.constant 0 : i32
        %dma_start3A_65 = tpu.memref_slice %arg8[%mul3A_34, %dma_start3A_64] : memref<40x128xi32, #tpu.memory_space<vmem>> -> memref<1x128xi32, #tpu.memory_space<vmem>>
        %dma_start3A_66 = tpu.memref_squeeze %dma_start3A_65 : memref<1x128xi32, #tpu.memory_space<vmem>> -> memref<128xi32, #tpu.memory_space<vmem>>
        %dma_start3A_67 = arith.constant 0 : i32
        %dma_start3A_68 = arith.constant 0 : i32
        %dma_start3A_69 = tpu.memref_slice %arg11[%dma_start3A_67, %dma_start3A_68] : memref<10112x128xf32, #tpu.memory_space<vmem_shared>> -> memref<10112x128xf32, #tpu.memory_space<vmem_shared>>
        tpu.enqueue_indirect_dma source(%arg9 : memref<128x128xf32, #tpu.memory_space<vmem>>) target(%dma_start3A_69 : memref<10112x128xf32, #tpu.memory_space<vmem_shared>>) offsets(%dma_start3A_66 : memref<128xi32, #tpu.memory_space<vmem>>) semaphore(%run_scoped3A : memref<!tpu.dma_semaphore, #tpu.memory_space<semaphore_mem>>) {add = true}
        %dma_wait3A_70 = arith.constant 0 : i32
        %dma_wait3A_71 = tpu.memref_slice %arg8[%mul3A_34, %dma_wait3A_70] : memref<40x128xi32, #tpu.memory_space<vmem>> -> memref<1x128xi32, #tpu.memory_space<vmem>>
        %dma_wait3A_72 = tpu.memref_squeeze %dma_wait3A_71 : memref<1x128xi32, #tpu.memory_space<vmem>> -> memref<128xi32, #tpu.memory_space<vmem>>
        %dma_wait3A_73 = arith.constant 0 : i32
        %dma_wait3A_74 = arith.constant 0 : i32
        %dma_wait3A_75 = tpu.memref_slice %arg11[%dma_wait3A_73, %dma_wait3A_74] : memref<10112x128xf32, #tpu.memory_space<vmem_shared>> -> memref<10112x128xf32, #tpu.memory_space<vmem_shared>>
        tpu.wait_indirect_dma semaphore(%run_scoped3A : memref<!tpu.dma_semaphore, #tpu.memory_space<semaphore_mem>>) src(%arg9 : memref<128x128xf32, #tpu.memory_space<vmem>>) dst(%dma_wait3A_75 : memref<10112x128xf32, #tpu.memory_space<vmem_shared>>)
        tpu.yield
      }) : () -> ()
      %add3A_48 = arith.constant 2 : i32
      %add3A_49 = arith.addi %mul3A_34, %add3A_48 : i32
      %lt3A = arith.constant 40 : i32
      %lt3A_50 = arith.cmpi slt, %add3A_49, %lt3A : i32
      %convert_element_type3A_51 = arith.extui %lt3A_50 : i1 to i32
      %cond3A_52 = arith.constant 0 : i32
      %cond3A_53 = arith.cmpi ne, %convert_element_type3A_51, %cond3A_52 : i32
      scf.if %cond3A_53 {
        %add3A_64 = arith.constant 2 : i32
        %add3A_65 = arith.addi %mul3A_34, %add3A_64 : i32
        %dma_start3A_66 = arith.constant 0 : i32
        %dma_start3A_67 = tpu.memref_slice %arg7[%add3A_65, %dma_start3A_66] : memref<40x128xi32, #tpu.memory_space<vmem>> -> memref<1x128xi32, #tpu.memory_space<vmem>>
        %dma_start3A_68 = tpu.memref_squeeze %dma_start3A_67 : memref<1x128xi32, #tpu.memory_space<vmem>> -> memref<128xi32, #tpu.memory_space<vmem>>
        %dma_start3A_69 = arith.constant 0 : i32
        %dma_start3A_70 = arith.constant 0 : i32
        %dma_start3A_71 = tpu.memref_slice %arg2[%dma_start3A_69, %dma_start3A_70] : memref<10000x128xf32, #tpu.memory_space<hbm>> -> memref<10000x128xf32, #tpu.memory_space<hbm>>
        tpu.enqueue_indirect_dma source(%dma_start3A_71 : memref<10000x128xf32, #tpu.memory_space<hbm>>) target(%arg9 : memref<128x128xf32, #tpu.memory_space<vmem>>) offsets(%dma_start3A_68 : memref<128xi32, #tpu.memory_space<vmem>>) semaphore(%arg12 : memref<!tpu.dma_semaphore, #tpu.memory_space<semaphore_mem>>)
      } else {
      }
      %add3A_54 = arith.constant 1 : i32
      %add3A_55 = arith.addi %mul3A_34, %add3A_54 : i32
      %dma_wait3A_56 = arith.constant 0 : i32
      %dma_wait3A_57 = tpu.memref_slice %arg7[%add3A_55, %dma_wait3A_56] : memref<40x128xi32, #tpu.memory_space<vmem>> -> memref<1x128xi32, #tpu.memory_space<vmem>>
      %dma_wait3A_58 = tpu.memref_squeeze %dma_wait3A_57 : memref<1x128xi32, #tpu.memory_space<vmem>> -> memref<128xi32, #tpu.memory_space<vmem>>
      %dma_wait3A_59 = arith.constant 0 : i32
      %dma_wait3A_60 = arith.constant 0 : i32
      %dma_wait3A_61 = tpu.memref_slice %arg2[%dma_wait3A_59, %dma_wait3A_60] : memref<10000x128xf32, #tpu.memory_space<hbm>> -> memref<10000x128xf32, #tpu.memory_space<hbm>>
      tpu.wait_indirect_dma semaphore(%arg13 : memref<!tpu.dma_semaphore, #tpu.memory_space<semaphore_mem>>) src(%dma_wait3A_61 : memref<10000x128xf32, #tpu.memory_space<hbm>>) dst(%arg10 : memref<128x128xf32, #tpu.memory_space<vmem>>)
      %add3A_62 = arith.constant 1 : i32
      %add3A_63 = arith.addi %mul3A_34, %add3A_62 : i32
      "tpu.region"() ({
        %run_scoped3A = tpu.sem_alloc : memref<!tpu.dma_semaphore, #tpu.memory_space<semaphore_mem>>
        %dma_start3A_64 = arith.constant 0 : i32
        %dma_start3A_65 = tpu.memref_slice %arg8[%add3A_63, %dma_start3A_64] : memref<40x128xi32, #tpu.memory_space<vmem>> -> memref<1x128xi32, #tpu.memory_space<vmem>>
        %dma_start3A_66 = tpu.memref_squeeze %dma_start3A_65 : memref<1x128xi32, #tpu.memory_space<vmem>> -> memref<128xi32, #tpu.memory_space<vmem>>
        %dma_start3A_67 = arith.constant 0 : i32
        %dma_start3A_68 = arith.constant 0 : i32
        %dma_start3A_69 = tpu.memref_slice %arg11[%dma_start3A_67, %dma_start3A_68] : memref<10112x128xf32, #tpu.memory_space<vmem_shared>> -> memref<10112x128xf32, #tpu.memory_space<vmem_shared>>
        tpu.enqueue_indirect_dma source(%arg10 : memref<128x128xf32, #tpu.memory_space<vmem>>) target(%dma_start3A_69 : memref<10112x128xf32, #tpu.memory_space<vmem_shared>>) offsets(%dma_start3A_66 : memref<128xi32, #tpu.memory_space<vmem>>) semaphore(%run_scoped3A : memref<!tpu.dma_semaphore, #tpu.memory_space<semaphore_mem>>) {add = true}
        %dma_wait3A_70 = arith.constant 0 : i32
        %dma_wait3A_71 = tpu.memref_slice %arg8[%add3A_63, %dma_wait3A_70] : memref<40x128xi32, #tpu.memory_space<vmem>> -> memref<1x128xi32, #tpu.memory_space<vmem>>
        %dma_wait3A_72 = tpu.memref_squeeze %dma_wait3A_71 : memref<1x128xi32, #tpu.memory_space<vmem>> -> memref<128xi32, #tpu.memory_space<vmem>>
        %dma_wait3A_73 = arith.constant 0 : i32
        %dma_wait3A_74 = arith.constant 0 : i32
        %dma_wait3A_75 = tpu.memref_slice %arg11[%dma_wait3A_73, %dma_wait3A_74] : memref<10112x128xf32, #tpu.memory_space<vmem_shared>> -> memref<10112x128xf32, #tpu.memory_space<vmem_shared>>
        tpu.wait_indirect_dma semaphore(%run_scoped3A : memref<!tpu.dma_semaphore, #tpu.memory_space<semaphore_mem>>) src(%arg10 : memref<128x128xf32, #tpu.memory_space<vmem>>) dst(%dma_wait3A_75 : memref<10112x128xf32, #tpu.memory_space<vmem_shared>>)
        tpu.yield
      }) : () -> ()
    }
    %scan3A_26 = arith.constant 20 : i32
    %barrier3A_27 = arith.constant 0 : index
    tpu.barrier barrier_id(%barrier3A_27)
    %mul3A_28 = arith.constant 632 : i32
    %mul3A_29 = arith.muli %arg1, %mul3A_28 : i32
    %mul3A_30 = arith.constant 632 : i32
    %mul3A_31 = arith.muli %arg1, %mul3A_30 : i32
    "tpu.region"() ({
      %run_scoped3A = tpu.sem_alloc : memref<!tpu.dma_semaphore, #tpu.memory_space<semaphore_mem>>
      %dma_start3A_32 = arith.constant 0 : i32
      %dma_start3A_33 = tpu.memref_slice %arg6[%arg0, %mul3A_31, %dma_start3A_32] : memref<2x10112x128xf32, #tpu.memory_space<hbm>> -> memref<1x632x128xf32, #tpu.memory_space<hbm>>
      %dma_start3A_34 = tpu.memref_squeeze %dma_start3A_33 : memref<1x632x128xf32, #tpu.memory_space<hbm>> -> memref<632x128xf32, #tpu.memory_space<hbm>>
      %dma_start3A_35 = arith.constant 0 : i32
      %dma_start3A_36 = tpu.memref_slice %arg11[%mul3A_29, %dma_start3A_35] : memref<10112x128xf32, #tpu.memory_space<vmem_shared>> -> memref<632x128xf32, #tpu.memory_space<vmem_shared>>
      tpu.enqueue_dma source(%dma_start3A_36 : memref<632x128xf32, #tpu.memory_space<vmem_shared>>) target(%dma_start3A_34 : memref<632x128xf32, #tpu.memory_space<hbm>>) target_semaphore(%run_scoped3A : memref<!tpu.dma_semaphore, #tpu.memory_space<semaphore_mem>>)
      %dma_wait3A = arith.constant 0 : i32
      %dma_wait3A_37 = tpu.memref_slice %arg6[%arg0, %mul3A_31, %dma_wait3A] : memref<2x10112x128xf32, #tpu.memory_space<hbm>> -> memref<1x632x128xf32, #tpu.memory_space<hbm>>
      %dma_wait3A_38 = tpu.memref_squeeze %dma_wait3A_37 : memref<1x632x128xf32, #tpu.memory_space<hbm>> -> memref<632x128xf32, #tpu.memory_space<hbm>>
      %dma_wait3A_39 = arith.constant 0 : i32
      %dma_wait3A_40 = tpu.memref_slice %arg11[%mul3A_29, %dma_wait3A_39] : memref<10112x128xf32, #tpu.memory_space<vmem_shared>> -> memref<632x128xf32, #tpu.memory_space<vmem_shared>>
      tpu.wait_dma2 semaphore(%run_scoped3A : memref<!tpu.dma_semaphore, #tpu.memory_space<semaphore_mem>>) src(%dma_wait3A_40 : memref<632x128xf32, #tpu.memory_space<vmem_shared>>) dst(%dma_wait3A_38 : memref<632x128xf32, #tpu.memory_space<hbm>>)
      tpu.yield
    }) : () -> ()
    return
  }
}

#map = affine_map<(d0, d1) -> (0, 0, 0)>
#map1 = affine_map<(d0, d1) -> (0)>
#map2 = affine_map<(d0, d1) -> (0, 0)>
module attributes {stable_mosaic.version = 14 : i64} {
  func.func @deg_kernel(%arg0: i32, %arg1: i32, %arg2: memref<32x80x128xi32, #tpu.memory_space<hbm>>, %arg3: memref<10112xf32, #tpu.memory_space<hbm>>, %arg4: memref<2x10112xf32, #tpu.memory_space<hbm>>, %arg5: memref<80x128xi32, #tpu.memory_space<vmem>>, %arg6: memref<128xf32, #tpu.memory_space<vmem>>, %arg7: memref<10112xf32, #tpu.memory_space<vmem_shared>>, %arg8: memref<!tpu.dma_semaphore, #tpu.memory_space<semaphore_mem>>) attributes {dimension_semantics = [#tpu.dimension_semantics<core_parallel>, #tpu.dimension_semantics<subcore_parallel>], iteration_bounds = array<i64: 2, 16>, scalar_prefetch = 0 : i64, scratch_operands = 4 : i64, tpu.core_type = #tpu.core_type<sc_vector_subcore>, window_params = [{transform_indices = #map}, {transform_indices = #map1}, {transform_indices = #map2}]} {
    %mul3A = arith.constant 16 : i32
    %mul3A_0 = arith.muli %arg0, %mul3A : i32
    %add3A = arith.addi %mul3A_0, %arg1 : i32
    "tpu.region"() ({
      %run_scoped3A = tpu.sem_alloc : memref<!tpu.dma_semaphore, #tpu.memory_space<semaphore_mem>>
      %dma_start3A = arith.constant 0 : i32
      %dma_start3A_60 = arith.constant 0 : i32
      %dma_start3A_61 = tpu.memref_slice %arg2[%add3A, %dma_start3A, %dma_start3A_60] : memref<32x80x128xi32, #tpu.memory_space<hbm>> -> memref<1x80x128xi32, #tpu.memory_space<hbm>>
      %dma_start3A_62 = tpu.memref_squeeze %dma_start3A_61 : memref<1x80x128xi32, #tpu.memory_space<hbm>> -> memref<80x128xi32, #tpu.memory_space<hbm>>
      %dma_start3A_63 = arith.constant 0 : i32
      %dma_start3A_64 = arith.constant 0 : i32
      %dma_start3A_65 = tpu.memref_slice %arg2[%add3A, %dma_start3A_63, %dma_start3A_64] : memref<32x80x128xi32, #tpu.memory_space<hbm>> -> memref<1x80x128xi32, #tpu.memory_space<hbm>>
      %dma_start3A_66 = tpu.memref_squeeze %dma_start3A_65 : memref<1x80x128xi32, #tpu.memory_space<hbm>> -> memref<80x128xi32, #tpu.memory_space<hbm>>
      tpu.enqueue_dma source(%dma_start3A_66 : memref<80x128xi32, #tpu.memory_space<hbm>>) target(%arg5 : memref<80x128xi32, #tpu.memory_space<vmem>>) target_semaphore(%run_scoped3A : memref<!tpu.dma_semaphore, #tpu.memory_space<semaphore_mem>>)
      %dma_wait3A = arith.constant 0 : i32
      %dma_wait3A_67 = arith.constant 0 : i32
      %dma_wait3A_68 = tpu.memref_slice %arg2[%add3A, %dma_wait3A, %dma_wait3A_67] : memref<32x80x128xi32, #tpu.memory_space<hbm>> -> memref<1x80x128xi32, #tpu.memory_space<hbm>>
      %dma_wait3A_69 = tpu.memref_squeeze %dma_wait3A_68 : memref<1x80x128xi32, #tpu.memory_space<hbm>> -> memref<80x128xi32, #tpu.memory_space<hbm>>
      %dma_wait3A_70 = arith.constant 0 : i32
      %dma_wait3A_71 = arith.constant 0 : i32
      %dma_wait3A_72 = tpu.memref_slice %arg2[%add3A, %dma_wait3A_70, %dma_wait3A_71] : memref<32x80x128xi32, #tpu.memory_space<hbm>> -> memref<1x80x128xi32, #tpu.memory_space<hbm>>
      %dma_wait3A_73 = tpu.memref_squeeze %dma_wait3A_72 : memref<1x80x128xi32, #tpu.memory_space<hbm>> -> memref<80x128xi32, #tpu.memory_space<hbm>>
      tpu.wait_dma2 semaphore(%run_scoped3A : memref<!tpu.dma_semaphore, #tpu.memory_space<semaphore_mem>>) src(%dma_wait3A_73 : memref<80x128xi32, #tpu.memory_space<hbm>>) dst(%arg5 : memref<80x128xi32, #tpu.memory_space<vmem>>)
      tpu.yield
    }) : () -> ()
    %broadcast_in_dim3A = arith.constant 1.000000e+00 : f32
    %broadcast_in_dim3A_1 = vector.broadcast %broadcast_in_dim3A : f32 to vector<16xf32>
    %swap3A = arith.constant 0 : index
    %swap3A_2 = tpu.vector_load %arg6[%swap3A] {strides = array<i32>} : memref<128xf32, #tpu.memory_space<vmem>>, vector<16xf32>,
    %swap3A_3 = vector.shape_cast %swap3A_2 : vector<16xf32> to vector<16xf32>
    %swap3A_4 = vector.shape_cast %broadcast_in_dim3A_1 : vector<16xf32> to vector<16xf32>
    tpu.vector_store %arg6[%swap3A], %swap3A_4 {strides = array<i32>} : memref<128xf32, #tpu.memory_space<vmem>>, vector<16xf32>,
    %broadcast_in_dim3A_5 = arith.constant 1.000000e+00 : f32
    %broadcast_in_dim3A_6 = vector.broadcast %broadcast_in_dim3A_5 : f32 to vector<16xf32>
    %swap3A_7 = arith.constant 16 : index
    %swap3A_8 = tpu.vector_load %arg6[%swap3A_7] {strides = array<i32>} : memref<128xf32, #tpu.memory_space<vmem>>, vector<16xf32>,
    %swap3A_9 = vector.shape_cast %swap3A_8 : vector<16xf32> to vector<16xf32>
    %swap3A_10 = vector.shape_cast %broadcast_in_dim3A_6 : vector<16xf32> to vector<16xf32>
    tpu.vector_store %arg6[%swap3A_7], %swap3A_10 {strides = array<i32>} : memref<128xf32, #tpu.memory_space<vmem>>, vector<16xf32>,
    %broadcast_in_dim3A_11 = arith.constant 1.000000e+00 : f32
    %broadcast_in_dim3A_12 = vector.broadcast %broadcast_in_dim3A_11 : f32 to vector<16xf32>
    %swap3A_13 = arith.constant 32 : index
    %swap3A_14 = tpu.vector_load %arg6[%swap3A_13] {strides = array<i32>} : memref<128xf32, #tpu.memory_space<vmem>>, vector<16xf32>,
    %swap3A_15 = vector.shape_cast %swap3A_14 : vector<16xf32> to vector<16xf32>
    %swap3A_16 = vector.shape_cast %broadcast_in_dim3A_12 : vector<16xf32> to vector<16xf32>
    tpu.vector_store %arg6[%swap3A_13], %swap3A_16 {strides = array<i32>} : memref<128xf32, #tpu.memory_space<vmem>>, vector<16xf32>,
    %broadcast_in_dim3A_17 = arith.constant 1.000000e+00 : f32
    %broadcast_in_dim3A_18 = vector.broadcast %broadcast_in_dim3A_17 : f32 to vector<16xf32>
    %swap3A_19 = arith.constant 48 : index
    %swap3A_20 = tpu.vector_load %arg6[%swap3A_19] {strides = array<i32>} : memref<128xf32, #tpu.memory_space<vmem>>, vector<16xf32>,
    %swap3A_21 = vector.shape_cast %swap3A_20 : vector<16xf32> to vector<16xf32>
    %swap3A_22 = vector.shape_cast %broadcast_in_dim3A_18 : vector<16xf32> to vector<16xf32>
    tpu.vector_store %arg6[%swap3A_19], %swap3A_22 {strides = array<i32>} : memref<128xf32, #tpu.memory_space<vmem>>, vector<16xf32>,
    %broadcast_in_dim3A_23 = arith.constant 1.000000e+00 : f32
    %broadcast_in_dim3A_24 = vector.broadcast %broadcast_in_dim3A_23 : f32 to vector<16xf32>
    %swap3A_25 = arith.constant 64 : index
    %swap3A_26 = tpu.vector_load %arg6[%swap3A_25] {strides = array<i32>} : memref<128xf32, #tpu.memory_space<vmem>>, vector<16xf32>,
    %swap3A_27 = vector.shape_cast %swap3A_26 : vector<16xf32> to vector<16xf32>
    %swap3A_28 = vector.shape_cast %broadcast_in_dim3A_24 : vector<16xf32> to vector<16xf32>
    tpu.vector_store %arg6[%swap3A_25], %swap3A_28 {strides = array<i32>} : memref<128xf32, #tpu.memory_space<vmem>>, vector<16xf32>,
    %broadcast_in_dim3A_29 = arith.constant 1.000000e+00 : f32
    %broadcast_in_dim3A_30 = vector.broadcast %broadcast_in_dim3A_29 : f32 to vector<16xf32>
    %swap3A_31 = arith.constant 80 : index
    %swap3A_32 = tpu.vector_load %arg6[%swap3A_31] {strides = array<i32>} : memref<128xf32, #tpu.memory_space<vmem>>, vector<16xf32>,
    %swap3A_33 = vector.shape_cast %swap3A_32 : vector<16xf32> to vector<16xf32>
    %swap3A_34 = vector.shape_cast %broadcast_in_dim3A_30 : vector<16xf32> to vector<16xf32>
    tpu.vector_store %arg6[%swap3A_31], %swap3A_34 {strides = array<i32>} : memref<128xf32, #tpu.memory_space<vmem>>, vector<16xf32>,
    %broadcast_in_dim3A_35 = arith.constant 1.000000e+00 : f32
    %broadcast_in_dim3A_36 = vector.broadcast %broadcast_in_dim3A_35 : f32 to vector<16xf32>
    %swap3A_37 = arith.constant 96 : index
    %swap3A_38 = tpu.vector_load %arg6[%swap3A_37] {strides = array<i32>} : memref<128xf32, #tpu.memory_space<vmem>>, vector<16xf32>,
    %swap3A_39 = vector.shape_cast %swap3A_38 : vector<16xf32> to vector<16xf32>
    %swap3A_40 = vector.shape_cast %broadcast_in_dim3A_36 : vector<16xf32> to vector<16xf32>
    tpu.vector_store %arg6[%swap3A_37], %swap3A_40 {strides = array<i32>} : memref<128xf32, #tpu.memory_space<vmem>>, vector<16xf32>,
    %broadcast_in_dim3A_41 = arith.constant 1.000000e+00 : f32
    %broadcast_in_dim3A_42 = vector.broadcast %broadcast_in_dim3A_41 : f32 to vector<16xf32>
    %swap3A_43 = arith.constant 112 : index
    %swap3A_44 = tpu.vector_load %arg6[%swap3A_43] {strides = array<i32>} : memref<128xf32, #tpu.memory_space<vmem>>, vector<16xf32>,
    %swap3A_45 = vector.shape_cast %swap3A_44 : vector<16xf32> to vector<16xf32>
    %swap3A_46 = vector.shape_cast %broadcast_in_dim3A_42 : vector<16xf32> to vector<16xf32>
    tpu.vector_store %arg6[%swap3A_43], %swap3A_46 {strides = array<i32>} : memref<128xf32, #tpu.memory_space<vmem>>, vector<16xf32>,
    %eq3A = arith.constant 0 : i32
    %eq3A_47 = arith.cmpi eq, %arg1, %eq3A : i32
    %convert_element_type3A = arith.extui %eq3A_47 : i1 to i32
    %cond3A = arith.constant 0 : i32
    %cond3A_48 = arith.cmpi ne, %convert_element_type3A, %cond3A : i32
    scf.if %cond3A_48 {
      "tpu.region"() ({
        %run_scoped3A = tpu.sem_alloc : memref<!tpu.dma_semaphore, #tpu.memory_space<semaphore_mem>>
        tpu.enqueue_dma source(%arg3 : memref<10112xf32, #tpu.memory_space<hbm>>) target(%arg7 : memref<10112xf32, #tpu.memory_space<vmem_shared>>) target_semaphore(%run_scoped3A : memref<!tpu.dma_semaphore, #tpu.memory_space<semaphore_mem>>)
        tpu.wait_dma2 semaphore(%run_scoped3A : memref<!tpu.dma_semaphore, #tpu.memory_space<semaphore_mem>>) src(%arg3 : memref<10112xf32, #tpu.memory_space<hbm>>) dst(%arg7 : memref<10112xf32, #tpu.memory_space<vmem_shared>>)
        tpu.yield
      }) : () -> ()
    } else {
    }
    %barrier3A = arith.constant 0 : index
    tpu.barrier barrier_id(%barrier3A)
    %scan3A = arith.constant 0 : i32
    %scan3A_49 = arith.constant 0 : i32
    %scan3A_50 = arith.constant 80 : i32
    %scan3A_51 = arith.addi %scan3A_49, %scan3A_50 : i32
    %scan3A_52 = arith.constant 1 : i32
    scf.for %scan3A_60 = %scan3A_49 to %scan3A_51 step %scan3A_52  : i32 {
      "tpu.region"() ({
        %run_scoped3A = tpu.sem_alloc : memref<!tpu.dma_semaphore, #tpu.memory_space<semaphore_mem>>
        %dma_start3A = arith.constant 0 : i32
        %dma_start3A_61 = tpu.memref_slice %arg5[%scan3A_60, %dma_start3A] : memref<80x128xi32, #tpu.memory_space<vmem>> -> memref<1x128xi32, #tpu.memory_space<vmem>>
        %dma_start3A_62 = tpu.memref_squeeze %dma_start3A_61 : memref<1x128xi32, #tpu.memory_space<vmem>> -> memref<128xi32, #tpu.memory_space<vmem>>
        %dma_start3A_63 = arith.constant 0 : i32
        %dma_start3A_64 = tpu.memref_slice %arg7[%dma_start3A_63] : memref<10112xf32, #tpu.memory_space<vmem_shared>> -> memref<10112xf32, #tpu.memory_space<vmem_shared>>
        tpu.enqueue_indirect_dma source(%arg6 : memref<128xf32, #tpu.memory_space<vmem>>) target(%dma_start3A_64 : memref<10112xf32, #tpu.memory_space<vmem_shared>>) offsets(%dma_start3A_62 : memref<128xi32, #tpu.memory_space<vmem>>) semaphore(%run_scoped3A : memref<!tpu.dma_semaphore, #tpu.memory_space<semaphore_mem>>) {add = true}
        %dma_wait3A = arith.constant 0 : i32
        %dma_wait3A_65 = tpu.memref_slice %arg5[%scan3A_60, %dma_wait3A] : memref<80x128xi32, #tpu.memory_space<vmem>> -> memref<1x128xi32, #tpu.memory_space<vmem>>
        %dma_wait3A_66 = tpu.memref_squeeze %dma_wait3A_65 : memref<1x128xi32, #tpu.memory_space<vmem>> -> memref<128xi32, #tpu.memory_space<vmem>>
        %dma_wait3A_67 = arith.constant 0 : i32
        %dma_wait3A_68 = tpu.memref_slice %arg7[%dma_wait3A_67] : memref<10112xf32, #tpu.memory_space<vmem_shared>> -> memref<10112xf32, #tpu.memory_space<vmem_shared>>
        tpu.wait_indirect_dma semaphore(%run_scoped3A : memref<!tpu.dma_semaphore, #tpu.memory_space<semaphore_mem>>) src(%arg6 : memref<128xf32, #tpu.memory_space<vmem>>) dst(%dma_wait3A_68 : memref<10112xf32, #tpu.memory_space<vmem_shared>>)
        tpu.yield
      }) : () -> ()
    }
    %scan3A_53 = arith.constant 80 : i32
    %barrier3A_54 = arith.constant 0 : index
    tpu.barrier barrier_id(%barrier3A_54)
    %eq3A_55 = arith.constant 0 : i32
    %eq3A_56 = arith.cmpi eq, %arg1, %eq3A_55 : i32
    %convert_element_type3A_57 = arith.extui %eq3A_56 : i1 to i32
    %cond3A_58 = arith.constant 0 : i32
    %cond3A_59 = arith.cmpi ne, %convert_element_type3A_57, %cond3A_58 : i32
    scf.if %cond3A_59 {
      "tpu.region"() ({
        %run_scoped3A = tpu.sem_alloc : memref<!tpu.dma_semaphore, #tpu.memory_space<semaphore_mem>>
        %dma_start3A = arith.constant 0 : i32
        %dma_start3A_60 = tpu.memref_slice %arg4[%arg0, %dma_start3A] : memref<2x10112xf32, #tpu.memory_space<hbm>> -> memref<1x10112xf32, #tpu.memory_space<hbm>>
        %dma_start3A_61 = tpu.memref_squeeze %dma_start3A_60 : memref<1x10112xf32, #tpu.memory_space<hbm>> -> memref<10112xf32, #tpu.memory_space<hbm>>
        tpu.enqueue_dma source(%arg7 : memref<10112xf32, #tpu.memory_space<vmem_shared>>) target(%dma_start3A_61 : memref<10112xf32, #tpu.memory_space<hbm>>) target_semaphore(%run_scoped3A : memref<!tpu.dma_semaphore, #tpu.memory_space<semaphore_mem>>)
        %dma_wait3A = arith.constant 0 : i32
        %dma_wait3A_62 = tpu.memref_slice %arg4[%arg0, %dma_wait3A] : memref<2x10112xf32, #tpu.memory_space<hbm>> -> memref<1x10112xf32, #tpu.memory_space<hbm>>
        %dma_wait3A_63 = tpu.memref_squeeze %dma_wait3A_62 : memref<1x10112xf32, #tpu.memory_space<hbm>> -> memref<10112xf32, #tpu.memory_space<hbm>>
        tpu.wait_dma2 semaphore(%run_scoped3A : memref<!tpu.dma_semaphore, #tpu.memory_space<semaphore_mem>>) src(%arg7 : memref<10112xf32, #tpu.memory_space<vmem_shared>>) dst(%dma_wait3A_63 : memref<10112xf32, #tpu.memory_space<hbm>>)
        tpu.yield
      }) : () -> ()
    } else {
    }
    return
  }
}

#map = affine_map<(d0, d1) -> (0, 0)>
#map1 = affine_map<(d0, d1) -> (0, 0, 0)>
module attributes {stable_mosaic.version = 14 : i64} {
  func.func @scat_kernel(%arg0: i32, %arg1: i32, %arg2: memref<10000x128xf32, #tpu.memory_space<hbm>>, %arg3: memref<32x80x128xi32, #tpu.memory_space<hbm>>, %arg4: memref<32x80x128xi32, #tpu.memory_space<hbm>>, %arg5: memref<10112x128xf32, #tpu.memory_space<hbm>>, %arg6: memref<2x10112x128xf32, #tpu.memory_space<hbm>>, %arg7: memref<40x128xi32, #tpu.memory_space<vmem>>, %arg8: memref<40x128xi32, #tpu.memory_space<vmem>>, %arg9: memref<128x128xf32, #tpu.memory_space<vmem>>, %arg10: memref<128x128xf32, #tpu.memory_space<vmem>>, %arg11: memref<10112x128xf32, #tpu.memory_space<vmem_shared>>, %arg12: memref<!tpu.dma_semaphore, #tpu.memory_space<semaphore_mem>>, %arg13: memref<!tpu.dma_semaphore, #tpu.memory_space<semaphore_mem>>) attributes {dimension_semantics = [#tpu.dimension_semantics<core_parallel>, #tpu.dimension_semantics<subcore_parallel>], iteration_bounds = array<i64: 2, 16>, scalar_prefetch = 0 : i64, scratch_operands = 7 : i64, tpu.core_type = #tpu.core_type<sc_vector_subcore>, window_params = [{transform_indices = #map}, {transform_indices = #map1}, {transform_indices = #map1}, {transform_indices = #map}, {transform_indices = #map1}]} {
    %mul3A = arith.constant 16 : i32
    %mul3A_0 = arith.muli %arg0, %mul3A : i32
    %add3A = arith.addi %mul3A_0, %arg1 : i32
    %eq3A = arith.constant 0 : i32
    %eq3A_1 = arith.cmpi eq, %arg1, %eq3A : i32
    %convert_element_type3A = arith.extui %eq3A_1 : i1 to i32
    %cond3A = arith.constant 0 : i32
    %cond3A_2 = arith.cmpi ne, %convert_element_type3A, %cond3A : i32
    scf.if %cond3A_2 {
      "tpu.region"() ({
        %run_scoped3A = tpu.sem_alloc : memref<!tpu.dma_semaphore, #tpu.memory_space<semaphore_mem>>
        tpu.enqueue_dma source(%arg5 : memref<10112x128xf32, #tpu.memory_space<hbm>>) target(%arg11 : memref<10112x128xf32, #tpu.memory_space<vmem_shared>>) target_semaphore(%run_scoped3A : memref<!tpu.dma_semaphore, #tpu.memory_space<semaphore_mem>>)
        tpu.wait_dma2 semaphore(%run_scoped3A : memref<!tpu.dma_semaphore, #tpu.memory_space<semaphore_mem>>) src(%arg5 : memref<10112x128xf32, #tpu.memory_space<hbm>>) dst(%arg11 : memref<10112x128xf32, #tpu.memory_space<vmem_shared>>)
        tpu.yield
      }) : () -> ()
    } else {
    }
    %barrier3A = arith.constant 0 : index
    tpu.barrier barrier_id(%barrier3A)
    "tpu.region"() ({
      %run_scoped3A = tpu.sem_alloc : memref<!tpu.dma_semaphore, #tpu.memory_space<semaphore_mem>>
      %dma_start3A_32 = arith.constant 0 : i32
      %dma_start3A_33 = arith.constant 0 : i32
      %dma_start3A_34 = tpu.memref_slice %arg3[%add3A, %dma_start3A_32, %dma_start3A_33] : memref<32x80x128xi32, #tpu.memory_space<hbm>> -> memref<1x40x128xi32, #tpu.memory_space<hbm>>
      %dma_start3A_35 = tpu.memref_squeeze %dma_start3A_34 : memref<1x40x128xi32, #tpu.memory_space<hbm>> -> memref<40x128xi32, #tpu.memory_space<hbm>>
      %dma_start3A_36 = arith.constant 0 : i32
      %dma_start3A_37 = arith.constant 0 : i32
      %dma_start3A_38 = tpu.memref_slice %arg3[%add3A, %dma_start3A_36, %dma_start3A_37] : memref<32x80x128xi32, #tpu.memory_space<hbm>> -> memref<1x40x128xi32, #tpu.memory_space<hbm>>
      %dma_start3A_39 = tpu.memref_squeeze %dma_start3A_38 : memref<1x40x128xi32, #tpu.memory_space<hbm>> -> memref<40x128xi32, #tpu.memory_space<hbm>>
      tpu.enqueue_dma source(%dma_start3A_39 : memref<40x128xi32, #tpu.memory_space<hbm>>) target(%arg7 : memref<40x128xi32, #tpu.memory_space<vmem>>) target_semaphore(%run_scoped3A : memref<!tpu.dma_semaphore, #tpu.memory_space<semaphore_mem>>)
      %dma_wait3A = arith.constant 0 : i32
      %dma_wait3A_40 = arith.constant 0 : i32
      %dma_wait3A_41 = tpu.memref_slice %arg3[%add3A, %dma_wait3A, %dma_wait3A_40] : memref<32x80x128xi32, #tpu.memory_space<hbm>> -> memref<1x40x128xi32, #tpu.memory_space<hbm>>
      %dma_wait3A_42 = tpu.memref_squeeze %dma_wait3A_41 : memref<1x40x128xi32, #tpu.memory_space<hbm>> -> memref<40x128xi32, #tpu.memory_space<hbm>>
      %dma_wait3A_43 = arith.constant 0 : i32
      %dma_wait3A_44 = arith.constant 0 : i32
      %dma_wait3A_45 = tpu.memref_slice %arg3[%add3A, %dma_wait3A_43, %dma_wait3A_44] : memref<32x80x128xi32, #tpu.memory_space<hbm>> -> memref<1x40x128xi32, #tpu.memory_space<hbm>>
      %dma_wait3A_46 = tpu.memref_squeeze %dma_wait3A_45 : memref<1x40x128xi32, #tpu.memory_space<hbm>> -> memref<40x128xi32, #tpu.memory_space<hbm>>
      tpu.wait_dma2 semaphore(%run_scoped3A : memref<!tpu.dma_semaphore, #tpu.memory_space<semaphore_mem>>) src(%dma_wait3A_46 : memref<40x128xi32, #tpu.memory_space<hbm>>) dst(%arg7 : memref<40x128xi32, #tpu.memory_space<vmem>>)
      tpu.yield
    }) : () -> ()
    "tpu.region"() ({
      %run_scoped3A = tpu.sem_alloc : memref<!tpu.dma_semaphore, #tpu.memory_space<semaphore_mem>>
      %dma_start3A_32 = arith.constant 0 : i32
      %dma_start3A_33 = arith.constant 0 : i32
      %dma_start3A_34 = tpu.memref_slice %arg4[%add3A, %dma_start3A_32, %dma_start3A_33] : memref<32x80x128xi32, #tpu.memory_space<hbm>> -> memref<1x40x128xi32, #tpu.memory_space<hbm>>
      %dma_start3A_35 = tpu.memref_squeeze %dma_start3A_34 : memref<1x40x128xi32, #tpu.memory_space<hbm>> -> memref<40x128xi32, #tpu.memory_space<hbm>>
      %dma_start3A_36 = arith.constant 0 : i32
      %dma_start3A_37 = arith.constant 0 : i32
      %dma_start3A_38 = tpu.memref_slice %arg4[%add3A, %dma_start3A_36, %dma_start3A_37] : memref<32x80x128xi32, #tpu.memory_space<hbm>> -> memref<1x40x128xi32, #tpu.memory_space<hbm>>
      %dma_start3A_39 = tpu.memref_squeeze %dma_start3A_38 : memref<1x40x128xi32, #tpu.memory_space<hbm>> -> memref<40x128xi32, #tpu.memory_space<hbm>>
      tpu.enqueue_dma source(%dma_start3A_39 : memref<40x128xi32, #tpu.memory_space<hbm>>) target(%arg8 : memref<40x128xi32, #tpu.memory_space<vmem>>) target_semaphore(%run_scoped3A : memref<!tpu.dma_semaphore, #tpu.memory_space<semaphore_mem>>)
      %dma_wait3A = arith.constant 0 : i32
      %dma_wait3A_40 = arith.constant 0 : i32
      %dma_wait3A_41 = tpu.memref_slice %arg4[%add3A, %dma_wait3A, %dma_wait3A_40] : memref<32x80x128xi32, #tpu.memory_space<hbm>> -> memref<1x40x128xi32, #tpu.memory_space<hbm>>
      %dma_wait3A_42 = tpu.memref_squeeze %dma_wait3A_41 : memref<1x40x128xi32, #tpu.memory_space<hbm>> -> memref<40x128xi32, #tpu.memory_space<hbm>>
      %dma_wait3A_43 = arith.constant 0 : i32
      %dma_wait3A_44 = arith.constant 0 : i32
      %dma_wait3A_45 = tpu.memref_slice %arg4[%add3A, %dma_wait3A_43, %dma_wait3A_44] : memref<32x80x128xi32, #tpu.memory_space<hbm>> -> memref<1x40x128xi32, #tpu.memory_space<hbm>>
      %dma_wait3A_46 = tpu.memref_squeeze %dma_wait3A_45 : memref<1x40x128xi32, #tpu.memory_space<hbm>> -> memref<40x128xi32, #tpu.memory_space<hbm>>
      tpu.wait_dma2 semaphore(%run_scoped3A : memref<!tpu.dma_semaphore, #tpu.memory_space<semaphore_mem>>) src(%dma_wait3A_46 : memref<40x128xi32, #tpu.memory_space<hbm>>) dst(%arg8 : memref<40x128xi32, #tpu.memory_space<vmem>>)
      tpu.yield
    }) : () -> ()
    %dma_start3A = arith.constant 0 : i32
    %dma_start3A_3 = arith.constant 0 : i32
    %dma_start3A_4 = tpu.memref_slice %arg7[%dma_start3A, %dma_start3A_3] : memref<40x128xi32, #tpu.memory_space<vmem>> -> memref<1x128xi32, #tpu.memory_space<vmem>>
    %dma_start3A_5 = tpu.memref_squeeze %dma_start3A_4 : memref<1x128xi32, #tpu.memory_space<vmem>> -> memref<128xi32, #tpu.memory_space<vmem>>
    %dma_start3A_6 = arith.constant 0 : i32
    %dma_start3A_7 = arith.constant 0 : i32
    %dma_start3A_8 = tpu.memref_slice %arg2[%dma_start3A_6, %dma_start3A_7] : memref<10000x128xf32, #tpu.memory_space<hbm>> -> memref<10000x128xf32, #tpu.memory_space<hbm>>
    tpu.enqueue_indirect_dma source(%dma_start3A_8 : memref<10000x128xf32, #tpu.memory_space<hbm>>) target(%arg9 : memref<128x128xf32, #tpu.memory_space<vmem>>) offsets(%dma_start3A_5 : memref<128xi32, #tpu.memory_space<vmem>>) semaphore(%arg12 : memref<!tpu.dma_semaphore, #tpu.memory_space<semaphore_mem>>)
    %scan3A = arith.constant 0 : i32
    %scan3A_9 = arith.constant 0 : i32
    %scan3A_10 = arith.constant 20 : i32
    %scan3A_11 = arith.addi %scan3A_9, %scan3A_10 : i32
    %scan3A_12 = arith.constant 1 : i32
    scf.for %scan3A_32 = %scan3A_9 to %scan3A_11 step %scan3A_12  : i32 {
      %mul3A_33 = arith.constant 2 : i32
      %mul3A_34 = arith.muli %mul3A_33, %scan3A_32 : i32
      %add3A_35 = arith.constant 1 : i32
      %add3A_36 = arith.addi %mul3A_34, %add3A_35 : i32
      %dma_start3A_37 = arith.constant 0 : i32
      %dma_start3A_38 = tpu.memref_slice %arg7[%add3A_36, %dma_start3A_37] : memref<40x128xi32, #tpu.memory_space<vmem>> -> memref<1x128xi32, #tpu.memory_space<vmem>>
      %dma_start3A_39 = tpu.memref_squeeze %dma_start3A_38 : memref<1x128xi32, #tpu.memory_space<vmem>> -> memref<128xi32, #tpu.memory_space<vmem>>
      %dma_start3A_40 = arith.constant 0 : i32
      %dma_start3A_41 = arith.constant 0 : i32
      %dma_start3A_42 = tpu.memref_slice %arg2[%dma_start3A_40, %dma_start3A_41] : memref<10000x128xf32, #tpu.memory_space<hbm>> -> memref<10000x128xf32, #tpu.memory_space<hbm>>
      tpu.enqueue_indirect_dma source(%dma_start3A_42 : memref<10000x128xf32, #tpu.memory_space<hbm>>) target(%arg10 : memref<128x128xf32, #tpu.memory_space<vmem>>) offsets(%dma_start3A_39 : memref<128xi32, #tpu.memory_space<vmem>>) semaphore(%arg13 : memref<!tpu.dma_semaphore, #tpu.memory_space<semaphore_mem>>)
      %dma_wait3A = arith.constant 0 : i32
      %dma_wait3A_43 = tpu.memref_slice %arg7[%mul3A_34, %dma_wait3A] : memref<40x128xi32, #tpu.memory_space<vmem>> -> memref<1x128xi32, #tpu.memory_space<vmem>>
      %dma_wait3A_44 = tpu.memref_squeeze %dma_wait3A_43 : memref<1x128xi32, #tpu.memory_space<vmem>> -> memref<128xi32, #tpu.memory_space<vmem>>
      %dma_wait3A_45 = arith.constant 0 : i32
      %dma_wait3A_46 = arith.constant 0 : i32
      %dma_wait3A_47 = tpu.memref_slice %arg2[%dma_wait3A_45, %dma_wait3A_46] : memref<10000x128xf32, #tpu.memory_space<hbm>> -> memref<10000x128xf32, #tpu.memory_space<hbm>>
      tpu.wait_indirect_dma semaphore(%arg12 : memref<!tpu.dma_semaphore, #tpu.memory_space<semaphore_mem>>) src(%dma_wait3A_47 : memref<10000x128xf32, #tpu.memory_space<hbm>>) dst(%arg9 : memref<128x128xf32, #tpu.memory_space<vmem>>)
      "tpu.region"() ({
        %run_scoped3A = tpu.sem_alloc : memref<!tpu.dma_semaphore, #tpu.memory_space<semaphore_mem>>
        %dma_start3A_64 = arith.constant 0 : i32
        %dma_start3A_65 = tpu.memref_slice %arg8[%mul3A_34, %dma_start3A_64] : memref<40x128xi32, #tpu.memory_space<vmem>> -> memref<1x128xi32, #tpu.memory_space<vmem>>
        %dma_start3A_66 = tpu.memref_squeeze %dma_start3A_65 : memref<1x128xi32, #tpu.memory_space<vmem>> -> memref<128xi32, #tpu.memory_space<vmem>>
        %dma_start3A_67 = arith.constant 0 : i32
        %dma_start3A_68 = arith.constant 0 : i32
        %dma_start3A_69 = tpu.memref_slice %arg11[%dma_start3A_67, %dma_start3A_68] : memref<10112x128xf32, #tpu.memory_space<vmem_shared>> -> memref<10112x128xf32, #tpu.memory_space<vmem_shared>>
        tpu.enqueue_indirect_dma source(%arg9 : memref<128x128xf32, #tpu.memory_space<vmem>>) target(%dma_start3A_69 : memref<10112x128xf32, #tpu.memory_space<vmem_shared>>) offsets(%dma_start3A_66 : memref<128xi32, #tpu.memory_space<vmem>>) semaphore(%run_scoped3A : memref<!tpu.dma_semaphore, #tpu.memory_space<semaphore_mem>>) {add = true}
        %dma_wait3A_70 = arith.constant 0 : i32
        %dma_wait3A_71 = tpu.memref_slice %arg8[%mul3A_34, %dma_wait3A_70] : memref<40x128xi32, #tpu.memory_space<vmem>> -> memref<1x128xi32, #tpu.memory_space<vmem>>
        %dma_wait3A_72 = tpu.memref_squeeze %dma_wait3A_71 : memref<1x128xi32, #tpu.memory_space<vmem>> -> memref<128xi32, #tpu.memory_space<vmem>>
        %dma_wait3A_73 = arith.constant 0 : i32
        %dma_wait3A_74 = arith.constant 0 : i32
        %dma_wait3A_75 = tpu.memref_slice %arg11[%dma_wait3A_73, %dma_wait3A_74] : memref<10112x128xf32, #tpu.memory_space<vmem_shared>> -> memref<10112x128xf32, #tpu.memory_space<vmem_shared>>
        tpu.wait_indirect_dma semaphore(%run_scoped3A : memref<!tpu.dma_semaphore, #tpu.memory_space<semaphore_mem>>) src(%arg9 : memref<128x128xf32, #tpu.memory_space<vmem>>) dst(%dma_wait3A_75 : memref<10112x128xf32, #tpu.memory_space<vmem_shared>>)
        tpu.yield
      }) : () -> ()
      %add3A_48 = arith.constant 2 : i32
      %add3A_49 = arith.addi %mul3A_34, %add3A_48 : i32
      %lt3A = arith.constant 40 : i32
      %lt3A_50 = arith.cmpi slt, %add3A_49, %lt3A : i32
      %convert_element_type3A_51 = arith.extui %lt3A_50 : i1 to i32
      %cond3A_52 = arith.constant 0 : i32
      %cond3A_53 = arith.cmpi ne, %convert_element_type3A_51, %cond3A_52 : i32
      scf.if %cond3A_53 {
        %add3A_64 = arith.constant 2 : i32
        %add3A_65 = arith.addi %mul3A_34, %add3A_64 : i32
        %dma_start3A_66 = arith.constant 0 : i32
        %dma_start3A_67 = tpu.memref_slice %arg7[%add3A_65, %dma_start3A_66] : memref<40x128xi32, #tpu.memory_space<vmem>> -> memref<1x128xi32, #tpu.memory_space<vmem>>
        %dma_start3A_68 = tpu.memref_squeeze %dma_start3A_67 : memref<1x128xi32, #tpu.memory_space<vmem>> -> memref<128xi32, #tpu.memory_space<vmem>>
        %dma_start3A_69 = arith.constant 0 : i32
        %dma_start3A_70 = arith.constant 0 : i32
        %dma_start3A_71 = tpu.memref_slice %arg2[%dma_start3A_69, %dma_start3A_70] : memref<10000x128xf32, #tpu.memory_space<hbm>> -> memref<10000x128xf32, #tpu.memory_space<hbm>>
        tpu.enqueue_indirect_dma source(%dma_start3A_71 : memref<10000x128xf32, #tpu.memory_space<hbm>>) target(%arg9 : memref<128x128xf32, #tpu.memory_space<vmem>>) offsets(%dma_start3A_68 : memref<128xi32, #tpu.memory_space<vmem>>) semaphore(%arg12 : memref<!tpu.dma_semaphore, #tpu.memory_space<semaphore_mem>>)
      } else {
      }
      %add3A_54 = arith.constant 1 : i32
      %add3A_55 = arith.addi %mul3A_34, %add3A_54 : i32
      %dma_wait3A_56 = arith.constant 0 : i32
      %dma_wait3A_57 = tpu.memref_slice %arg7[%add3A_55, %dma_wait3A_56] : memref<40x128xi32, #tpu.memory_space<vmem>> -> memref<1x128xi32, #tpu.memory_space<vmem>>
      %dma_wait3A_58 = tpu.memref_squeeze %dma_wait3A_57 : memref<1x128xi32, #tpu.memory_space<vmem>> -> memref<128xi32, #tpu.memory_space<vmem>>
      %dma_wait3A_59 = arith.constant 0 : i32
      %dma_wait3A_60 = arith.constant 0 : i32
      %dma_wait3A_61 = tpu.memref_slice %arg2[%dma_wait3A_59, %dma_wait3A_60] : memref<10000x128xf32, #tpu.memory_space<hbm>> -> memref<10000x128xf32, #tpu.memory_space<hbm>>
      tpu.wait_indirect_dma semaphore(%arg13 : memref<!tpu.dma_semaphore, #tpu.memory_space<semaphore_mem>>) src(%dma_wait3A_61 : memref<10000x128xf32, #tpu.memory_space<hbm>>) dst(%arg10 : memref<128x128xf32, #tpu.memory_space<vmem>>)
      %add3A_62 = arith.constant 1 : i32
      %add3A_63 = arith.addi %mul3A_34, %add3A_62 : i32
      "tpu.region"() ({
        %run_scoped3A = tpu.sem_alloc : memref<!tpu.dma_semaphore, #tpu.memory_space<semaphore_mem>>
        %dma_start3A_64 = arith.constant 0 : i32
        %dma_start3A_65 = tpu.memref_slice %arg8[%add3A_63, %dma_start3A_64] : memref<40x128xi32, #tpu.memory_space<vmem>> -> memref<1x128xi32, #tpu.memory_space<vmem>>
        %dma_start3A_66 = tpu.memref_squeeze %dma_start3A_65 : memref<1x128xi32, #tpu.memory_space<vmem>> -> memref<128xi32, #tpu.memory_space<vmem>>
        %dma_start3A_67 = arith.constant 0 : i32
        %dma_start3A_68 = arith.constant 0 : i32
        %dma_start3A_69 = tpu.memref_slice %arg11[%dma_start3A_67, %dma_start3A_68] : memref<10112x128xf32, #tpu.memory_space<vmem_shared>> -> memref<10112x128xf32, #tpu.memory_space<vmem_shared>>
        tpu.enqueue_indirect_dma source(%arg10 : memref<128x128xf32, #tpu.memory_space<vmem>>) target(%dma_start3A_69 : memref<10112x128xf32, #tpu.memory_space<vmem_shared>>) offsets(%dma_start3A_66 : memref<128xi32, #tpu.memory_space<vmem>>) semaphore(%run_scoped3A : memref<!tpu.dma_semaphore, #tpu.memory_space<semaphore_mem>>) {add = true}
        %dma_wait3A_70 = arith.constant 0 : i32
        %dma_wait3A_71 = tpu.memref_slice %arg8[%add3A_63, %dma_wait3A_70] : memref<40x128xi32, #tpu.memory_space<vmem>> -> memref<1x128xi32, #tpu.memory_space<vmem>>
        %dma_wait3A_72 = tpu.memref_squeeze %dma_wait3A_71 : memref<1x128xi32, #tpu.memory_space<vmem>> -> memref<128xi32, #tpu.memory_space<vmem>>
        %dma_wait3A_73 = arith.constant 0 : i32
        %dma_wait3A_74 = arith.constant 0 : i32
        %dma_wait3A_75 = tpu.memref_slice %arg11[%dma_wait3A_73, %dma_wait3A_74] : memref<10112x128xf32, #tpu.memory_space<vmem_shared>> -> memref<10112x128xf32, #tpu.memory_space<vmem_shared>>
        tpu.wait_indirect_dma semaphore(%run_scoped3A : memref<!tpu.dma_semaphore, #tpu.memory_space<semaphore_mem>>) src(%arg10 : memref<128x128xf32, #tpu.memory_space<vmem>>) dst(%dma_wait3A_75 : memref<10112x128xf32, #tpu.memory_space<vmem_shared>>)
        tpu.yield
      }) : () -> ()
    }
    %scan3A_13 = arith.constant 20 : i32
    "tpu.region"() ({
      %run_scoped3A = tpu.sem_alloc : memref<!tpu.dma_semaphore, #tpu.memory_space<semaphore_mem>>
      %dma_start3A_32 = arith.constant 40 : i32
      %dma_start3A_33 = arith.constant 0 : i32
      %dma_start3A_34 = tpu.memref_slice %arg3[%add3A, %dma_start3A_32, %dma_start3A_33] : memref<32x80x128xi32, #tpu.memory_space<hbm>> -> memref<1x40x128xi32, #tpu.memory_space<hbm>>
      %dma_start3A_35 = tpu.memref_squeeze %dma_start3A_34 : memref<1x40x128xi32, #tpu.memory_space<hbm>> -> memref<40x128xi32, #tpu.memory_space<hbm>>
      %dma_start3A_36 = arith.constant 40 : i32
      %dma_start3A_37 = arith.constant 0 : i32
      %dma_start3A_38 = tpu.memref_slice %arg3[%add3A, %dma_start3A_36, %dma_start3A_37] : memref<32x80x128xi32, #tpu.memory_space<hbm>> -> memref<1x40x128xi32, #tpu.memory_space<hbm>>
      %dma_start3A_39 = tpu.memref_squeeze %dma_start3A_38 : memref<1x40x128xi32, #tpu.memory_space<hbm>> -> memref<40x128xi32, #tpu.memory_space<hbm>>
      tpu.enqueue_dma source(%dma_start3A_39 : memref<40x128xi32, #tpu.memory_space<hbm>>) target(%arg7 : memref<40x128xi32, #tpu.memory_space<vmem>>) target_semaphore(%run_scoped3A : memref<!tpu.dma_semaphore, #tpu.memory_space<semaphore_mem>>)
      %dma_wait3A = arith.constant 40 : i32
      %dma_wait3A_40 = arith.constant 0 : i32
      %dma_wait3A_41 = tpu.memref_slice %arg3[%add3A, %dma_wait3A, %dma_wait3A_40] : memref<32x80x128xi32, #tpu.memory_space<hbm>> -> memref<1x40x128xi32, #tpu.memory_space<hbm>>
      %dma_wait3A_42 = tpu.memref_squeeze %dma_wait3A_41 : memref<1x40x128xi32, #tpu.memory_space<hbm>> -> memref<40x128xi32, #tpu.memory_space<hbm>>
      %dma_wait3A_43 = arith.constant 40 : i32
      %dma_wait3A_44 = arith.constant 0 : i32
      %dma_wait3A_45 = tpu.memref_slice %arg3[%add3A, %dma_wait3A_43, %dma_wait3A_44] : memref<32x80x128xi32, #tpu.memory_space<hbm>> -> memref<1x40x128xi32, #tpu.memory_space<hbm>>
      %dma_wait3A_46 = tpu.memref_squeeze %dma_wait3A_45 : memref<1x40x128xi32, #tpu.memory_space<hbm>> -> memref<40x128xi32, #tpu.memory_space<hbm>>
      tpu.wait_dma2 semaphore(%run_scoped3A : memref<!tpu.dma_semaphore, #tpu.memory_space<semaphore_mem>>) src(%dma_wait3A_46 : memref<40x128xi32, #tpu.memory_space<hbm>>) dst(%arg7 : memref<40x128xi32, #tpu.memory_space<vmem>>)
      tpu.yield
    }) : () -> ()
    "tpu.region"() ({
      %run_scoped3A = tpu.sem_alloc : memref<!tpu.dma_semaphore, #tpu.memory_space<semaphore_mem>>
      %dma_start3A_32 = arith.constant 40 : i32
      %dma_start3A_33 = arith.constant 0 : i32
      %dma_start3A_34 = tpu.memref_slice %arg4[%add3A, %dma_start3A_32, %dma_start3A_33] : memref<32x80x128xi32, #tpu.memory_space<hbm>> -> memref<1x40x128xi32, #tpu.memory_space<hbm>>
      %dma_start3A_35 = tpu.memref_squeeze %dma_start3A_34 : memref<1x40x128xi32, #tpu.memory_space<hbm>> -> memref<40x128xi32, #tpu.memory_space<hbm>>
      %dma_start3A_36 = arith.constant 40 : i32
      %dma_start3A_37 = arith.constant 0 : i32
      %dma_start3A_38 = tpu.memref_slice %arg4[%add3A, %dma_start3A_36, %dma_start3A_37] : memref<32x80x128xi32, #tpu.memory_space<hbm>> -> memref<1x40x128xi32, #tpu.memory_space<hbm>>
      %dma_start3A_39 = tpu.memref_squeeze %dma_start3A_38 : memref<1x40x128xi32, #tpu.memory_space<hbm>> -> memref<40x128xi32, #tpu.memory_space<hbm>>
      tpu.enqueue_dma source(%dma_start3A_39 : memref<40x128xi32, #tpu.memory_space<hbm>>) target(%arg8 : memref<40x128xi32, #tpu.memory_space<vmem>>) target_semaphore(%run_scoped3A : memref<!tpu.dma_semaphore, #tpu.memory_space<semaphore_mem>>)
      %dma_wait3A = arith.constant 40 : i32
      %dma_wait3A_40 = arith.constant 0 : i32
      %dma_wait3A_41 = tpu.memref_slice %arg4[%add3A, %dma_wait3A, %dma_wait3A_40] : memref<32x80x128xi32, #tpu.memory_space<hbm>> -> memref<1x40x128xi32, #tpu.memory_space<hbm>>
      %dma_wait3A_42 = tpu.memref_squeeze %dma_wait3A_41 : memref<1x40x128xi32, #tpu.memory_space<hbm>> -> memref<40x128xi32, #tpu.memory_space<hbm>>
      %dma_wait3A_43 = arith.constant 40 : i32
      %dma_wait3A_44 = arith.constant 0 : i32
      %dma_wait3A_45 = tpu.memref_slice %arg4[%add3A, %dma_wait3A_43, %dma_wait3A_44] : memref<32x80x128xi32, #tpu.memory_space<hbm>> -> memref<1x40x128xi32, #tpu.memory_space<hbm>>
      %dma_wait3A_46 = tpu.memref_squeeze %dma_wait3A_45 : memref<1x40x128xi32, #tpu.memory_space<hbm>> -> memref<40x128xi32, #tpu.memory_space<hbm>>
      tpu.wait_dma2 semaphore(%run_scoped3A : memref<!tpu.dma_semaphore, #tpu.memory_space<semaphore_mem>>) src(%dma_wait3A_46 : memref<40x128xi32, #tpu.memory_space<hbm>>) dst(%arg8 : memref<40x128xi32, #tpu.memory_space<vmem>>)
      tpu.yield
    }) : () -> ()
    %dma_start3A_14 = arith.constant 0 : i32
    %dma_start3A_15 = arith.constant 0 : i32
    %dma_start3A_16 = tpu.memref_slice %arg7[%dma_start3A_14, %dma_start3A_15] : memref<40x128xi32, #tpu.memory_space<vmem>> -> memref<1x128xi32, #tpu.memory_space<vmem>>
    %dma_start3A_17 = tpu.memref_squeeze %dma_start3A_16 : memref<1x128xi32, #tpu.memory_space<vmem>> -> memref<128xi32, #tpu.memory_space<vmem>>
    %dma_start3A_18 = arith.constant 0 : i32
    %dma_start3A_19 = arith.constant 0 : i32
    %dma_start3A_20 = tpu.memref_slice %arg2[%dma_start3A_18, %dma_start3A_19] : memref<10000x128xf32, #tpu.memory_space<hbm>> -> memref<10000x128xf32, #tpu.memory_space<hbm>>
    tpu.enqueue_indirect_dma source(%dma_start3A_20 : memref<10000x128xf32, #tpu.memory_space<hbm>>) target(%arg9 : memref<128x128xf32, #tpu.memory_space<vmem>>) offsets(%dma_start3A_17 : memref<128xi32, #tpu.memory_space<vmem>>) semaphore(%arg12 : memref<!tpu.dma_semaphore, #tpu.memory_space<semaphore_mem>>)
    %scan3A_21 = arith.constant 0 : i32
    %scan3A_22 = arith.constant 0 : i32
    %scan3A_23 = arith.constant 20 : i32
    %scan3A_24 = arith.addi %scan3A_22, %scan3A_23 : i32
    %scan3A_25 = arith.constant 1 : i32
    scf.for %scan3A_32 = %scan3A_22 to %scan3A_24 step %scan3A_25  : i32 {
      %mul3A_33 = arith.constant 2 : i32
      %mul3A_34 = arith.muli %mul3A_33, %scan3A_32 : i32
      %add3A_35 = arith.constant 1 : i32
      %add3A_36 = arith.addi %mul3A_34, %add3A_35 : i32
      %dma_start3A_37 = arith.constant 0 : i32
      %dma_start3A_38 = tpu.memref_slice %arg7[%add3A_36, %dma_start3A_37] : memref<40x128xi32, #tpu.memory_space<vmem>> -> memref<1x128xi32, #tpu.memory_space<vmem>>
      %dma_start3A_39 = tpu.memref_squeeze %dma_start3A_38 : memref<1x128xi32, #tpu.memory_space<vmem>> -> memref<128xi32, #tpu.memory_space<vmem>>
      %dma_start3A_40 = arith.constant 0 : i32
      %dma_start3A_41 = arith.constant 0 : i32
      %dma_start3A_42 = tpu.memref_slice %arg2[%dma_start3A_40, %dma_start3A_41] : memref<10000x128xf32, #tpu.memory_space<hbm>> -> memref<10000x128xf32, #tpu.memory_space<hbm>>
      tpu.enqueue_indirect_dma source(%dma_start3A_42 : memref<10000x128xf32, #tpu.memory_space<hbm>>) target(%arg10 : memref<128x128xf32, #tpu.memory_space<vmem>>) offsets(%dma_start3A_39 : memref<128xi32, #tpu.memory_space<vmem>>) semaphore(%arg13 : memref<!tpu.dma_semaphore, #tpu.memory_space<semaphore_mem>>)
      %dma_wait3A = arith.constant 0 : i32
      %dma_wait3A_43 = tpu.memref_slice %arg7[%mul3A_34, %dma_wait3A] : memref<40x128xi32, #tpu.memory_space<vmem>> -> memref<1x128xi32, #tpu.memory_space<vmem>>
      %dma_wait3A_44 = tpu.memref_squeeze %dma_wait3A_43 : memref<1x128xi32, #tpu.memory_space<vmem>> -> memref<128xi32, #tpu.memory_space<vmem>>
      %dma_wait3A_45 = arith.constant 0 : i32
      %dma_wait3A_46 = arith.constant 0 : i32
      %dma_wait3A_47 = tpu.memref_slice %arg2[%dma_wait3A_45, %dma_wait3A_46] : memref<10000x128xf32, #tpu.memory_space<hbm>> -> memref<10000x128xf32, #tpu.memory_space<hbm>>
      tpu.wait_indirect_dma semaphore(%arg12 : memref<!tpu.dma_semaphore, #tpu.memory_space<semaphore_mem>>) src(%dma_wait3A_47 : memref<10000x128xf32, #tpu.memory_space<hbm>>) dst(%arg9 : memref<128x128xf32, #tpu.memory_space<vmem>>)
      "tpu.region"() ({
        %run_scoped3A = tpu.sem_alloc : memref<!tpu.dma_semaphore, #tpu.memory_space<semaphore_mem>>
        %dma_start3A_64 = arith.constant 0 : i32
        %dma_start3A_65 = tpu.memref_slice %arg8[%mul3A_34, %dma_start3A_64] : memref<40x128xi32, #tpu.memory_space<vmem>> -> memref<1x128xi32, #tpu.memory_space<vmem>>
        %dma_start3A_66 = tpu.memref_squeeze %dma_start3A_65 : memref<1x128xi32, #tpu.memory_space<vmem>> -> memref<128xi32, #tpu.memory_space<vmem>>
        %dma_start3A_67 = arith.constant 0 : i32
        %dma_start3A_68 = arith.constant 0 : i32
        %dma_start3A_69 = tpu.memref_slice %arg11[%dma_start3A_67, %dma_start3A_68] : memref<10112x128xf32, #tpu.memory_space<vmem_shared>> -> memref<10112x128xf32, #tpu.memory_space<vmem_shared>>
        tpu.enqueue_indirect_dma source(%arg9 : memref<128x128xf32, #tpu.memory_space<vmem>>) target(%dma_start3A_69 : memref<10112x128xf32, #tpu.memory_space<vmem_shared>>) offsets(%dma_start3A_66 : memref<128xi32, #tpu.memory_space<vmem>>) semaphore(%run_scoped3A : memref<!tpu.dma_semaphore, #tpu.memory_space<semaphore_mem>>) {add = true}
        %dma_wait3A_70 = arith.constant 0 : i32
        %dma_wait3A_71 = tpu.memref_slice %arg8[%mul3A_34, %dma_wait3A_70] : memref<40x128xi32, #tpu.memory_space<vmem>> -> memref<1x128xi32, #tpu.memory_space<vmem>>
        %dma_wait3A_72 = tpu.memref_squeeze %dma_wait3A_71 : memref<1x128xi32, #tpu.memory_space<vmem>> -> memref<128xi32, #tpu.memory_space<vmem>>
        %dma_wait3A_73 = arith.constant 0 : i32
        %dma_wait3A_74 = arith.constant 0 : i32
        %dma_wait3A_75 = tpu.memref_slice %arg11[%dma_wait3A_73, %dma_wait3A_74] : memref<10112x128xf32, #tpu.memory_space<vmem_shared>> -> memref<10112x128xf32, #tpu.memory_space<vmem_shared>>
        tpu.wait_indirect_dma semaphore(%run_scoped3A : memref<!tpu.dma_semaphore, #tpu.memory_space<semaphore_mem>>) src(%arg9 : memref<128x128xf32, #tpu.memory_space<vmem>>) dst(%dma_wait3A_75 : memref<10112x128xf32, #tpu.memory_space<vmem_shared>>)
        tpu.yield
      }) : () -> ()
      %add3A_48 = arith.constant 2 : i32
      %add3A_49 = arith.addi %mul3A_34, %add3A_48 : i32
      %lt3A = arith.constant 40 : i32
      %lt3A_50 = arith.cmpi slt, %add3A_49, %lt3A : i32
      %convert_element_type3A_51 = arith.extui %lt3A_50 : i1 to i32
      %cond3A_52 = arith.constant 0 : i32
      %cond3A_53 = arith.cmpi ne, %convert_element_type3A_51, %cond3A_52 : i32
      scf.if %cond3A_53 {
        %add3A_64 = arith.constant 2 : i32
        %add3A_65 = arith.addi %mul3A_34, %add3A_64 : i32
        %dma_start3A_66 = arith.constant 0 : i32
        %dma_start3A_67 = tpu.memref_slice %arg7[%add3A_65, %dma_start3A_66] : memref<40x128xi32, #tpu.memory_space<vmem>> -> memref<1x128xi32, #tpu.memory_space<vmem>>
        %dma_start3A_68 = tpu.memref_squeeze %dma_start3A_67 : memref<1x128xi32, #tpu.memory_space<vmem>> -> memref<128xi32, #tpu.memory_space<vmem>>
        %dma_start3A_69 = arith.constant 0 : i32
        %dma_start3A_70 = arith.constant 0 : i32
        %dma_start3A_71 = tpu.memref_slice %arg2[%dma_start3A_69, %dma_start3A_70] : memref<10000x128xf32, #tpu.memory_space<hbm>> -> memref<10000x128xf32, #tpu.memory_space<hbm>>
        tpu.enqueue_indirect_dma source(%dma_start3A_71 : memref<10000x128xf32, #tpu.memory_space<hbm>>) target(%arg9 : memref<128x128xf32, #tpu.memory_space<vmem>>) offsets(%dma_start3A_68 : memref<128xi32, #tpu.memory_space<vmem>>) semaphore(%arg12 : memref<!tpu.dma_semaphore, #tpu.memory_space<semaphore_mem>>)
      } else {
      }
      %add3A_54 = arith.constant 1 : i32
      %add3A_55 = arith.addi %mul3A_34, %add3A_54 : i32
      %dma_wait3A_56 = arith.constant 0 : i32
      %dma_wait3A_57 = tpu.memref_slice %arg7[%add3A_55, %dma_wait3A_56] : memref<40x128xi32, #tpu.memory_space<vmem>> -> memref<1x128xi32, #tpu.memory_space<vmem>>
      %dma_wait3A_58 = tpu.memref_squeeze %dma_wait3A_57 : memref<1x128xi32, #tpu.memory_space<vmem>> -> memref<128xi32, #tpu.memory_space<vmem>>
      %dma_wait3A_59 = arith.constant 0 : i32
      %dma_wait3A_60 = arith.constant 0 : i32
      %dma_wait3A_61 = tpu.memref_slice %arg2[%dma_wait3A_59, %dma_wait3A_60] : memref<10000x128xf32, #tpu.memory_space<hbm>> -> memref<10000x128xf32, #tpu.memory_space<hbm>>
      tpu.wait_indirect_dma semaphore(%arg13 : memref<!tpu.dma_semaphore, #tpu.memory_space<semaphore_mem>>) src(%dma_wait3A_61 : memref<10000x128xf32, #tpu.memory_space<hbm>>) dst(%arg10 : memref<128x128xf32, #tpu.memory_space<vmem>>)
      %add3A_62 = arith.constant 1 : i32
      %add3A_63 = arith.addi %mul3A_34, %add3A_62 : i32
      "tpu.region"() ({
        %run_scoped3A = tpu.sem_alloc : memref<!tpu.dma_semaphore, #tpu.memory_space<semaphore_mem>>
        %dma_start3A_64 = arith.constant 0 : i32
        %dma_start3A_65 = tpu.memref_slice %arg8[%add3A_63, %dma_start3A_64] : memref<40x128xi32, #tpu.memory_space<vmem>> -> memref<1x128xi32, #tpu.memory_space<vmem>>
        %dma_start3A_66 = tpu.memref_squeeze %dma_start3A_65 : memref<1x128xi32, #tpu.memory_space<vmem>> -> memref<128xi32, #tpu.memory_space<vmem>>
        %dma_start3A_67 = arith.constant 0 : i32
        %dma_start3A_68 = arith.constant 0 : i32
        %dma_start3A_69 = tpu.memref_slice %arg11[%dma_start3A_67, %dma_start3A_68] : memref<10112x128xf32, #tpu.memory_space<vmem_shared>> -> memref<10112x128xf32, #tpu.memory_space<vmem_shared>>
        tpu.enqueue_indirect_dma source(%arg10 : memref<128x128xf32, #tpu.memory_space<vmem>>) target(%dma_start3A_69 : memref<10112x128xf32, #tpu.memory_space<vmem_shared>>) offsets(%dma_start3A_66 : memref<128xi32, #tpu.memory_space<vmem>>) semaphore(%run_scoped3A : memref<!tpu.dma_semaphore, #tpu.memory_space<semaphore_mem>>) {add = true}
        %dma_wait3A_70 = arith.constant 0 : i32
        %dma_wait3A_71 = tpu.memref_slice %arg8[%add3A_63, %dma_wait3A_70] : memref<40x128xi32, #tpu.memory_space<vmem>> -> memref<1x128xi32, #tpu.memory_space<vmem>>
        %dma_wait3A_72 = tpu.memref_squeeze %dma_wait3A_71 : memref<1x128xi32, #tpu.memory_space<vmem>> -> memref<128xi32, #tpu.memory_space<vmem>>
        %dma_wait3A_73 = arith.constant 0 : i32
        %dma_wait3A_74 = arith.constant 0 : i32
        %dma_wait3A_75 = tpu.memref_slice %arg11[%dma_wait3A_73, %dma_wait3A_74] : memref<10112x128xf32, #tpu.memory_space<vmem_shared>> -> memref<10112x128xf32, #tpu.memory_space<vmem_shared>>
        tpu.wait_indirect_dma semaphore(%run_scoped3A : memref<!tpu.dma_semaphore, #tpu.memory_space<semaphore_mem>>) src(%arg10 : memref<128x128xf32, #tpu.memory_space<vmem>>) dst(%dma_wait3A_75 : memref<10112x128xf32, #tpu.memory_space<vmem_shared>>)
        tpu.yield
      }) : () -> ()
    }
    %scan3A_26 = arith.constant 20 : i32
    %barrier3A_27 = arith.constant 0 : index
    tpu.barrier barrier_id(%barrier3A_27)
    %mul3A_28 = arith.constant 632 : i32
    %mul3A_29 = arith.muli %arg1, %mul3A_28 : i32
    %mul3A_30 = arith.constant 632 : i32
    %mul3A_31 = arith.muli %arg1, %mul3A_30 : i32
    "tpu.region"() ({
      %run_scoped3A = tpu.sem_alloc : memref<!tpu.dma_semaphore, #tpu.memory_space<semaphore_mem>>
      %dma_start3A_32 = arith.constant 0 : i32
      %dma_start3A_33 = tpu.memref_slice %arg6[%arg0, %mul3A_31, %dma_start3A_32] : memref<2x10112x128xf32, #tpu.memory_space<hbm>> -> memref<1x632x128xf32, #tpu.memory_space<hbm>>
      %dma_start3A_34 = tpu.memref_squeeze %dma_start3A_33 : memref<1x632x128xf32, #tpu.memory_space<hbm>> -> memref<632x128xf32, #tpu.memory_space<hbm>>
      %dma_start3A_35 = arith.constant 0 : i32
      %dma_start3A_36 = tpu.memref_slice %arg11[%mul3A_29, %dma_start3A_35] : memref<10112x128xf32, #tpu.memory_space<vmem_shared>> -> memref<632x128xf32, #tpu.memory_space<vmem_shared>>
      tpu.enqueue_dma source(%dma_start3A_36 : memref<632x128xf32, #tpu.memory_space<vmem_shared>>) target(%dma_start3A_34 : memref<632x128xf32, #tpu.memory_space<hbm>>) target_semaphore(%run_scoped3A : memref<!tpu.dma_semaphore, #tpu.memory_space<semaphore_mem>>)
      %dma_wait3A = arith.constant 0 : i32
      %dma_wait3A_37 = tpu.memref_slice %arg6[%arg0, %mul3A_31, %dma_wait3A] : memref<2x10112x128xf32, #tpu.memory_space<hbm>> -> memref<1x632x128xf32, #tpu.memory_space<hbm>>
      %dma_wait3A_38 = tpu.memref_squeeze %dma_wait3A_37 : memref<1x632x128xf32, #tpu.memory_space<hbm>> -> memref<632x128xf32, #tpu.memory_space<hbm>>
      %dma_wait3A_39 = arith.constant 0 : i32
      %dma_wait3A_40 = tpu.memref_slice %arg11[%mul3A_29, %dma_wait3A_39] : memref<10112x128xf32, #tpu.memory_space<vmem_shared>> -> memref<632x128xf32, #tpu.memory_space<vmem_shared>>
      tpu.wait_dma2 semaphore(%run_scoped3A : memref<!tpu.dma_semaphore, #tpu.memory_space<semaphore_mem>>) src(%dma_wait3A_40 : memref<632x128xf32, #tpu.memory_space<vmem_shared>>) dst(%dma_wait3A_38 : memref<632x128xf32, #tpu.memory_space<hbm>>)
      tpu.yield
    }) : () -> ()
    return
  }
}

module attributes {stable_mosaic.version = 14 : i64} {
  func.func @body(%arg0: memref<10112x2xf32, #tpu.memory_space<vmem>>, %arg1: memref<10000x128xf32, #tpu.memory_space<vmem>>, %arg2: memref<128x128xf32, #tpu.memory_space<vmem>>, %arg3: memref<10112x1xf32, #tpu.memory_space<vmem>>, %arg4: memref<10000x128xf32, #tpu.memory_space<vmem>>) attributes {dimension_semantics = [], scalar_prefetch = 0 : i64, scratch_operands = 0 : i64, tpu.core_type = #tpu.core_type<tc>} {
    %get3A = arith.constant 0 : index
    %get3A_0 = arith.constant 0 : index
    %get3A_1 = vector.load %arg0[%get3A, %get3A_0] : memref<10112x2xf32, #tpu.memory_space<vmem>>, vector<10112x1xf32>
    %get3A_2 = arith.constant 0 : index
    %get3A_3 = arith.constant 1 : index
    %get3A_4 = vector.load %arg0[%get3A_2, %get3A_3] : memref<10112x2xf32, #tpu.memory_space<vmem>>, vector<10112x1xf32>
    %add3A = arith.addf %get3A_1, %get3A_4 : vector<10112x1xf32>
    %add3A_5 = arith.constant 1.000000e+00 : f32
    %add3A_6 = vector.broadcast %add3A_5 : f32 to vector<10112x1xf32>
    %add3A_7 = arith.addf %add3A, %add3A_6 : vector<10112x1xf32>
    %rsqrt3A = math.rsqrt %add3A_7 : vector<10112x1xf32>
    %swap3A = arith.constant 0 : index
    %swap3A_8 = arith.constant 0 : index
    %swap3A_9 = vector.load %arg3[%swap3A, %swap3A_8] : memref<10112x1xf32, #tpu.memory_space<vmem>>, vector<10112x1xf32>
    tpu.vector_store %arg3[%swap3A, %swap3A_8], %rsqrt3A {strides = array<i32>} : memref<10112x1xf32, #tpu.memory_space<vmem>>, vector<10112x1xf32>,
    %get3A_10 = arith.constant 0 : index
    %get3A_11 = arith.constant 0 : index
    %get3A_12 = vector.load %arg1[%get3A_10, %get3A_11] : memref<10000x128xf32, #tpu.memory_space<vmem>>, vector<10000x128xf32>
    %get3A_13 = arith.constant 0 : index
    %get3A_14 = arith.constant 0 : index
    %get3A_15 = vector.load %arg2[%get3A_13, %get3A_14] : memref<128x128xf32, #tpu.memory_space<vmem>>, vector<128x128xf32>
    %dot_general3A = arith.constant dense<0.000000e+00> : vector<10000x128xf32>
    %dot_general3A_16 = tpu.matmul %get3A_12, %get3A_15, %dot_general3A {dimension_numbers = #tpu.dot_dimension_numbers<[1], [0], [0], [1], [0, 0, 1, 1], [], []>, transpose_lhs_hint = false} : vector<10000x128xf32>, vector<128x128xf32>, vector<10000x128xf32> -> vector<10000x128xf32>
    %slice3A = vector.extract_strided_slice %rsqrt3A {offsets = [0, 0], sizes = [10000, 1], strides = [1, 1]} : vector<10112x1xf32> to vector<10000x1xf32>
    %mul3A = vector.broadcast %slice3A : vector<10000x1xf32> to vector<10000x128xf32>
    %mul3A_17 = arith.mulf %dot_general3A_16, %mul3A : vector<10000x128xf32>
    %swap3A_18 = arith.constant 0 : index
    %swap3A_19 = arith.constant 0 : index
    %swap3A_20 = vector.load %arg4[%swap3A_18, %swap3A_19] : memref<10000x128xf32, #tpu.memory_space<vmem>>, vector<10000x128xf32>
    tpu.vector_store %arg4[%swap3A_18, %swap3A_19], %mul3A_17 {strides = array<i32>} : memref<10000x128xf32, #tpu.memory_space<vmem>>, vector<10000x128xf32>,
    return
  }
}

module attributes {stable_mosaic.version = 14 : i64} {
  func.func @body(%arg0: memref<2x10112x128xf32, #tpu.memory_space<vmem>>, %arg1: memref<10000x128xf32, #tpu.memory_space<vmem>>, %arg2: memref<10112x1xf32, #tpu.memory_space<vmem>>, %arg3: memref<128xf32, #tpu.memory_space<vmem>>, %arg4: memref<128x128xf32, #tpu.memory_space<vmem>>, %arg5: memref<10000x128xf32, #tpu.memory_space<vmem>>, %arg6: memref<10000x128xf32, #tpu.memory_space<vmem>>) attributes {dimension_semantics = [], scalar_prefetch = 0 : i64, scratch_operands = 0 : i64, tpu.core_type = #tpu.core_type<tc>} {
    %get3A = arith.constant 0 : index
    %get3A_0 = arith.constant 0 : index
    %get3A_1 = vector.load %arg2[%get3A, %get3A_0] : memref<10112x1xf32, #tpu.memory_space<vmem>>, vector<10000x1xf32>
    %get3A_2 = arith.constant 0 : index
    %get3A_3 = arith.constant 0 : index
    %get3A_4 = arith.constant 0 : index
    %get3A_5 = vector.load %arg0[%get3A_2, %get3A_3, %get3A_4] : memref<2x10112x128xf32, #tpu.memory_space<vmem>>, vector<1x10000x128xf32>
    %get3A_6 = vector.shape_cast %get3A_5 : vector<1x10000x128xf32> to vector<10000x128xf32>
    %get3A_7 = arith.constant 1 : index
    %get3A_8 = arith.constant 0 : index
    %get3A_9 = arith.constant 0 : index
    %get3A_10 = vector.load %arg0[%get3A_7, %get3A_8, %get3A_9] : memref<2x10112x128xf32, #tpu.memory_space<vmem>>, vector<1x10000x128xf32>
    %get3A_11 = vector.shape_cast %get3A_10 : vector<1x10000x128xf32> to vector<10000x128xf32>
    %add3A = arith.addf %get3A_6, %get3A_11 : vector<10000x128xf32>
    %get3A_12 = arith.constant 0 : index
    %get3A_13 = arith.constant 0 : index
    %get3A_14 = vector.load %arg1[%get3A_12, %get3A_13] : memref<10000x128xf32, #tpu.memory_space<vmem>>, vector<10000x128xf32>
    %add3A_15 = arith.addf %add3A, %get3A_14 : vector<10000x128xf32>
    %mul3A = vector.broadcast %get3A_1 : vector<10000x1xf32> to vector<10000x128xf32>
    %mul3A_16 = arith.mulf %add3A_15, %mul3A : vector<10000x128xf32>
    %get3A_17 = arith.constant 0 : index
    %get3A_18 = vector.load %arg3[%get3A_17] : memref<128xf32, #tpu.memory_space<vmem>>, vector<128xf32>
    %broadcast_in_dim3A = vector.shape_cast %get3A_18 : vector<128xf32> to vector<1x128xf32>
    %add3A_19 = vector.broadcast %broadcast_in_dim3A : vector<1x128xf32> to vector<10000x128xf32>
    %add3A_20 = arith.addf %mul3A_16, %add3A_19 : vector<10000x128xf32>
    %gt3A = arith.constant 0.000000e+00 : f32
    %gt3A_21 = vector.broadcast %gt3A : f32 to vector<10000x128xf32>
    %gt3A_22 = arith.cmpf ogt, %add3A_20, %gt3A_21 : vector<10000x128xf32>
    %exp3A = math.exp %add3A_20 : vector<10000x128xf32>
    %sub3A = arith.constant 1.000000e+00 : f32
    %sub3A_23 = vector.broadcast %sub3A : f32 to vector<10000x128xf32>
    %sub3A_24 = arith.subf %exp3A, %sub3A_23 : vector<10000x128xf32>
    %select_n3A = arith.select %gt3A_22, %add3A_20, %sub3A_24 : vector<10000x128xi1>, vector<10000x128xf32>
    %swap3A = arith.constant 0 : index
    %swap3A_25 = arith.constant 0 : index
    %swap3A_26 = vector.load %arg5[%swap3A, %swap3A_25] : memref<10000x128xf32, #tpu.memory_space<vmem>>, vector<10000x128xf32>
    tpu.vector_store %arg5[%swap3A, %swap3A_25], %select_n3A {strides = array<i32>} : memref<10000x128xf32, #tpu.memory_space<vmem>>, vector<10000x128xf32>,
    %get3A_27 = arith.constant 0 : index
    %get3A_28 = arith.constant 0 : index
    %get3A_29 = vector.load %arg4[%get3A_27, %get3A_28] : memref<128x128xf32, #tpu.memory_space<vmem>>, vector<128x128xf32>
    %dot_general3A = arith.constant dense<0.000000e+00> : vector<10000x128xf32>
    %dot_general3A_30 = tpu.matmul %select_n3A, %get3A_29, %dot_general3A {dimension_numbers = #tpu.dot_dimension_numbers<[1], [0], [0], [1], [0, 0, 1, 1], [], []>, transpose_lhs_hint = false} : vector<10000x128xf32>, vector<128x128xf32>, vector<10000x128xf32> -> vector<10000x128xf32>
    %mul3A_31 = vector.broadcast %get3A_1 : vector<10000x1xf32> to vector<10000x128xf32>
    %mul3A_32 = arith.mulf %dot_general3A_30, %mul3A_31 : vector<10000x128xf32>
    %swap3A_33 = arith.constant 0 : index
    %swap3A_34 = arith.constant 0 : index
    %swap3A_35 = vector.load %arg6[%swap3A_33, %swap3A_34] : memref<10000x128xf32, #tpu.memory_space<vmem>>, vector<10000x128xf32>
    tpu.vector_store %arg6[%swap3A_33, %swap3A_34], %mul3A_32 {strides = array<i32>} : memref<10000x128xf32, #tpu.memory_space<vmem>>, vector<10000x128xf32>,
    return
  }
}

module attributes {stable_mosaic.version = 14 : i64} {
  func.func @body(%arg0: memref<2x10112x128xf32, #tpu.memory_space<vmem>>, %arg1: memref<10000x128xf32, #tpu.memory_space<vmem>>, %arg2: memref<10112x1xf32, #tpu.memory_space<vmem>>, %arg3: memref<128xf32, #tpu.memory_space<vmem>>, %arg4: memref<10000x128xf32, #tpu.memory_space<vmem>>, %arg5: memref<128x128xf32, #tpu.memory_space<vmem>>, %arg6: memref<10000x128xf32, #tpu.memory_space<vmem>>, %arg7: memref<10000x128xf32, #tpu.memory_space<vmem>>) attributes {dimension_semantics = [], scalar_prefetch = 0 : i64, scratch_operands = 0 : i64, tpu.core_type = #tpu.core_type<tc>} {
    %get3A = arith.constant 0 : index
    %get3A_0 = arith.constant 0 : index
    %get3A_1 = vector.load %arg2[%get3A, %get3A_0] : memref<10112x1xf32, #tpu.memory_space<vmem>>, vector<10000x1xf32>
    %get3A_2 = arith.constant 0 : index
    %get3A_3 = arith.constant 0 : index
    %get3A_4 = arith.constant 0 : index
    %get3A_5 = vector.load %arg0[%get3A_2, %get3A_3, %get3A_4] : memref<2x10112x128xf32, #tpu.memory_space<vmem>>, vector<1x10000x128xf32>
    %get3A_6 = vector.shape_cast %get3A_5 : vector<1x10000x128xf32> to vector<10000x128xf32>
    %get3A_7 = arith.constant 1 : index
    %get3A_8 = arith.constant 0 : index
    %get3A_9 = arith.constant 0 : index
    %get3A_10 = vector.load %arg0[%get3A_7, %get3A_8, %get3A_9] : memref<2x10112x128xf32, #tpu.memory_space<vmem>>, vector<1x10000x128xf32>
    %get3A_11 = vector.shape_cast %get3A_10 : vector<1x10000x128xf32> to vector<10000x128xf32>
    %add3A = arith.addf %get3A_6, %get3A_11 : vector<10000x128xf32>
    %get3A_12 = arith.constant 0 : index
    %get3A_13 = arith.constant 0 : index
    %get3A_14 = vector.load %arg1[%get3A_12, %get3A_13] : memref<10000x128xf32, #tpu.memory_space<vmem>>, vector<10000x128xf32>
    %add3A_15 = arith.addf %add3A, %get3A_14 : vector<10000x128xf32>
    %mul3A = vector.broadcast %get3A_1 : vector<10000x1xf32> to vector<10000x128xf32>
    %mul3A_16 = arith.mulf %add3A_15, %mul3A : vector<10000x128xf32>
    %get3A_17 = arith.constant 0 : index
    %get3A_18 = vector.load %arg3[%get3A_17] : memref<128xf32, #tpu.memory_space<vmem>>, vector<128xf32>
    %broadcast_in_dim3A = vector.shape_cast %get3A_18 : vector<128xf32> to vector<1x128xf32>
    %add3A_19 = vector.broadcast %broadcast_in_dim3A : vector<1x128xf32> to vector<10000x128xf32>
    %add3A_20 = arith.addf %mul3A_16, %add3A_19 : vector<10000x128xf32>
    %get3A_21 = arith.constant 0 : index
    %get3A_22 = arith.constant 0 : index
    %get3A_23 = vector.load %arg4[%get3A_21, %get3A_22] : memref<10000x128xf32, #tpu.memory_space<vmem>>, vector<10000x128xf32>
    %add3A_24 = arith.addf %add3A_20, %get3A_23 : vector<10000x128xf32>
    %gt3A = arith.constant 0.000000e+00 : f32
    %gt3A_25 = vector.broadcast %gt3A : f32 to vector<10000x128xf32>
    %gt3A_26 = arith.cmpf ogt, %add3A_24, %gt3A_25 : vector<10000x128xf32>
    %exp3A = math.exp %add3A_24 : vector<10000x128xf32>
    %sub3A = arith.constant 1.000000e+00 : f32
    %sub3A_27 = vector.broadcast %sub3A : f32 to vector<10000x128xf32>
    %sub3A_28 = arith.subf %exp3A, %sub3A_27 : vector<10000x128xf32>
    %select_n3A = arith.select %gt3A_26, %add3A_24, %sub3A_28 : vector<10000x128xi1>, vector<10000x128xf32>
    %swap3A = arith.constant 0 : index
    %swap3A_29 = arith.constant 0 : index
    %swap3A_30 = vector.load %arg6[%swap3A, %swap3A_29] : memref<10000x128xf32, #tpu.memory_space<vmem>>, vector<10000x128xf32>
    tpu.vector_store %arg6[%swap3A, %swap3A_29], %select_n3A {strides = array<i32>} : memref<10000x128xf32, #tpu.memory_space<vmem>>, vector<10000x128xf32>,
    %get3A_31 = arith.constant 0 : index
    %get3A_32 = arith.constant 0 : index
    %get3A_33 = vector.load %arg5[%get3A_31, %get3A_32] : memref<128x128xf32, #tpu.memory_space<vmem>>, vector<128x128xf32>
    %dot_general3A = arith.constant dense<0.000000e+00> : vector<10000x128xf32>
    %dot_general3A_34 = tpu.matmul %select_n3A, %get3A_33, %dot_general3A {dimension_numbers = #tpu.dot_dimension_numbers<[1], [0], [0], [1], [0, 0, 1, 1], [], []>, transpose_lhs_hint = false} : vector<10000x128xf32>, vector<128x128xf32>, vector<10000x128xf32> -> vector<10000x128xf32>
    %mul3A_35 = vector.broadcast %get3A_1 : vector<10000x1xf32> to vector<10000x128xf32>
    %mul3A_36 = arith.mulf %dot_general3A_34, %mul3A_35 : vector<10000x128xf32>
    %swap3A_37 = arith.constant 0 : index
    %swap3A_38 = arith.constant 0 : index
    %swap3A_39 = vector.load %arg7[%swap3A_37, %swap3A_38] : memref<10000x128xf32, #tpu.memory_space<vmem>>, vector<10000x128xf32>
    tpu.vector_store %arg7[%swap3A_37, %swap3A_38], %mul3A_36 {strides = array<i32>} : memref<10000x128xf32, #tpu.memory_space<vmem>>, vector<10000x128xf32>,
    return
  }
}

module attributes {stable_mosaic.version = 14 : i64} {
  func.func @body(%arg0: memref<2x10112x128xf32, #tpu.memory_space<vmem>>, %arg1: memref<10000x128xf32, #tpu.memory_space<vmem>>, %arg2: memref<10112x1xf32, #tpu.memory_space<vmem>>, %arg3: memref<128xf32, #tpu.memory_space<vmem>>, %arg4: memref<10000x128xf32, #tpu.memory_space<vmem>>, %arg5: memref<10000x128xf32, #tpu.memory_space<vmem>>) attributes {dimension_semantics = [], scalar_prefetch = 0 : i64, scratch_operands = 0 : i64, tpu.core_type = #tpu.core_type<tc>} {
    %get3A = arith.constant 0 : index
    %get3A_0 = arith.constant 0 : index
    %get3A_1 = arith.constant 0 : index
    %get3A_2 = vector.load %arg0[%get3A, %get3A_0, %get3A_1] : memref<2x10112x128xf32, #tpu.memory_space<vmem>>, vector<1x10000x128xf32>
    %get3A_3 = vector.shape_cast %get3A_2 : vector<1x10000x128xf32> to vector<10000x128xf32>
    %get3A_4 = arith.constant 1 : index
    %get3A_5 = arith.constant 0 : index
    %get3A_6 = arith.constant 0 : index
    %get3A_7 = vector.load %arg0[%get3A_4, %get3A_5, %get3A_6] : memref<2x10112x128xf32, #tpu.memory_space<vmem>>, vector<1x10000x128xf32>
    %get3A_8 = vector.shape_cast %get3A_7 : vector<1x10000x128xf32> to vector<10000x128xf32>
    %add3A = arith.addf %get3A_3, %get3A_8 : vector<10000x128xf32>
    %get3A_9 = arith.constant 0 : index
    %get3A_10 = arith.constant 0 : index
    %get3A_11 = vector.load %arg1[%get3A_9, %get3A_10] : memref<10000x128xf32, #tpu.memory_space<vmem>>, vector<10000x128xf32>
    %add3A_12 = arith.addf %add3A, %get3A_11 : vector<10000x128xf32>
    %get3A_13 = arith.constant 0 : index
    %get3A_14 = arith.constant 0 : index
    %get3A_15 = vector.load %arg2[%get3A_13, %get3A_14] : memref<10112x1xf32, #tpu.memory_space<vmem>>, vector<10000x1xf32>
    %mul3A = vector.broadcast %get3A_15 : vector<10000x1xf32> to vector<10000x128xf32>
    %mul3A_16 = arith.mulf %add3A_12, %mul3A : vector<10000x128xf32>
    %get3A_17 = arith.constant 0 : index
    %get3A_18 = vector.load %arg3[%get3A_17] : memref<128xf32, #tpu.memory_space<vmem>>, vector<128xf32>
    %broadcast_in_dim3A = vector.shape_cast %get3A_18 : vector<128xf32> to vector<1x128xf32>
    %add3A_19 = vector.broadcast %broadcast_in_dim3A : vector<1x128xf32> to vector<10000x128xf32>
    %add3A_20 = arith.addf %mul3A_16, %add3A_19 : vector<10000x128xf32>
    %get3A_21 = arith.constant 0 : index
    %get3A_22 = arith.constant 0 : index
    %get3A_23 = vector.load %arg4[%get3A_21, %get3A_22] : memref<10000x128xf32, #tpu.memory_space<vmem>>, vector<10000x128xf32>
    %add3A_24 = arith.addf %add3A_20, %get3A_23 : vector<10000x128xf32>
    %gt3A = arith.constant 0.000000e+00 : f32
    %gt3A_25 = vector.broadcast %gt3A : f32 to vector<10000x128xf32>
    %gt3A_26 = arith.cmpf ogt, %add3A_24, %gt3A_25 : vector<10000x128xf32>
    %exp3A = math.exp %add3A_24 : vector<10000x128xf32>
    %sub3A = arith.constant 1.000000e+00 : f32
    %sub3A_27 = vector.broadcast %sub3A : f32 to vector<10000x128xf32>
    %sub3A_28 = arith.subf %exp3A, %sub3A_27 : vector<10000x128xf32>
    %select_n3A = arith.select %gt3A_26, %add3A_24, %sub3A_28 : vector<10000x128xi1>, vector<10000x128xf32>
    %swap3A = arith.constant 0 : index
    %swap3A_29 = arith.constant 0 : index
    %swap3A_30 = vector.load %arg5[%swap3A, %swap3A_29] : memref<10000x128xf32, #tpu.memory_space<vmem>>, vector<10000x128xf32>
    tpu.vector_store %arg5[%swap3A, %swap3A_29], %select_n3A {strides = array<i32>} : memref<10000x128xf32, #tpu.memory_space<vmem>>, vector<10000x128xf32>,
    return
  }
}

</mosaic_0001>

<sc_bundles>
// kernel: kernel.10.cloned.1.call-start
scs
__scs_entry_jumppad:
0x0: {  	(pc) =	sbr.rel $0x88, $3  }
0x1: {  	(tag) =	ssettag $0x0;
	lr =	simm.s32 $0x1  }
0x2: {  	[smem:$0x3F99] =	sst lr;
	_ =	strace $0xD0000000  }
0x3: {  	_ = 	snop  }
0x4: {  	_ = 	snop  }
0x5: {  	_ = 	snop  }
0x6: {  	_ = 	snop  }
0x7: {  	_ = 	snop  }
__scs_overlays_trampoline_lowered:
0x8: {  	[smem:$0x3FA8] =	sst s0  }
0x9: {  	[smem:$0x3FA9] =	sst s1  }
0xa: {  	[smem:$0x3FAA] =	sst s2  }
0xb: {  	[smem:$0x3FAB] =	sst s3  }
0xc: {  	[smem:$0x3FAC] =	sst s4  }
0xd: {  	[smem:$0x3FAD] =	sst s5  }
0xe: {  	[smem:$0x3FAE] =	sst s6  }
0xf: {  	[smem:$0x3FAF] =	sst s7  }
0x10: {  	[smem:$0x3FB0] =	sst s8  }
0x11: {  	[smem:$0x3FB1] =	sst s9;
	s0 =	simm.s32 @!p0 $0x0  }
0x12: {  	s1 =	sld [smem:$0x3F97];
	s0 =	simm.s32 @p0 $0x1  }
0x13: {  	[smem:$0x3FB2] =	sst s0;
	s0 =	simm.s32 @!p1 $0x0  }
0x14: {  	s2 =	sld [smem:$0x3F96];
	s0 =	simm.s32 @p1 $0x1  }
0x15: {  	[smem:$0x3FB3] =	sst s0;
	s0 =	simm.s32 @!p2 $0x0  }
0x16: {  	s3 =	sld [smem:$0x3FDB];
	s0 =	simm.s32 @p2 $0x1  }
0x17: {  	s4 =	simm.s32 $0x1BF5;
	[smem:$0x3FB5] =	sst s0  }
0x18: {  	s0 =	sld [smem:$0x3F98];
	_ =	swait.ge [sflag:s4], $0x0  }
0x19: {  	s7 =	sld [smem:$0x3F99]  }
0x1a: {  	s8 =	sadd.s32 $0xFFFFE003, lr  }
0x1b: {  	s9 =	sadd.s32 $0xFFFFFEF7, lr;
	s5 =	simm.s32 $0xFFFFFFFF;
	p2 =	slt.u32 s8, $0xFFFFF086  }
0x1c: {  	p1 =	slt.u32 s9, $0xF7A;
	s5 =	simm.s32 @!p2 $0x0  }
0x1d: {  	s5 =	simm.s32 @p1 $0x1;
	p0 =	seq.s32 s7, s2  }
0x1e: {  	s7 =	smul.u32 @!p0 $0xF7A, s2;
	p2 =	seq.s32 @!p0 s5, $0x0  }
0x1f: {  	s9 =	smul.u32 $0xF7A, s1;
	s8 =	simm.s32 @!p0 $0x1BF5;
	p2 =	por !p2, p0  }
0x20: {  	[sflag:s8] =	ssyncset.s32 @!p0 $0xFFFFF086;
	s6 =	sadd.s32 @!p0 s3, s7;
	s7 =	simm.s32 @!p0 $0x108  }
0x21: {  	s3 =	sadd.s32 s3, s9;
	s6 =	sadd.s32 @!p0 $0x88, s6;
	s7 =	simm.s32 @p2 $0x1082  }
0x22: {  	[simem:s7], [sflag:s8] =	dma.local @!p0 [hbm:s6], $0xF7A  }
0x23: {  	s9 =	sor.u32 $0xD0000000, s2;
	s6 =	simm.s32 $0x108;
	_ =	swait.ge @!p0 [sflag:s8], $0x0  }
0x24: {  	s3 =	sadd.s32 $0x88, s3;
	s6 =	simm.s32 @!p1 $0x1082;
	[sflag:s4] =	ssyncset.s32 $0xFFFFF086  }
0x25: {  	[simem:s6], [sflag:s4] =	dma.local [hbm:s3], $0xF7A  }
0x26: {  	[smem:$0x3F99] =	sst s1;
	(tag) =	ssettag s2;
	_ =	strace s9  }
0x27: {  	s1 =	sld [smem:$0x3FA9]  }
0x28: {  	s2 =	sld [smem:$0x3FAA]  }
0x29: {  	s4 =	sld [smem:$0x3FAC]  }
0x2a: {  	p0 =	seq.s32 s5, $0x0;
	s5 =	sld [smem:$0x3FAD]  }
0x2b: {  	s6 =	sld [smem:$0x3FAE]  }
0x2c: {  	s7 =	sld [smem:$0x3FAF]  }
0x2d: {  	s3 =	simm.s32 $0x108;
	s8 =	sld [smem:$0x3FB0]  }
0x2e: {  	s3 =	simm.s32 @!p0 $0x1082;
	s9 =	sld [smem:$0x3FB1]  }
0x2f: {  	lr =	sadd.s32 s0, s3;
	s0 =	sld [smem:$0x3FA8]  }
0x30: {  	s3 =	sld [smem:$0x3FAB]  }
0x31: {  	[smem:$0x3FB4] =	sst s10  }
0x32: {  	s10 =	sld [smem:$0x3FB2];
	_ =	sdelay $0x3  }
0x33: {  	p0 =	seq.s32 s10, $0x1;
	s10 =	sld [smem:$0x3FB4];
	_ =	sdelay $0x3  }
0x34: {  	[smem:$0x3FB4] =	sst s10  }
0x35: {  	s10 =	sld [smem:$0x3FB3];
	_ =	sdelay $0x3  }
0x36: {  	p1 =	seq.s32 s10, $0x1;
	s10 =	sld [smem:$0x3FB4];
	_ =	sdelay $0x3  }
0x37: {  	[smem:$0x3FB4] =	sst s10  }
0x38: {  	s10 =	sld [smem:$0x3FB5]  }
0x39: {  	_ = 	snop;
	(pc) =	sbr.ind lr, $3  }
0x3a: {  	_ = 	snop  }
0x3b: {  	_ = 	snop  }
0x3c: {  	p2 =	seq.s32 s10, $0x1;
	s10 =	sld [smem:$0x3FB4]  }
0x3d: {  	_ =	shalt  }
0x3e: {  	_ =	shalt  }
0x3f: {  	_ =	shalt  }
0x40: {  	_ =	shalt  }
0x41: {  	_ =	shalt  }
0x42: {  	_ =	shalt  }
0x43: {  	_ =	shalt  }
0x44: {  	_ =	shalt  }
0x45: {  	_ =	shalt  }
0x46: {  	_ =	shalt  }
0x47: {  	_ =	shalt  }
0x48: {  	_ =	shalt  }
0x49: {  	_ =	shalt  }
0x4a: {  	_ =	shalt  }
0x4b: {  	_ =	shalt  }
0x4c: {  	_ =	shalt  }
0x4d: {  	_ =	shalt  }
0x4e: {  	_ =	shalt  }
0x4f: {  	_ =	shalt  }
0x50: {  	_ =	shalt  }
0x51: {  	_ =	shalt  }
0x52: {  	_ =	shalt  }
0x53: {  	_ =	shalt  }
0x54: {  	_ =	shalt  }
0x55: {  	_ =	shalt  }
0x56: {  	_ =	shalt  }
0x57: {  	_ =	shalt  }
0x58: {  	_ =	shalt  }
0x59: {  	_ =	shalt  }
0x5a: {  	_ =	shalt  }
0x5b: {  	_ =	shalt  }
0x5c: {  	_ =	shalt  }
0x5d: {  	_ =	shalt  }
0x5e: {  	_ =	shalt  }
0x5f: {  	_ =	shalt  }
0x60: {  	_ =	shalt  }
0x61: {  	_ =	shalt  }
0x62: {  	_ =	shalt  }
0x63: {  	_ =	shalt  }
0x64: {  	_ =	shalt  }
0x65: {  	_ =	shalt  }
0x66: {  	_ =	shalt  }
0x67: {  	_ =	shalt  }
0x68: {  	_ =	shalt  }
0x69: {  	_ =	shalt  }
0x6a: {  	_ =	shalt  }
0x6b: {  	_ =	shalt  }
0x6c: {  	_ =	shalt  }
0x6d: {  	_ =	shalt  }
0x6e: {  	_ =	shalt  }
0x6f: {  	_ =	shalt  }
0x70: {  	_ =	shalt  }
0x71: {  	_ =	shalt  }
0x72: {  	_ =	shalt  }
0x73: {  	_ =	shalt  }
0x74: {  	_ =	shalt  }
0x75: {  	_ =	shalt  }
0x76: {  	_ =	shalt  }
0x77: {  	_ =	shalt  }
0x78: {  	_ =	shalt  }
0x79: {  	_ =	shalt  }
0x7a: {  	_ =	shalt  }
0x7b: {  	_ =	shalt  }
0x7c: {  	_ =	shalt  }
0x7d: {  	_ =	shalt  }
0x7e: {  	_ =	shalt  }
0x7f: {  	_ =	shalt  }
0x80: {  	_ =	shalt  }
0x81: {  	_ =	shalt  }
0x82: {  	_ =	shalt  }
0x83: {  	_ =	shalt  }
0x84: {  	_ =	shalt  }
0x85: {  	_ =	shalt  }
0x86: {  	_ =	shalt  }
0x87: {  	_ =	shalt  }
.Lfunc_end0:
.L_simem_size_0:
called_computation_lowered:
.L_overlay_start_0:
0x88: {  	s2 =	sld [smem:$0x3FD9]  }
0x89: {  	s3 =	sld [smem:$0x3FFE];
	_ =	sdelay $0x1  }
0x8a: {  	s1 =	srdreg.scid  }
0x8b: {  	s0 =	sand.u32 $0x1, s1  }
0x8c: {  	s17 =	sshll.u32 s0, $0xA;
	s2 =	sadd.s32 s3, s2  }
0x8d: {  	s2 =	sadd.s32 s2, s17  }
0x8e: {  	[smem:$0x3FC0] =	sst s2  }
0x8f: {  	_ = 	snop  }
0x90: {  	s2 =	sld [smem:$0x3FD0];
	(tm) =	ssettm $0x1  }
0x91: {  	s18 =	sld [smem:$0x3FFB];
	_ =	sdelay $0x3  }
0x92: {  	_ =	strace s18  }
0x93: {  	s3 =	sld [smem:$0x3FFC];
	_ =	sdelay $0x3  }
0x94: {  	_ =	strace s3  }
0x95: {  	s3 =	sld [smem:$0x3FFD];
	_ =	sdelay $0x3  }
0x96: {  	_ =	strace s3  }
0x97: {  	_ =	strace $0x8FFFFFFF  }
0x98: {  	s19 =	sld [smem:$0x3FDB];
	_ =	sdelay $0x1  }
0x99: {  	s4 =	simm.s32 $_scs_section_size  }
0x9a: {  	s5 =	simm.s32 $_size__tile_overlayer_lowered;
	s6 =	simm.s32 $_tile_overlayer_lowered  }
0x9b: {  	s22 =	simm.s32 $0x1BFF;
	s21 =	sshll.u32 s6, $0x1;
	s3 =	sadd.s32 s4, s19  }
0x9c: {  	s7 =	simm.s32 $0x0;
	s20 =	sshll.u32 s5, $0x1;
	s5 =	sadd.s32 s21, s3  }
0x9d: {  	[timem:s7], [sflag:s22] =	dma.local [hbm:s5], s20  }
0x9e: {  	_ =	swait.ge [sflag:s22], s20  }
0x9f: {  	s4 =	ssub.s32 $0x0, s20;
	[sflag:s22] =	ssyncset.done $0x0  }
0xa0: {  	[sflag:s22] =	ssyncadd.s32 s4;
	_ =	sdelay $0x1  }
0xa1: {  	s23 =	simm.s32 $0x1B8B  }
0xa2: {  	_ =	swait.ge [sflag:s23], $0x1  }
0xa3: {  	[sflag:s23] =	ssyncset.done $0x0  }
0xa4: {  	s25 =	simm.s32 $0x1B8E;
	s24 =	sld [smem:$0x3FFE];
	[sflag:s23] =	ssyncadd.s32 $0xFFFFFFFF  }
0xa5: {  	s26 =	simm.s32 $execute0_lowered;
	[smem:$0x3FD2] =	sst s25  }
0xa6: {  	s5 =	sshll.u32 s26, $0x1;
	_ =	strace $0x80000046;
	[dreg:$0x1] =	wrdreg $0xFFFFFFFF  }
0xa7: {  	s28 =	simm.s32 $_size_execute0_lowered;
	s3 =	sadd.s32 s3, s5;
	[dreg:$0x0] =	wrdreg $0x0  }
0xa8: {  	s5 =	sshll.u32 s28, $0x1;
	[dreg:$0x2] =	wrdreg s3  }
0xa9: {  	[dreg:$0x3] =	wrdreg s5  }
0xaa: {  	[dreg:$0x4] =	wrdreg $0xC0  }
0xab: {  	_ =	task [dreg:s7], $0x5FFFF  }
0xac: {  	[dreg:$0x1] =	wrdreg $0xFFFFFFFF  }
0xad: {  	[dreg:$0x0] =	wrdreg $0x60  }
0xae: {  	[dreg:$0x2] =	wrdreg s24  }
0xaf: {  	[dreg:$0x3] =	wrdreg s2  }
0xb0: {  	[dreg:$0x4] =	wrdreg $0x28800  }
0xb1: {  	[dreg:$0x5] =	wrdreg $0x9  }
0xb2: {  	_ =	task.clear_ibuf [dreg:s7], $0x6FFFF;
	_ =	strace $0x90000046  }
0xb3: {  	s29 =	simm.s32 $0x9;
	_ =	strace $0x80000048  }
0xb4: {  	_ =	swait.ge [sflag:s29], $0x1  }
0xb5: {  	[sflag:s29] =	ssyncadd.s32 $0xFFFFFFFF  }
0xb6: {  	_ =	strace $0x90000048  }
0xb7: {  	_ =	sfence  }
0xb8: {  	s30 =	sld [smem:$0x0];
	_ =	sdelay $0x2  }
0xb9: {  	s31 =	sshll.u32 s1, $0xD;
	s1 =	sshrl.u32 s1, $0x2  }
0xba: {  	s3 =	sand.u32 $0x4000, s31;
	s1 =	sadd.s32 s1, s30  }
0xbb: {  	s0 =	sor.u32 s3, s0;
	s1 =	sshll.u32 s1, $0x11  }
0xbc: {  	s0 =	sor.u32 s1, s0  }
0xbd: {  	s0 =	sadd.s32 $0x8F2B, s0  }
0xbe: {  	[sflag:s0] =	ssyncadd.remote.s32 $0x1  }
0xbf: {  	_ =	sfence.sel $0xFFFF  }
0xc0: {  	[dreg:$0x0] =	wrdreg $0xFFFFFFFF;
	(pc) =	sbr.abs _section_cstart, $3  }
0xc1: {  	[dreg:$0x1] =	wrdreg $0xFFFFFFFF  }
0xc2: {  	_ =	task.clear_ibuf [dreg:s7], $0x2FFFF;
	_ =	strace $0x9FFFFFFF  }
0xc3: {  	(tm) =	ssettm $0x7FFFFFFF  }
tec
execute0_lowered:
.L_overlay_start_1:
0x0: {  	(tag) =	ssettag $0x1  }
0x1: {  	s3 =	rddreg [dreg:$0x0]  }
0x2: {  	s0 =	srdreg.scid;
	s5 =	rddreg [dreg:$0x1]  }
0x3: {  	s1 =	rddreg [dreg:$0x2];
	s6 =	stileid.u32;
	s2 =	simm.s32 $0x0  }
0x4: {  	s10 =	simm.s32 $0x2800;
	s4 =	sand.u32 $0x1, s0;
	s0 =	rddreg [dreg:$0x3]  }
0x5: {  	s11 =	simm.s32 $0x0;
	[smem:$0x7FF] =	sst s2;
	s7 =	sshll.u32 s4, $0x4  }
0x6: {  	p0 =	sne.s32 s6, $0x0;
	s4 =	ssub.s32 $0x2, s4;
	s8 =	sor.u32 s6, s7  }
0x7: {  	_ =	strace $0x80000047;
	s9 =	sshrl.u32 s4, $0x1;
	s8 =	smul.u32 $0x500, s8  }
0x8: {  	s5 =	sadd.s32 s5, s7;
	s7 =	simm.s32 $0x1;
	s9 =	ssub.s32 s4, s9  }
0x9: {  	s6 =	smax.u32 s9, $0x1;
	s9 =	simm.s32 $0x80;
	s8 =	sadd.s32 s8, s3  }
0xa: {  	v0 =	vimm.f32 $1.000000000e+00;
	s3 =	sadd.s32 $0x18600, s3;
	s4 =	sadd.s32 $0x4600, s8;
	s8 =	sshrl.u32 @!p0 s1, $0x3  }
.LBB2_1:
0xb: {  	[tilespmem:s2], [sflag:$0x1] =	stream.linear.gather [hbm4b:s4+s2], $0x2800, $0x38;
	[tilespmem:$0x2AF8] =	vst v63  }
0xc: {  	_ =	swait.ge [sflag:s7], $0x2800  }
0xd: {  	[sflag:s7] =	ssyncset.done $0x0  }
0xe: {  	[sflag:s7] =	ssyncadd.s32 $0xFFFFD800  }
0xf: {  	[tilespmem:$0x2800] =	vst v0  }
0x10: {  	[tilespmem:$0x2810] =	vst v0  }
0x11: {  	[tilespmem:$0x2820] =	vst v0  }
0x12: {  	[tilespmem:$0x2830] =	vst v0  }
0x13: {  	[tilespmem:$0x2840] =	vst v0  }
0x14: {  	[tilespmem:$0x2850] =	vst v0  }
0x15: {  	[tilespmem:$0x2860] =	vst v0  }
0x16: {  	s12 =	simm.s32 @!p0 $0x1C01;
	[tilespmem:$0x2870] =	vst v0  }
0x17: {  	[spmem:s8], [sflag:s12] =	dma.local @!p0 [hbm:s3], $0x4F0  }
0x18: {  	s12 =	simm.s32 @!p0 $0x1  }
0x19: {  	_ =	swait.ge @!p0 [sflag:s12], $0x4F0  }
0x1a: {  	[sflag:s12] =	ssyncset.done @!p0 $0x0  }
0x1b: {  	[sflag:s12] =	ssyncadd.s32 @!p0 $0xFFFFFB10  }
0x1c: {  	s31 =	simm.s32 $0x0;
	[bflag:$0x0] =	sbarrier.arrive $0xFFFF  }
0x1d: {  	[spmem:s1] =	stream.indirect.scatter.add.f32 [tilespmem:s10], [sflag:$0x1], $0x1, s31, s9, $0xb8;
	[tilespmem:$0x2AF8] =	vst v63  }
0x1e: {  	_ =	swait.ge [sflag:s7], $0x80  }
0x1f: {  	s12 =	simm.s32 $0x200;
	[sflag:s7] =	ssyncset.done $0x0  }
.LBB2_2:
0x20: {  	s13 =	sshra.s32 s12, $0x2;
	[sflag:s7] =	ssyncadd.s32 $0xFFFFFF80;
	p1 =	sne.s32 s12, $0x9E00  }
0x21: {  	[spmem:s1] =	stream.indirect.scatter.add.f32 [tilespmem:s10], [sflag:$0x1], $0x1, s13, s9, $0xb8;
	[tilespmem:$0x2AF8] =	vst v63  }
.Ltmp0:
0x22: {  	_ = 	snop;
	(pc) =	sbr.rel @p1 .LBB2_2-.Ltmp0, $4  }
0x23: {  	_ = 	snop  }
0x24: {  	s12 =	sadd.s32 $0x200, s12  }
0x25: {  	_ =	swait.ge [sflag:s7], $0x80  }
0x26: {  	[sflag:s7] =	ssyncset.done $0x0  }
0x27: {  	[sflag:s7] =	ssyncadd.s32 $0xFFFFFF80;
	s12 =	simm.s32 @!p0 $0x1;
	s11 =	sadd.s32 $0x1, s11  }
0x28: {  	s13 =	simm.s32 @!p0 $0x20;
	s14 =	simm.s32 @!p0 $0x10;
	p1 =	sne.s32 s11, s6  }
.Ltmp1:
0x29: {  	s15 =	simm.s32 @!p0 $0x1C01;
	[bflag:$0x0] =	sbarrier.arrive $0xFFFF;
	(pc) =	sbr.rel @p1 .LBB2_1-.Ltmp1, $4  }
0x2a: {  	[hbm:s5@s13], [sflag:s15] =	dma.strided @!p0 [spmem:s8@s14], $0x4F0, s12, $0x10   }
0x2b: {  	_ =	swait.ge @!p0 [sflag:s12], $0x4F0  }
0x2c: {  	[sflag:s12] =	ssyncset.done @!p0 $0x0  }
0x2d: {  	[sflag:s12] =	ssyncadd.s32 @!p0 $0xFFFFFB10  }
0x2e: {  	_ =	sfence.sel $0x180000  }
0x2f: {  	[bflag:$0x0] =	sbarrier.arrive $0xFFFF  }
0x30: {  	_ =	strace $0x90000047  }
0x31: {  	s0 =	sadd.s32 @!p0 $0x100000, s0;
	[bflag:$0x2] =	sbarrier.arrive $0xFFFF  }
0x32: {  	[sflag:s0] =	ssyncadd.tile.s32 @!p0 $0x1;
	_ =	shalt  }
.Lfunc_end2:
_tile_overlayer_lowered:
.L_overlay_start_2:
0x33: {  	(tag) =	ssettag $0x2  }
0x34: {  	s0 =	rddreg [dreg:$0x0];
	s2 =	stileid.u32  }
0x35: {  	s1 =	rddreg [dreg:$0x1];
	p0 =	sne.s32 s2, $0x0  }
0x36: {  	s3 =	rddreg [dreg:$0x2];
	[bflag:$0x3] =	sbarrier.arrive $0xFFFF;
	s2 =	simm.s32 @!p0 $0x1C01  }
0x37: {  	[timem:s3], [sflag:s2] =	dma.local @!p0 [hbm:s0], s1  }
0x38: {  	s0 =	simm.s32 @!p0 $0x1  }
0x39: {  	_ =	swait.ge @!p0 [sflag:s0], s1  }
0x3a: {  	s1 =	ssub.s32 @!p0 $0x0, s1;
	[sflag:s0] =	ssyncset.done @!p0 $0x0  }
0x3b: {  	[sflag:s0] =	ssyncadd.s32 @!p0 s1  }
0x3c: {  	[bflag:$0x3] =	sbarrier.arrive $0xFFFF  }
0x3d: {  	_ =	shalt  }

// kernel: kernel.13.cloned.1.call-start
scs
__scs_entry_jumppad:
0x0: {  	(pc) =	sbr.rel $0x88, $3  }
0x1: {  	(tag) =	ssettag $0x0;
	lr =	simm.s32 $0x1  }
0x2: {  	[smem:$0x3F99] =	sst lr;
	_ =	strace $0xD0000000  }
0x3: {  	_ = 	snop  }
0x4: {  	_ = 	snop  }
0x5: {  	_ = 	snop  }
0x6: {  	_ = 	snop  }
0x7: {  	_ = 	snop  }
__scs_overlays_trampoline_lowered:
0x8: {  	[smem:$0x3FA8] =	sst s0  }
0x9: {  	[smem:$0x3FA9] =	sst s1  }
0xa: {  	[smem:$0x3FAA] =	sst s2  }
0xb: {  	[smem:$0x3FAB] =	sst s3  }
0xc: {  	[smem:$0x3FAC] =	sst s4  }
0xd: {  	[smem:$0x3FAD] =	sst s5  }
0xe: {  	[smem:$0x3FAE] =	sst s6  }
0xf: {  	[smem:$0x3FAF] =	sst s7  }
0x10: {  	[smem:$0x3FB0] =	sst s8  }
0x11: {  	[smem:$0x3FB1] =	sst s9;
	s0 =	simm.s32 @!p0 $0x0  }
0x12: {  	s1 =	sld [smem:$0x3F97];
	s0 =	simm.s32 @p0 $0x1  }
0x13: {  	[smem:$0x3FB2] =	sst s0;
	s0 =	simm.s32 @!p1 $0x0  }
0x14: {  	s2 =	sld [smem:$0x3F96];
	s0 =	simm.s32 @p1 $0x1  }
0x15: {  	[smem:$0x3FB3] =	sst s0;
	s0 =	simm.s32 @!p2 $0x0  }
0x16: {  	s3 =	sld [smem:$0x3FDB];
	s0 =	simm.s32 @p2 $0x1  }
0x17: {  	s4 =	simm.s32 $0x1BF5;
	[smem:$0x3FB5] =	sst s0  }
0x18: {  	s0 =	sld [smem:$0x3F98];
	_ =	swait.ge [sflag:s4], $0x0  }
0x19: {  	s7 =	sld [smem:$0x3F99]  }
0x1a: {  	s8 =	sadd.s32 $0xFFFFE003, lr  }
0x1b: {  	s9 =	sadd.s32 $0xFFFFFEF7, lr;
	s5 =	simm.s32 $0xFFFFFFFF;
	p2 =	slt.u32 s8, $0xFFFFF086  }
0x1c: {  	p1 =	slt.u32 s9, $0xF7A;
	s5 =	simm.s32 @!p2 $0x0  }
0x1d: {  	s5 =	simm.s32 @p1 $0x1;
	p0 =	seq.s32 s7, s2  }
0x1e: {  	s7 =	smul.u32 @!p0 $0xF7A, s2;
	p2 =	seq.s32 @!p0 s5, $0x0  }
0x1f: {  	s9 =	smul.u32 $0xF7A, s1;
	s8 =	simm.s32 @!p0 $0x1BF5;
	p2 =	por !p2, p0  }
0x20: {  	[sflag:s8] =	ssyncset.s32 @!p0 $0xFFFFF086;
	s6 =	sadd.s32 @!p0 s3, s7;
	s7 =	simm.s32 @!p0 $0x108  }
0x21: {  	s3 =	sadd.s32 s3, s9;
	s6 =	sadd.s32 @!p0 $0x88, s6;
	s7 =	simm.s32 @p2 $0x1082  }
0x22: {  	[simem:s7], [sflag:s8] =	dma.local @!p0 [hbm:s6], $0xF7A  }
0x23: {  	s9 =	sor.u32 $0xD0000000, s2;
	s6 =	simm.s32 $0x108;
	_ =	swait.ge @!p0 [sflag:s8], $0x0  }
0x24: {  	s3 =	sadd.s32 $0x88, s3;
	s6 =	simm.s32 @!p1 $0x1082;
	[sflag:s4] =	ssyncset.s32 $0xFFFFF086  }
0x25: {  	[simem:s6], [sflag:s4] =	dma.local [hbm:s3], $0xF7A  }
0x26: {  	[smem:$0x3F99] =	sst s1;
	(tag) =	ssettag s2;
	_ =	strace s9  }
0x27: {  	s1 =	sld [smem:$0x3FA9]  }
0x28: {  	s2 =	sld [smem:$0x3FAA]  }
0x29: {  	s4 =	sld [smem:$0x3FAC]  }
0x2a: {  	p0 =	seq.s32 s5, $0x0;
	s5 =	sld [smem:$0x3FAD]  }
0x2b: {  	s6 =	sld [smem:$0x3FAE]  }
0x2c: {  	s7 =	sld [smem:$0x3FAF]  }
0x2d: {  	s3 =	simm.s32 $0x108;
	s8 =	sld [smem:$0x3FB0]  }
0x2e: {  	s3 =	simm.s32 @!p0 $0x1082;
	s9 =	sld [smem:$0x3FB1]  }
0x2f: {  	lr =	sadd.s32 s0, s3;
	s0 =	sld [smem:$0x3FA8]  }
0x30: {  	s3 =	sld [smem:$0x3FAB]  }
0x31: {  	[smem:$0x3FB4] =	sst s10  }
0x32: {  	s10 =	sld [smem:$0x3FB2];
	_ =	sdelay $0x3  }
0x33: {  	p0 =	seq.s32 s10, $0x1;
	s10 =	sld [smem:$0x3FB4];
	_ =	sdelay $0x3  }
0x34: {  	[smem:$0x3FB4] =	sst s10  }
0x35: {  	s10 =	sld [smem:$0x3FB3];
	_ =	sdelay $0x3  }
0x36: {  	p1 =	seq.s32 s10, $0x1;
	s10 =	sld [smem:$0x3FB4];
	_ =	sdelay $0x3  }
0x37: {  	[smem:$0x3FB4] =	sst s10  }
0x38: {  	s10 =	sld [smem:$0x3FB5]  }
0x39: {  	_ = 	snop;
	(pc) =	sbr.ind lr, $3  }
0x3a: {  	_ = 	snop  }
0x3b: {  	_ = 	snop  }
0x3c: {  	p2 =	seq.s32 s10, $0x1;
	s10 =	sld [smem:$0x3FB4]  }
0x3d: {  	_ =	shalt  }
0x3e: {  	_ =	shalt  }
0x3f: {  	_ =	shalt  }
0x40: {  	_ =	shalt  }
0x41: {  	_ =	shalt  }
0x42: {  	_ =	shalt  }
0x43: {  	_ =	shalt  }
0x44: {  	_ =	shalt  }
0x45: {  	_ =	shalt  }
0x46: {  	_ =	shalt  }
0x47: {  	_ =	shalt  }
0x48: {  	_ =	shalt  }
0x49: {  	_ =	shalt  }
0x4a: {  	_ =	shalt  }
0x4b: {  	_ =	shalt  }
0x4c: {  	_ =	shalt  }
0x4d: {  	_ =	shalt  }
0x4e: {  	_ =	shalt  }
0x4f: {  	_ =	shalt  }
0x50: {  	_ =	shalt  }
0x51: {  	_ =	shalt  }
0x52: {  	_ =	shalt  }
0x53: {  	_ =	shalt  }
0x54: {  	_ =	shalt  }
0x55: {  	_ =	shalt  }
0x56: {  	_ =	shalt  }
0x57: {  	_ =	shalt  }
0x58: {  	_ =	shalt  }
0x59: {  	_ =	shalt  }
0x5a: {  	_ =	shalt  }
0x5b: {  	_ =	shalt  }
0x5c: {  	_ =	shalt  }
0x5d: {  	_ =	shalt  }
0x5e: {  	_ =	shalt  }
0x5f: {  	_ =	shalt  }
0x60: {  	_ =	shalt  }
0x61: {  	_ =	shalt  }
0x62: {  	_ =	shalt  }
0x63: {  	_ =	shalt  }
0x64: {  	_ =	shalt  }
0x65: {  	_ =	shalt  }
0x66: {  	_ =	shalt  }
0x67: {  	_ =	shalt  }
0x68: {  	_ =	shalt  }
0x69: {  	_ =	shalt  }
0x6a: {  	_ =	shalt  }
0x6b: {  	_ =	shalt  }
0x6c: {  	_ =	shalt  }
0x6d: {  	_ =	shalt  }
0x6e: {  	_ =	shalt  }
0x6f: {  	_ =	shalt  }
0x70: {  	_ =	shalt  }
0x71: {  	_ =	shalt  }
0x72: {  	_ =	shalt  }
0x73: {  	_ =	shalt  }
0x74: {  	_ =	shalt  }
0x75: {  	_ =	shalt  }
0x76: {  	_ =	shalt  }
0x77: {  	_ =	shalt  }
0x78: {  	_ =	shalt  }
0x79: {  	_ =	shalt  }
0x7a: {  	_ =	shalt  }
0x7b: {  	_ =	shalt  }
0x7c: {  	_ =	shalt  }
0x7d: {  	_ =	shalt  }
0x7e: {  	_ =	shalt  }
0x7f: {  	_ =	shalt  }
0x80: {  	_ =	shalt  }
0x81: {  	_ =	shalt  }
0x82: {  	_ =	shalt  }
0x83: {  	_ =	shalt  }
0x84: {  	_ =	shalt  }
0x85: {  	_ =	shalt  }
0x86: {  	_ =	shalt  }
0x87: {  	_ =	shalt  }
.Lfunc_end0:
.L_simem_size_0:
called_computation.1_lowered:
.L_overlay_start_0:
0x88: {  	s2 =	sld [smem:$0x3FD9]  }
0x89: {  	s3 =	sld [smem:$0x3FFE];
	_ =	sdelay $0x1  }
0x8a: {  	s1 =	srdreg.scid  }
0x8b: {  	s0 =	sand.u32 $0x1, s1  }
0x8c: {  	s17 =	sshll.u32 s0, $0xA;
	s2 =	sadd.s32 s3, s2  }
0x8d: {  	s2 =	sadd.s32 s2, s17  }
0x8e: {  	[smem:$0x3FC0] =	sst s2  }
0x8f: {  	_ = 	snop  }
0x90: {  	s2 =	sld [smem:$0x3FD0];
	(tm) =	ssettm $0x1  }
0x91: {  	s18 =	sld [smem:$0x3FFB];
	_ =	sdelay $0x3  }
0x92: {  	_ =	strace s18  }
0x93: {  	s3 =	sld [smem:$0x3FFC];
	_ =	sdelay $0x3  }
0x94: {  	_ =	strace s3  }
0x95: {  	s3 =	sld [smem:$0x3FFD];
	_ =	sdelay $0x3  }
0x96: {  	_ =	strace s3  }
0x97: {  	_ =	strace $0x8FFFFFFF  }
0x98: {  	s19 =	sld [smem:$0x3FDB];
	_ =	sdelay $0x1  }
0x99: {  	s4 =	simm.s32 $_scs_section_size  }
0x9a: {  	s5 =	simm.s32 $_size__tile_overlayer_lowered;
	s6 =	simm.s32 $_tile_overlayer_lowered  }
0x9b: {  	s22 =	simm.s32 $0x1BFF;
	s21 =	sshll.u32 s6, $0x1;
	s3 =	sadd.s32 s4, s19  }
0x9c: {  	s7 =	simm.s32 $0x0;
	s20 =	sshll.u32 s5, $0x1;
	s5 =	sadd.s32 s21, s3  }
0x9d: {  	[timem:s7], [sflag:s22] =	dma.local [hbm:s5], s20  }
0x9e: {  	_ =	swait.ge [sflag:s22], s20  }
0x9f: {  	s4 =	ssub.s32 $0x0, s20;
	[sflag:s22] =	ssyncset.done $0x0  }
0xa0: {  	[sflag:s22] =	ssyncadd.s32 s4;
	_ =	sdelay $0x1  }
0xa1: {  	s23 =	simm.s32 $0x1B8B  }
0xa2: {  	_ =	swait.ge [sflag:s23], $0x1  }
0xa3: {  	[sflag:s23] =	ssyncset.done $0x0  }
0xa4: {  	s25 =	simm.s32 $0x1B8E;
	s24 =	sld [smem:$0x3FFE];
	[sflag:s23] =	ssyncadd.s32 $0xFFFFFFFF  }
0xa5: {  	s26 =	simm.s32 $execute0_lowered;
	[smem:$0x3FD2] =	sst s25  }
0xa6: {  	s5 =	sshll.u32 s26, $0x1;
	_ =	strace $0x80000049;
	[dreg:$0x1] =	wrdreg $0xFFFFFFFF  }
0xa7: {  	s28 =	simm.s32 $_size_execute0_lowered;
	s3 =	sadd.s32 s3, s5;
	[dreg:$0x0] =	wrdreg $0x0  }
0xa8: {  	s5 =	sshll.u32 s28, $0x1;
	[dreg:$0x2] =	wrdreg s3  }
0xa9: {  	[dreg:$0x3] =	wrdreg s5  }
0xaa: {  	[dreg:$0x4] =	wrdreg $0xC0  }
0xab: {  	_ =	task [dreg:s7], $0x5FFFF  }
0xac: {  	[dreg:$0x1] =	wrdreg $0xFFFFFFFF  }
0xad: {  	[dreg:$0x0] =	wrdreg $0x60  }
0xae: {  	[dreg:$0x2] =	wrdreg s2  }
0xaf: {  	[dreg:$0x3] =	wrdreg s24  }
0xb0: {  	[dreg:$0x4] =	wrdreg $0xA8000  }
0xb1: {  	[dreg:$0x5] =	wrdreg $0x9  }
0xb2: {  	_ =	task.clear_ibuf [dreg:s7], $0x6FFFF;
	_ =	strace $0x90000049  }
0xb3: {  	s29 =	simm.s32 $0x9;
	_ =	strace $0x8000004B  }
0xb4: {  	_ =	swait.ge [sflag:s29], $0x1  }
0xb5: {  	[sflag:s29] =	ssyncadd.s32 $0xFFFFFFFF  }
0xb6: {  	_ =	strace $0x9000004B  }
0xb7: {  	_ =	sfence  }
0xb8: {  	s30 =	sld [smem:$0x0];
	_ =	sdelay $0x2  }
0xb9: {  	s31 =	sshll.u32 s1, $0xD;
	s1 =	sshrl.u32 s1, $0x2  }
0xba: {  	s3 =	sand.u32 $0x4000, s31;
	s1 =	sadd.s32 s1, s30  }
0xbb: {  	s0 =	sor.u32 s3, s0;
	s1 =	sshll.u32 s1, $0x11  }
0xbc: {  	s0 =	sor.u32 s1, s0  }
0xbd: {  	s0 =	sadd.s32 $0x8F2B, s0  }
0xbe: {  	[sflag:s0] =	ssyncadd.remote.s32 $0x1  }
0xbf: {  	_ =	sfence.sel $0xFFFF  }
0xc0: {  	[dreg:$0x0] =	wrdreg $0xFFFFFFFF;
	(pc) =	sbr.abs _section_cstart, $3  }
0xc1: {  	[dreg:$0x1] =	wrdreg $0xFFFFFFFF  }
0xc2: {  	_ =	task.clear_ibuf [dreg:s7], $0x2FFFF;
	_ =	strace $0x9FFFFFFF  }
0xc3: {  	(tm) =	ssettm $0x7FFFFFFF  }
tec
execute0_lowered:
.L_overlay_start_1:
0x0: {  	(tag) =	ssettag $0x1  }
0x1: {  	s1 =	rddreg [dreg:$0x0]  }
0x2: {  	s6 =	rddreg [dreg:$0x1]  }
0x3: {  	s2 =	rddreg [dreg:$0x2]  }
0x4: {  	s0 =	rddreg [dreg:$0x3]  }
0x5: {  	s3 =	simm.s32 $0x0;
	s4 =	srdreg.scid;
	s15 =	simm.s32 $0x80  }
0x6: {  	s16 =	simm.s32 $0x2800;
	s17 =	simm.s32 $0x6800;
	s18 =	simm.s32 $0x1  }
0x7: {  	s19 =	simm.s32 $0x2;
	s20 =	simm.s32 $0x1380;
	s21 =	simm.s32 $0x2700  }
0x8: {  	s22 =	simm.s32 $0x2780;
	s24 =	simm.s32 $0x0;
	[smem:$0x7FF] =	sst s3  }
0x9: {  	s5 =	sand.u32 $0x1, s4;
	s4 =	stileid.u32;
	s10 =	sadd.s32 $0xE600, s6  }
0xa: {  	s11 =	sadd.s32 $0x4600, s6;
	s7 =	smul.u32 $0x13C000, s5;
	_ =	strace $0x8000004A  }
0xb: {  	s8 =	smul.u32 $0x13C00, s4;
	s9 =	sshll.u32 s5, $0x4;
	s29 =	ssub.s32 $0x2, s5  }
0xc: {  	s5 =	sadd.s32 $0x3FE00, s6;
	s14 =	smul.u32 $0x4F000, s4;
	p0 =	sne.s32 s4, $0x0  }
0xd: {  	s9 =	sor.u32 s4, s9;
	s12 =	sshrl.u32 s29, $0x1;
	s7 =	sadd.s32 s8, s7  }
0xe: {  	s9 =	smul.u32 $0x2800, s9;
	s12 =	ssub.s32 s29, s12;
	s31 =	sshrl.u32 s14, $0x2  }
0xf: {  	s14 =	simm.s32 $0x1400;
	s7 =	sshrl.u32 s7, $0x3;
	s23 =	sadd.s32 s31, s2  }
0x10: {  	s13 =	sadd.s32 s7, s6;
	s30 =	sshrl.u32 s9, $0x3;
	s23 =	sshrl.u32 s23, $0x3  }
0x11: {  	s6 =	sadd.s32 s10, s30;
	s9 =	sadd.s32 $0x280, s30;
	s7 =	sadd.s32 s11, s30  }
0x12: {  	s8 =	sadd.s32 s10, s9;
	s9 =	sadd.s32 s11, s9;
	s10 =	sadd.s32 $0x67600, s13  }
0x13: {  	s11 =	smax.u32 s12, $0x1;
	s12 =	sshrl.u32 @!p0 s2, $0x3;
	s13 =	simm.s32 $0x3  }
.LBB2_1:
0x14: {  	s25 =	simm.s32 @!p0 $0x1C03  }
0x15: {  	[spmem:s12], [sflag:s25] =	dma.local @!p0 [hbm:s5], $0x27800  }
0x16: {  	s25 =	simm.s32 @!p0 $0x3  }
0x17: {  	_ =	swait.ge @!p0 [sflag:s25], $0x27800  }
0x18: {  	[sflag:s25] =	ssyncset.done @!p0 $0x0  }
0x19: {  	[sflag:s25] =	ssyncadd.s32 @!p0 $0xFFFD8800  }
0x1a: {  	[bflag:$0x0] =	sbarrier.arrive $0xFFFF  }
0x1b: {  	[tilespmem:s3], [sflag:$0x3] =	stream.linear.gather [hbm4b:s6+s3], $0x1400, $0x38;
	[tilespmem:$0x1E400] =	vst v63  }
0x1c: {  	_ =	swait.ge [sflag:s13], $0x1400  }
0x1d: {  	[sflag:s13] =	ssyncset.done $0x0  }
0x1e: {  	[sflag:s13] =	ssyncadd.s32 $0xFFFFEC00  }
0x1f: {  	[tilespmem:s14], [sflag:$0x3] =	stream.linear.gather [hbm4b:s7+s3], $0x1400, $0x38;
	[tilespmem:$0x1E400] =	vst v63  }
0x20: {  	_ =	swait.ge [sflag:s13], $0x1400  }
0x21: {  	[sflag:s13] =	ssyncset.done $0x0  }
0x22: {  	[sflag:s13] =	ssyncadd.s32 $0xFFFFEC00  }
0x23: {  	[tilespmem:s16], [sflag:$0x1] =	stream.indirect.gather [hbm4b:s1+s15], $0x80, s3, s15, $0xb8;
	[tilespmem:$0x1E400] =	vst v63  }
0x24: {  	s28 =	simm.s32 $0x80  }
0x25: {  	[tilespmem:s17], [sflag:$0x2] =	stream.indirect.gather [hbm4b:s1+s15], $0x80, s28, s15, $0xb8;
	[tilespmem:$0x1E400] =	vst v63  }
0x26: {  	_ =	swait.ge [sflag:s18], $0x4000  }
0x27: {  	[sflag:s18] =	ssyncset.done $0x0  }
0x28: {  	s29 =	simm.s32 $0x1400;
	[sflag:s18] =	ssyncadd.s32 $0xFFFFC000  }
0x29: {  	[spmem:s2] =	stream.indirect.scatter.add.f32 [tilespmem:s16], [sflag:$0x3], $0x80, s29, s15, $0xb8;
	[tilespmem:$0x1E400] =	vst v63  }
0x2a: {  	_ =	swait.ge [sflag:s13], $0x4000  }
0x2b: {  	[sflag:s13] =	ssyncset.done $0x0  }
0x2c: {  	s30 =	simm.s32 $0x100;
	[sflag:s13] =	ssyncadd.s32 $0xFFFFC000  }
0x2d: {  	[tilespmem:s16], [sflag:$0x1] =	stream.indirect.gather [hbm4b:s1+s15], $0x80, s30, s15, $0xb8;
	[tilespmem:$0x1E400] =	vst v63  }
0x2e: {  	_ =	swait.ge [sflag:s19], $0x4000  }
0x2f: {  	[sflag:s19] =	ssyncset.done $0x0  }
0x30: {  	s31 =	simm.s32 $0x1480;
	[sflag:s19] =	ssyncadd.s32 $0xFFFFC000  }
0x31: {  	[spmem:s2] =	stream.indirect.scatter.add.f32 [tilespmem:s17], [sflag:$0x3], $0x80, s31, s15, $0xb8;
	[tilespmem:$0x1E400] =	vst v63  }
0x32: {  	_ =	swait.ge [sflag:s13], $0x4000  }
0x33: {  	s26 =	simm.s32 $0x800;
	s25 =	simm.s32 $0x100;
	[sflag:s13] =	ssyncset.done $0x0  }
.LBB2_2:
0x34: {  	s28 =	sadd.s32 $0x80, s25  }
0x35: {  	[sflag:s13] =	ssyncadd.s32 $0xFFFFC000;
	s29 =	smov.u32 s26;
	s30 =	sadd.s32 $0x400, s26  }
0x36: {  	[tilespmem:s17], [sflag:$0x2] =	stream.indirect.gather [hbm4b:s1+s15], $0x80, s28, s15, $0xb8;
	[tilespmem:$0x1E400] =	vst v63  }
0x37: {  	p1 =	sne.s32 s26, $0x4800;
	_ =	swait.ge [sflag:s18], $0x4000  }
0x38: {  	[sflag:s18] =	ssyncset.done $0x0  }
0x39: {  	s26 =	sadd.s32 $0x1400, s25;
	[sflag:s18] =	ssyncadd.s32 $0xFFFFC000  }
0x3a: {  	[spmem:s2] =	stream.indirect.scatter.add.f32 [tilespmem:s16], [sflag:$0x3], $0x80, s26, s15, $0xb8;
	[tilespmem:$0x1E400] =	vst v63  }
0x3b: {  	_ =	swait.ge [sflag:s13], $0x4000  }
0x3c: {  	[sflag:s13] =	ssyncset.done $0x0  }
0x3d: {  	s26 =	sadd.s32 $0x100, s25;
	[sflag:s13] =	ssyncadd.s32 $0xFFFFC000  }
0x3e: {  	[tilespmem:s16], [sflag:$0x1] =	stream.indirect.gather [hbm4b:s1+s15], $0x80, s26, s15, $0xb8;
	[tilespmem:$0x1E400] =	vst v63  }
0x3f: {  	_ =	swait.ge [sflag:s19], $0x4000  }
.Ltmp0:
0x40: {  	[sflag:s19] =	ssyncset.done $0x0;
	(pc) =	sbr.rel @p1 .LBB2_2-.Ltmp0, $4  }
0x41: {  	s25 =	sadd.s32 $0x1480, s25;
	[sflag:s19] =	ssyncadd.s32 $0xFFFFC000  }
0x42: {  	[spmem:s2] =	stream.indirect.scatter.add.f32 [tilespmem:s17], [sflag:$0x3], $0x80, s25, s15, $0xb8;
	[tilespmem:$0x1E400] =	vst v63  }
0x43: {  	_ =	swait.ge [sflag:s13], $0x4000  }
0x44: {  	s26 =	smov.u32 s30;
	s25 =	sshra.s32 s29, $0x2;
	[sflag:s13] =	ssyncset.done $0x0  }
0x45: {  	s26 =	sadd.s32 $0x80, s25;
	[sflag:s13] =	ssyncadd.s32 $0xFFFFC000  }
0x46: {  	[tilespmem:s17], [sflag:$0x2] =	stream.indirect.gather [hbm4b:s1+s15], $0x80, s26, s15, $0xb8;
	[tilespmem:$0x1E400] =	vst v63  }
0x47: {  	_ =	swait.ge [sflag:s18], $0x4000  }
0x48: {  	[sflag:s18] =	ssyncset.done $0x0  }
0x49: {  	s29 =	sadd.s32 $0x1400, s25;
	[sflag:s18] =	ssyncadd.s32 $0xFFFFC000  }
0x4a: {  	[spmem:s2] =	stream.indirect.scatter.add.f32 [tilespmem:s16], [sflag:$0x3], $0x80, s29, s15, $0xb8;
	[tilespmem:$0x1E400] =	vst v63  }
0x4b: {  	_ =	swait.ge [sflag:s13], $0x4000  }
0x4c: {  	[sflag:s13] =	ssyncset.done $0x0  }
0x4d: {  	s30 =	sadd.s32 $0x100, s25;
	[sflag:s13] =	ssyncadd.s32 $0xFFFFC000  }
0x4e: {  	[tilespmem:s16], [sflag:$0x1] =	stream.indirect.gather [hbm4b:s1+s15], $0x80, s30, s15, $0xb8;
	[tilespmem:$0x1E400] =	vst v63  }
0x4f: {  	_ =	swait.ge [sflag:s19], $0x4000  }
0x50: {  	[sflag:s19] =	ssyncset.done $0x0  }
0x51: {  	s31 =	sadd.s32 $0x1480, s25;
	[sflag:s19] =	ssyncadd.s32 $0xFFFFC000  }
0x52: {  	[spmem:s2] =	stream.indirect.scatter.add.f32 [tilespmem:s17], [sflag:$0x3], $0x80, s31, s15, $0xb8;
	[tilespmem:$0x1E400] =	vst v63  }
0x53: {  	_ =	swait.ge [sflag:s13], $0x4000  }
0x54: {  	[sflag:s13] =	ssyncset.done $0x0  }
0x55: {  	[sflag:s13] =	ssyncadd.s32 $0xFFFFC000  }
0x56: {  	[tilespmem:s17], [sflag:$0x2] =	stream.indirect.gather [hbm4b:s1+s15], $0x80, s20, s15, $0xb8;
	[tilespmem:$0x1E400] =	vst v63  }
0x57: {  	_ =	swait.ge [sflag:s18], $0x4000  }
0x58: {  	[sflag:s18] =	ssyncset.done $0x0  }
0x59: {  	[sflag:s18] =	ssyncadd.s32 $0xFFFFC000  }
0x5a: {  	[spmem:s2] =	stream.indirect.scatter.add.f32 [tilespmem:s16], [sflag:$0x3], $0x80, s21, s15, $0xb8;
	[tilespmem:$0x1E400] =	vst v63  }
0x5b: {  	_ =	swait.ge [sflag:s13], $0x4000  }
0x5c: {  	[sflag:s13] =	ssyncset.done $0x0  }
0x5d: {  	[sflag:s13] =	ssyncadd.s32 $0xFFFFC000  }
0x5e: {  	_ =	swait.ge [sflag:s19], $0x4000  }
0x5f: {  	[sflag:s19] =	ssyncset.done $0x0  }
0x60: {  	[sflag:s19] =	ssyncadd.s32 $0xFFFFC000  }
0x61: {  	[spmem:s2] =	stream.indirect.scatter.add.f32 [tilespmem:s17], [sflag:$0x3], $0x80, s22, s15, $0xb8;
	[tilespmem:$0x1E400] =	vst v63  }
0x62: {  	_ =	swait.ge [sflag:s13], $0x4000  }
0x63: {  	[sflag:s13] =	ssyncset.done $0x0  }
0x64: {  	s26 =	simm.s32 $0x0;
	[sflag:s13] =	ssyncadd.s32 $0xFFFFC000  }
0x65: {  	[tilespmem:s26], [sflag:$0x3] =	stream.linear.gather [hbm4b:s8+s26], $0x1400, $0x38;
	[tilespmem:$0x1E400] =	vst v63  }
0x66: {  	_ =	swait.ge [sflag:s13], $0x1400  }
0x67: {  	[sflag:s13] =	ssyncset.done $0x0  }
0x68: {  	[sflag:s13] =	ssyncadd.s32 $0xFFFFEC00  }
0x69: {  	[tilespmem:s14], [sflag:$0x3] =	stream.linear.gather [hbm4b:s9+s26], $0x1400, $0x38;
	[tilespmem:$0x1E400] =	vst v63  }
0x6a: {  	_ =	swait.ge [sflag:s13], $0x1400  }
0x6b: {  	[sflag:s13] =	ssyncset.done $0x0  }
0x6c: {  	[sflag:s13] =	ssyncadd.s32 $0xFFFFEC00  }
0x6d: {  	[tilespmem:s16], [sflag:$0x1] =	stream.indirect.gather [hbm4b:s1+s15], $0x80, s26, s15, $0xb8;
	[tilespmem:$0x1E400] =	vst v63  }
0x6e: {  	s28 =	simm.s32 $0x80  }
0x6f: {  	[tilespmem:s17], [sflag:$0x2] =	stream.indirect.gather [hbm4b:s1+s15], $0x80, s28, s15, $0xb8;
	[tilespmem:$0x1E400] =	vst v63  }
0x70: {  	_ =	swait.ge [sflag:s18], $0x4000  }
0x71: {  	[sflag:s18] =	ssyncset.done $0x0  }
0x72: {  	s29 =	simm.s32 $0x1400;
	[sflag:s18] =	ssyncadd.s32 $0xFFFFC000  }
0x73: {  	[spmem:s2] =	stream.indirect.scatter.add.f32 [tilespmem:s16], [sflag:$0x3], $0x80, s29, s15, $0xb8;
	[tilespmem:$0x1E400] =	vst v63  }
0x74: {  	_ =	swait.ge [sflag:s13], $0x4000  }
0x75: {  	[sflag:s13] =	ssyncset.done $0x0  }
0x76: {  	s30 =	simm.s32 $0x100;
	[sflag:s13] =	ssyncadd.s32 $0xFFFFC000  }
0x77: {  	[tilespmem:s16], [sflag:$0x1] =	stream.indirect.gather [hbm4b:s1+s15], $0x80, s30, s15, $0xb8;
	[tilespmem:$0x1E400] =	vst v63  }
0x78: {  	_ =	swait.ge [sflag:s19], $0x4000  }
0x79: {  	[sflag:s19] =	ssyncset.done $0x0  }
0x7a: {  	s31 =	simm.s32 $0x1480;
	[sflag:s19] =	ssyncadd.s32 $0xFFFFC000  }
0x7b: {  	[spmem:s2] =	stream.indirect.scatter.add.f32 [tilespmem:s17], [sflag:$0x3], $0x80, s31, s15, $0xb8;
	[tilespmem:$0x1E400] =	vst v63  }
0x7c: {  	_ =	swait.ge [sflag:s13], $0x4000  }
0x7d: {  	s25 =	simm.s32 $0x100;
	s26 =	simm.s32 $0x800;
	[sflag:s13] =	ssyncset.done $0x0  }
.LBB2_4:
0x7e: {  	s28 =	sadd.s32 $0x80, s25  }
0x7f: {  	[sflag:s13] =	ssyncadd.s32 $0xFFFFC000;
	s29 =	smov.u32 s26;
	s30 =	sadd.s32 $0x400, s26  }
0x80: {  	[tilespmem:s17], [sflag:$0x2] =	stream.indirect.gather [hbm4b:s1+s15], $0x80, s28, s15, $0xb8;
	[tilespmem:$0x1E400] =	vst v63  }
0x81: {  	p1 =	sne.s32 s26, $0x4800;
	_ =	swait.ge [sflag:s18], $0x4000  }
0x82: {  	[sflag:s18] =	ssyncset.done $0x0  }
0x83: {  	s26 =	sadd.s32 $0x1400, s25;
	[sflag:s18] =	ssyncadd.s32 $0xFFFFC000  }
0x84: {  	[spmem:s2] =	stream.indirect.scatter.add.f32 [tilespmem:s16], [sflag:$0x3], $0x80, s26, s15, $0xb8;
	[tilespmem:$0x1E400] =	vst v63  }
0x85: {  	_ =	swait.ge [sflag:s13], $0x4000  }
0x86: {  	[sflag:s13] =	ssyncset.done $0x0  }
0x87: {  	s26 =	sadd.s32 $0x100, s25;
	[sflag:s13] =	ssyncadd.s32 $0xFFFFC000  }
0x88: {  	[tilespmem:s16], [sflag:$0x1] =	stream.indirect.gather [hbm4b:s1+s15], $0x80, s26, s15, $0xb8;
	[tilespmem:$0x1E400] =	vst v63  }
0x89: {  	_ =	swait.ge [sflag:s19], $0x4000  }
.Ltmp1:
0x8a: {  	[sflag:s19] =	ssyncset.done $0x0;
	(pc) =	sbr.rel @p1 .LBB2_4-.Ltmp1, $4  }
0x8b: {  	s25 =	sadd.s32 $0x1480, s25;
	[sflag:s19] =	ssyncadd.s32 $0xFFFFC000  }
0x8c: {  	[spmem:s2] =	stream.indirect.scatter.add.f32 [tilespmem:s17], [sflag:$0x3], $0x80, s25, s15, $0xb8;
	[tilespmem:$0x1E400] =	vst v63  }
0x8d: {  	_ =	swait.ge [sflag:s13], $0x4000  }
0x8e: {  	s26 =	smov.u32 s30;
	s25 =	sshra.s32 s29, $0x2;
	[sflag:s13] =	ssyncset.done $0x0  }
0x8f: {  	s26 =	sadd.s32 $0x80, s25;
	[sflag:s13] =	ssyncadd.s32 $0xFFFFC000  }
0x90: {  	[tilespmem:s17], [sflag:$0x2] =	stream.indirect.gather [hbm4b:s1+s15], $0x80, s26, s15, $0xb8;
	[tilespmem:$0x1E400] =	vst v63  }
0x91: {  	_ =	swait.ge [sflag:s18], $0x4000  }
0x92: {  	[sflag:s18] =	ssyncset.done $0x0  }
0x93: {  	s28 =	sadd.s32 $0x1400, s25;
	[sflag:s18] =	ssyncadd.s32 $0xFFFFC000  }
0x94: {  	[spmem:s2] =	stream.indirect.scatter.add.f32 [tilespmem:s16], [sflag:$0x3], $0x80, s28, s15, $0xb8;
	[tilespmem:$0x1E400] =	vst v63  }
0x95: {  	_ =	swait.ge [sflag:s13], $0x4000  }
0x96: {  	[sflag:s13] =	ssyncset.done $0x0  }
0x97: {  	s29 =	sadd.s32 $0x100, s25;
	[sflag:s13] =	ssyncadd.s32 $0xFFFFC000  }
0x98: {  	[tilespmem:s16], [sflag:$0x1] =	stream.indirect.gather [hbm4b:s1+s15], $0x80, s29, s15, $0xb8;
	[tilespmem:$0x1E400] =	vst v63  }
0x99: {  	_ =	swait.ge [sflag:s19], $0x4000  }
0x9a: {  	[sflag:s19] =	ssyncset.done $0x0  }
0x9b: {  	s30 =	sadd.s32 $0x1480, s25;
	[sflag:s19] =	ssyncadd.s32 $0xFFFFC000  }
0x9c: {  	[spmem:s2] =	stream.indirect.scatter.add.f32 [tilespmem:s17], [sflag:$0x3], $0x80, s30, s15, $0xb8;
	[tilespmem:$0x1E400] =	vst v63  }
0x9d: {  	_ =	swait.ge [sflag:s13], $0x4000  }
0x9e: {  	[sflag:s13] =	ssyncset.done $0x0  }
0x9f: {  	[sflag:s13] =	ssyncadd.s32 $0xFFFFC000  }
0xa0: {  	[tilespmem:s17], [sflag:$0x2] =	stream.indirect.gather [hbm4b:s1+s15], $0x80, s20, s15, $0xb8;
	[tilespmem:$0x1E400] =	vst v63  }
0xa1: {  	_ =	swait.ge [sflag:s18], $0x4000  }
0xa2: {  	[sflag:s18] =	ssyncset.done $0x0  }
0xa3: {  	[sflag:s18] =	ssyncadd.s32 $0xFFFFC000  }
0xa4: {  	[spmem:s2] =	stream.indirect.scatter.add.f32 [tilespmem:s16], [sflag:$0x3], $0x80, s21, s15, $0xb8;
	[tilespmem:$0x1E400] =	vst v63  }
0xa5: {  	_ =	swait.ge [sflag:s13], $0x4000  }
0xa6: {  	[sflag:s13] =	ssyncset.done $0x0  }
0xa7: {  	[sflag:s13] =	ssyncadd.s32 $0xFFFFC000  }
0xa8: {  	_ =	swait.ge [sflag:s19], $0x4000  }
0xa9: {  	[sflag:s19] =	ssyncset.done $0x0  }
0xaa: {  	[sflag:s19] =	ssyncadd.s32 $0xFFFFC000  }
0xab: {  	[spmem:s2] =	stream.indirect.scatter.add.f32 [tilespmem:s17], [sflag:$0x3], $0x80, s22, s15, $0xb8;
	[tilespmem:$0x1E400] =	vst v63  }
0xac: {  	_ =	swait.ge [sflag:s13], $0x4000  }
0xad: {  	s24 =	sadd.s32 $0x1, s24;
	[sflag:s13] =	ssyncset.done $0x0  }
0xae: {  	s31 =	sshll.u32 s4, $0x6;
	p1 =	sne.s32 s24, s11;
	[sflag:s13] =	ssyncadd.s32 $0xFFFFC000  }
.Ltmp2:
0xaf: {  	s25 =	sor.u32 $0x1C03, s31;
	[bflag:$0x0] =	sbarrier.arrive $0xFFFF;
	(pc) =	sbr.rel @p1 .LBB2_1-.Ltmp2, $4  }
0xb0: {  	[hbm:s10], [sflag:s25] =	dma.local [spmem:s23], $0x2780  }
0xb1: {  	_ =	swait.ge [sflag:s13], $0x2780  }
0xb2: {  	[sflag:s13] =	ssyncset.done $0x0  }
0xb3: {  	[sflag:s13] =	ssyncadd.s32 $0xFFFFD880  }
0xb4: {  	_ =	sfence.sel $0x180000  }
0xb5: {  	[bflag:$0x0] =	sbarrier.arrive $0xFFFF  }
0xb6: {  	_ =	strace $0x9000004A  }
0xb7: {  	s0 =	sadd.s32 @!p0 $0x100000, s0;
	[bflag:$0x2] =	sbarrier.arrive $0xFFFF  }
0xb8: {  	[sflag:s0] =	ssyncadd.tile.s32 @!p0 $0x1;
	_ =	shalt  }
.Lfunc_end2:
_tile_overlayer_lowered:
.L_overlay_start_2:
0xb9: {  	(tag) =	ssettag $0x2  }
0xba: {  	s0 =	rddreg [dreg:$0x0];
	s2 =	stileid.u32  }
0xbb: {  	s1 =	rddreg [dreg:$0x1];
	p0 =	sne.s32 s2, $0x0  }
0xbc: {  	s3 =	rddreg [dreg:$0x2];
	[bflag:$0x3] =	sbarrier.arrive $0xFFFF;
	s2 =	simm.s32 @!p0 $0x1C03  }
0xbd: {  	[timem:s3], [sflag:s2] =	dma.local @!p0 [hbm:s0], s1  }
0xbe: {  	s0 =	simm.s32 @!p0 $0x3  }
0xbf: {  	_ =	swait.ge @!p0 [sflag:s0], s1  }
0xc0: {  	s1 =	ssub.s32 @!p0 $0x0, s1;
	[sflag:s0] =	ssyncset.done @!p0 $0x0  }
0xc1: {  	[sflag:s0] =	ssyncadd.s32 @!p0 s1  }
0xc2: {  	[bflag:$0x3] =	sbarrier.arrive $0xFFFF  }
0xc3: {  	_ =	shalt  }

// kernel: kernel.16.cloned.1.call-start
scs
__scs_entry_jumppad:
0x0: {  	(pc) =	sbr.rel $0x88, $3  }
0x1: {  	(tag) =	ssettag $0x0;
	lr =	simm.s32 $0x1  }
0x2: {  	[smem:$0x3F99] =	sst lr;
	_ =	strace $0xD0000000  }
0x3: {  	_ = 	snop  }
0x4: {  	_ = 	snop  }
0x5: {  	_ = 	snop  }
0x6: {  	_ = 	snop  }
0x7: {  	_ = 	snop  }
__scs_overlays_trampoline_lowered:
0x8: {  	[smem:$0x3FA8] =	sst s0  }
0x9: {  	[smem:$0x3FA9] =	sst s1  }
0xa: {  	[smem:$0x3FAA] =	sst s2  }
0xb: {  	[smem:$0x3FAB] =	sst s3  }
0xc: {  	[smem:$0x3FAC] =	sst s4  }
0xd: {  	[smem:$0x3FAD] =	sst s5  }
0xe: {  	[smem:$0x3FAE] =	sst s6  }
0xf: {  	[smem:$0x3FAF] =	sst s7  }
0x10: {  	[smem:$0x3FB0] =	sst s8  }
0x11: {  	[smem:$0x3FB1] =	sst s9;
	s0 =	simm.s32 @!p0 $0x0  }
0x12: {  	s1 =	sld [smem:$0x3F97];
	s0 =	simm.s32 @p0 $0x1  }
0x13: {  	[smem:$0x3FB2] =	sst s0;
	s0 =	simm.s32 @!p1 $0x0  }
0x14: {  	s2 =	sld [smem:$0x3F96];
	s0 =	simm.s32 @p1 $0x1  }
0x15: {  	[smem:$0x3FB3] =	sst s0;
	s0 =	simm.s32 @!p2 $0x0  }
0x16: {  	s3 =	sld [smem:$0x3FDB];
	s0 =	simm.s32 @p2 $0x1  }
0x17: {  	s4 =	simm.s32 $0x1BF5;
	[smem:$0x3FB5] =	sst s0  }
0x18: {  	s0 =	sld [smem:$0x3F98];
	_ =	swait.ge [sflag:s4], $0x0  }
0x19: {  	s7 =	sld [smem:$0x3F99]  }
0x1a: {  	s8 =	sadd.s32 $0xFFFFE003, lr  }
0x1b: {  	s9 =	sadd.s32 $0xFFFFFEF7, lr;
	s5 =	simm.s32 $0xFFFFFFFF;
	p2 =	slt.u32 s8, $0xFFFFF086  }
0x1c: {  	p1 =	slt.u32 s9, $0xF7A;
	s5 =	simm.s32 @!p2 $0x0  }
0x1d: {  	s5 =	simm.s32 @p1 $0x1;
	p0 =	seq.s32 s7, s2  }
0x1e: {  	s7 =	smul.u32 @!p0 $0xF7A, s2;
	p2 =	seq.s32 @!p0 s5, $0x0  }
0x1f: {  	s9 =	smul.u32 $0xF7A, s1;
	s8 =	simm.s32 @!p0 $0x1BF5;
	p2 =	por !p2, p0  }
0x20: {  	[sflag:s8] =	ssyncset.s32 @!p0 $0xFFFFF086;
	s6 =	sadd.s32 @!p0 s3, s7;
	s7 =	simm.s32 @!p0 $0x108  }
0x21: {  	s3 =	sadd.s32 s3, s9;
	s6 =	sadd.s32 @!p0 $0x88, s6;
	s7 =	simm.s32 @p2 $0x1082  }
0x22: {  	[simem:s7], [sflag:s8] =	dma.local @!p0 [hbm:s6], $0xF7A  }
0x23: {  	s9 =	sor.u32 $0xD0000000, s2;
	s6 =	simm.s32 $0x108;
	_ =	swait.ge @!p0 [sflag:s8], $0x0  }
0x24: {  	s3 =	sadd.s32 $0x88, s3;
	s6 =	simm.s32 @!p1 $0x1082;
	[sflag:s4] =	ssyncset.s32 $0xFFFFF086  }
0x25: {  	[simem:s6], [sflag:s4] =	dma.local [hbm:s3], $0xF7A  }
0x26: {  	[smem:$0x3F99] =	sst s1;
	(tag) =	ssettag s2;
	_ =	strace s9  }
0x27: {  	s1 =	sld [smem:$0x3FA9]  }
0x28: {  	s2 =	sld [smem:$0x3FAA]  }
0x29: {  	s4 =	sld [smem:$0x3FAC]  }
0x2a: {  	p0 =	seq.s32 s5, $0x0;
	s5 =	sld [smem:$0x3FAD]  }
0x2b: {  	s6 =	sld [smem:$0x3FAE]  }
0x2c: {  	s7 =	sld [smem:$0x3FAF]  }
0x2d: {  	s3 =	simm.s32 $0x108;
	s8 =	sld [smem:$0x3FB0]  }
0x2e: {  	s3 =	simm.s32 @!p0 $0x1082;
	s9 =	sld [smem:$0x3FB1]  }
0x2f: {  	lr =	sadd.s32 s0, s3;
	s0 =	sld [smem:$0x3FA8]  }
0x30: {  	s3 =	sld [smem:$0x3FAB]  }
0x31: {  	[smem:$0x3FB4] =	sst s10  }
0x32: {  	s10 =	sld [smem:$0x3FB2];
	_ =	sdelay $0x3  }
0x33: {  	p0 =	seq.s32 s10, $0x1;
	s10 =	sld [smem:$0x3FB4];
	_ =	sdelay $0x3  }
0x34: {  	[smem:$0x3FB4] =	sst s10  }
0x35: {  	s10 =	sld [smem:$0x3FB3];
	_ =	sdelay $0x3  }
0x36: {  	p1 =	seq.s32 s10, $0x1;
	s10 =	sld [smem:$0x3FB4];
	_ =	sdelay $0x3  }
0x37: {  	[smem:$0x3FB4] =	sst s10  }
0x38: {  	s10 =	sld [smem:$0x3FB5]  }
0x39: {  	_ = 	snop;
	(pc) =	sbr.ind lr, $3  }
0x3a: {  	_ = 	snop  }
0x3b: {  	_ = 	snop  }
0x3c: {  	p2 =	seq.s32 s10, $0x1;
	s10 =	sld [smem:$0x3FB4]  }
0x3d: {  	_ =	shalt  }
0x3e: {  	_ =	shalt  }
0x3f: {  	_ =	shalt  }
0x40: {  	_ =	shalt  }
0x41: {  	_ =	shalt  }
0x42: {  	_ =	shalt  }
0x43: {  	_ =	shalt  }
0x44: {  	_ =	shalt  }
0x45: {  	_ =	shalt  }
0x46: {  	_ =	shalt  }
0x47: {  	_ =	shalt  }
0x48: {  	_ =	shalt  }
0x49: {  	_ =	shalt  }
0x4a: {  	_ =	shalt  }
0x4b: {  	_ =	shalt  }
0x4c: {  	_ =	shalt  }
0x4d: {  	_ =	shalt  }
0x4e: {  	_ =	shalt  }
0x4f: {  	_ =	shalt  }
0x50: {  	_ =	shalt  }
0x51: {  	_ =	shalt  }
0x52: {  	_ =	shalt  }
0x53: {  	_ =	shalt  }
0x54: {  	_ =	shalt  }
0x55: {  	_ =	shalt  }
0x56: {  	_ =	shalt  }
0x57: {  	_ =	shalt  }
0x58: {  	_ =	shalt  }
0x59: {  	_ =	shalt  }
0x5a: {  	_ =	shalt  }
0x5b: {  	_ =	shalt  }
0x5c: {  	_ =	shalt  }
0x5d: {  	_ =	shalt  }
0x5e: {  	_ =	shalt  }
0x5f: {  	_ =	shalt  }
0x60: {  	_ =	shalt  }
0x61: {  	_ =	shalt  }
0x62: {  	_ =	shalt  }
0x63: {  	_ =	shalt  }
0x64: {  	_ =	shalt  }
0x65: {  	_ =	shalt  }
0x66: {  	_ =	shalt  }
0x67: {  	_ =	shalt  }
0x68: {  	_ =	shalt  }
0x69: {  	_ =	shalt  }
0x6a: {  	_ =	shalt  }
0x6b: {  	_ =	shalt  }
0x6c: {  	_ =	shalt  }
0x6d: {  	_ =	shalt  }
0x6e: {  	_ =	shalt  }
0x6f: {  	_ =	shalt  }
0x70: {  	_ =	shalt  }
0x71: {  	_ =	shalt  }
0x72: {  	_ =	shalt  }
0x73: {  	_ =	shalt  }
0x74: {  	_ =	shalt  }
0x75: {  	_ =	shalt  }
0x76: {  	_ =	shalt  }
0x77: {  	_ =	shalt  }
0x78: {  	_ =	shalt  }
0x79: {  	_ =	shalt  }
0x7a: {  	_ =	shalt  }
0x7b: {  	_ =	shalt  }
0x7c: {  	_ =	shalt  }
0x7d: {  	_ =	shalt  }
0x7e: {  	_ =	shalt  }
0x7f: {  	_ =	shalt  }
0x80: {  	_ =	shalt  }
0x81: {  	_ =	shalt  }
0x82: {  	_ =	shalt  }
0x83: {  	_ =	shalt  }
0x84: {  	_ =	shalt  }
0x85: {  	_ =	shalt  }
0x86: {  	_ =	shalt  }
0x87: {  	_ =	shalt  }
.Lfunc_end0:
.L_simem_size_0:
called_computation.2_lowered:
.L_overlay_start_0:
0x88: {  	s2 =	sld [smem:$0x3FD9]  }
0x89: {  	s3 =	sld [smem:$0x3FFE];
	_ =	sdelay $0x1  }
0x8a: {  	s1 =	srdreg.scid  }
0x8b: {  	s0 =	sand.u32 $0x1, s1  }
0x8c: {  	s17 =	sshll.u32 s0, $0xA;
	s2 =	sadd.s32 s3, s2  }
0x8d: {  	s2 =	sadd.s32 s2, s17  }
0x8e: {  	[smem:$0x3FC0] =	sst s2  }
0x8f: {  	_ = 	snop  }
0x90: {  	s2 =	sld [smem:$0x3FD0];
	(tm) =	ssettm $0x1  }
0x91: {  	s18 =	sld [smem:$0x3FFB];
	_ =	sdelay $0x3  }
0x92: {  	_ =	strace s18  }
0x93: {  	s3 =	sld [smem:$0x3FFC];
	_ =	sdelay $0x3  }
0x94: {  	_ =	strace s3  }
0x95: {  	s3 =	sld [smem:$0x3FFD];
	_ =	sdelay $0x3  }
0x96: {  	_ =	strace s3  }
0x97: {  	_ =	strace $0x8FFFFFFF  }
0x98: {  	s19 =	sld [smem:$0x3FDB];
	_ =	sdelay $0x1  }
0x99: {  	s4 =	simm.s32 $_scs_section_size  }
0x9a: {  	s5 =	simm.s32 $_size__tile_overlayer_lowered;
	s6 =	simm.s32 $_tile_overlayer_lowered  }
0x9b: {  	s22 =	simm.s32 $0x1BFF;
	s21 =	sshll.u32 s6, $0x1;
	s3 =	sadd.s32 s4, s19  }
0x9c: {  	s7 =	simm.s32 $0x0;
	s20 =	sshll.u32 s5, $0x1;
	s5 =	sadd.s32 s21, s3  }
0x9d: {  	[timem:s7], [sflag:s22] =	dma.local [hbm:s5], s20  }
0x9e: {  	_ =	swait.ge [sflag:s22], s20  }
0x9f: {  	s4 =	ssub.s32 $0x0, s20;
	[sflag:s22] =	ssyncset.done $0x0  }
0xa0: {  	[sflag:s22] =	ssyncadd.s32 s4;
	_ =	sdelay $0x1  }
0xa1: {  	s23 =	simm.s32 $0x1B8B  }
0xa2: {  	_ =	swait.ge [sflag:s23], $0x1  }
0xa3: {  	[sflag:s23] =	ssyncset.done $0x0  }
0xa4: {  	s25 =	simm.s32 $0x1B8E;
	s24 =	sld [smem:$0x3FFE];
	[sflag:s23] =	ssyncadd.s32 $0xFFFFFFFF  }
0xa5: {  	s26 =	simm.s32 $execute0_lowered;
	[smem:$0x3FD2] =	sst s25  }
0xa6: {  	s5 =	sshll.u32 s26, $0x1;
	_ =	strace $0x8000004C;
	[dreg:$0x1] =	wrdreg $0xFFFFFFFF  }
0xa7: {  	s28 =	simm.s32 $_size_execute0_lowered;
	s3 =	sadd.s32 s3, s5;
	[dreg:$0x0] =	wrdreg $0x0  }
0xa8: {  	s5 =	sshll.u32 s28, $0x1;
	[dreg:$0x2] =	wrdreg s3  }
0xa9: {  	[dreg:$0x3] =	wrdreg s5  }
0xaa: {  	[dreg:$0x4] =	wrdreg $0xC0  }
0xab: {  	_ =	task [dreg:s7], $0x5FFFF  }
0xac: {  	[dreg:$0x1] =	wrdreg $0xFFFFFFFF  }
0xad: {  	[dreg:$0x0] =	wrdreg $0x60  }
0xae: {  	[dreg:$0x2] =	wrdreg s2  }
0xaf: {  	[dreg:$0x3] =	wrdreg s24  }
0xb0: {  	[dreg:$0x4] =	wrdreg $0xA8000  }
0xb1: {  	[dreg:$0x5] =	wrdreg $0x9  }
0xb2: {  	_ =	task.clear_ibuf [dreg:s7], $0x6FFFF;
	_ =	strace $0x9000004C  }
0xb3: {  	s29 =	simm.s32 $0x9;
	_ =	strace $0x8000004E  }
0xb4: {  	_ =	swait.ge [sflag:s29], $0x1  }
0xb5: {  	[sflag:s29] =	ssyncadd.s32 $0xFFFFFFFF  }
0xb6: {  	_ =	strace $0x9000004E  }
0xb7: {  	_ =	sfence  }
0xb8: {  	s30 =	sld [smem:$0x0];
	_ =	sdelay $0x2  }
0xb9: {  	s31 =	sshll.u32 s1, $0xD;
	s1 =	sshrl.u32 s1, $0x2  }
0xba: {  	s3 =	sand.u32 $0x4000, s31;
	s1 =	sadd.s32 s1, s30  }
0xbb: {  	s0 =	sor.u32 s3, s0;
	s1 =	sshll.u32 s1, $0x11  }
0xbc: {  	s0 =	sor.u32 s1, s0  }
0xbd: {  	s0 =	sadd.s32 $0x8F2B, s0  }
0xbe: {  	[sflag:s0] =	ssyncadd.remote.s32 $0x1  }
0xbf: {  	_ =	sfence.sel $0xFFFF  }
0xc0: {  	[dreg:$0x0] =	wrdreg $0xFFFFFFFF;
	(pc) =	sbr.abs _section_cstart, $3  }
0xc1: {  	[dreg:$0x1] =	wrdreg $0xFFFFFFFF  }
0xc2: {  	_ =	task.clear_ibuf [dreg:s7], $0x2FFFF;
	_ =	strace $0x9FFFFFFF  }
0xc3: {  	(tm) =	ssettm $0x7FFFFFFF  }
tec
execute0_lowered:
.L_overlay_start_1:
0x0: {  	(tag) =	ssettag $0x1  }
0x1: {  	s1 =	rddreg [dreg:$0x0]  }
0x2: {  	s6 =	rddreg [dreg:$0x1]  }
0x3: {  	s2 =	rddreg [dreg:$0x2]  }
0x4: {  	s0 =	rddreg [dreg:$0x3]  }
0x5: {  	s3 =	simm.s32 $0x0;
	s4 =	srdreg.scid;
	s15 =	simm.s32 $0x80  }
0x6: {  	s16 =	simm.s32 $0x2800;
	s17 =	simm.s32 $0x6800;
	s18 =	simm.s32 $0x1  }
0x7: {  	s19 =	simm.s32 $0x2;
	s20 =	simm.s32 $0x1380;
	s21 =	simm.s32 $0x2700  }
0x8: {  	s22 =	simm.s32 $0x2780;
	s24 =	simm.s32 $0x0;
	[smem:$0x7FF] =	sst s3  }
0x9: {  	s5 =	sand.u32 $0x1, s4;
	s4 =	stileid.u32;
	s10 =	sadd.s32 $0xE600, s6  }
0xa: {  	s11 =	sadd.s32 $0x4600, s6;
	s7 =	smul.u32 $0x13C000, s5;
	_ =	strace $0x8000004D  }
0xb: {  	s8 =	smul.u32 $0x13C00, s4;
	s9 =	sshll.u32 s5, $0x4;
	s29 =	ssub.s32 $0x2, s5  }
0xc: {  	s5 =	sadd.s32 $0x3FE00, s6;
	s14 =	smul.u32 $0x4F000, s4;
	p0 =	sne.s32 s4, $0x0  }
0xd: {  	s9 =	sor.u32 s4, s9;
	s12 =	sshrl.u32 s29, $0x1;
	s7 =	sadd.s32 s8, s7  }
0xe: {  	s9 =	smul.u32 $0x2800, s9;
	s12 =	ssub.s32 s29, s12;
	s31 =	sshrl.u32 s14, $0x2  }
0xf: {  	s14 =	simm.s32 $0x1400;
	s7 =	sshrl.u32 s7, $0x3;
	s23 =	sadd.s32 s31, s2  }
0x10: {  	s13 =	sadd.s32 s7, s6;
	s30 =	sshrl.u32 s9, $0x3;
	s23 =	sshrl.u32 s23, $0x3  }
0x11: {  	s6 =	sadd.s32 s10, s30;
	s9 =	sadd.s32 $0x280, s30;
	s7 =	sadd.s32 s11, s30  }
0x12: {  	s8 =	sadd.s32 s10, s9;
	s9 =	sadd.s32 s11, s9;
	s10 =	sadd.s32 $0x67600, s13  }
0x13: {  	s11 =	smax.u32 s12, $0x1;
	s12 =	sshrl.u32 @!p0 s2, $0x3;
	s13 =	simm.s32 $0x3  }
.LBB2_1:
0x14: {  	s25 =	simm.s32 @!p0 $0x1C03  }
0x15: {  	[spmem:s12], [sflag:s25] =	dma.local @!p0 [hbm:s5], $0x27800  }
0x16: {  	s25 =	simm.s32 @!p0 $0x3  }
0x17: {  	_ =	swait.ge @!p0 [sflag:s25], $0x27800  }
0x18: {  	[sflag:s25] =	ssyncset.done @!p0 $0x0  }
0x19: {  	[sflag:s25] =	ssyncadd.s32 @!p0 $0xFFFD8800  }
0x1a: {  	[bflag:$0x0] =	sbarrier.arrive $0xFFFF  }
0x1b: {  	[tilespmem:s3], [sflag:$0x3] =	stream.linear.gather [hbm4b:s6+s3], $0x1400, $0x38;
	[tilespmem:$0x1E400] =	vst v63  }
0x1c: {  	_ =	swait.ge [sflag:s13], $0x1400  }
0x1d: {  	[sflag:s13] =	ssyncset.done $0x0  }
0x1e: {  	[sflag:s13] =	ssyncadd.s32 $0xFFFFEC00  }
0x1f: {  	[tilespmem:s14], [sflag:$0x3] =	stream.linear.gather [hbm4b:s7+s3], $0x1400, $0x38;
	[tilespmem:$0x1E400] =	vst v63  }
0x20: {  	_ =	swait.ge [sflag:s13], $0x1400  }
0x21: {  	[sflag:s13] =	ssyncset.done $0x0  }
0x22: {  	[sflag:s13] =	ssyncadd.s32 $0xFFFFEC00  }
0x23: {  	[tilespmem:s16], [sflag:$0x1] =	stream.indirect.gather [hbm4b:s1+s15], $0x80, s3, s15, $0xb8;
	[tilespmem:$0x1E400] =	vst v63  }
0x24: {  	s28 =	simm.s32 $0x80  }
0x25: {  	[tilespmem:s17], [sflag:$0x2] =	stream.indirect.gather [hbm4b:s1+s15], $0x80, s28, s15, $0xb8;
	[tilespmem:$0x1E400] =	vst v63  }
0x26: {  	_ =	swait.ge [sflag:s18], $0x4000  }
0x27: {  	[sflag:s18] =	ssyncset.done $0x0  }
0x28: {  	s29 =	simm.s32 $0x1400;
	[sflag:s18] =	ssyncadd.s32 $0xFFFFC000  }
0x29: {  	[spmem:s2] =	stream.indirect.scatter.add.f32 [tilespmem:s16], [sflag:$0x3], $0x80, s29, s15, $0xb8;
	[tilespmem:$0x1E400] =	vst v63  }
0x2a: {  	_ =	swait.ge [sflag:s13], $0x4000  }
0x2b: {  	[sflag:s13] =	ssyncset.done $0x0  }
0x2c: {  	s30 =	simm.s32 $0x100;
	[sflag:s13] =	ssyncadd.s32 $0xFFFFC000  }
0x2d: {  	[tilespmem:s16], [sflag:$0x1] =	stream.indirect.gather [hbm4b:s1+s15], $0x80, s30, s15, $0xb8;
	[tilespmem:$0x1E400] =	vst v63  }
0x2e: {  	_ =	swait.ge [sflag:s19], $0x4000  }
0x2f: {  	[sflag:s19] =	ssyncset.done $0x0  }
0x30: {  	s31 =	simm.s32 $0x1480;
	[sflag:s19] =	ssyncadd.s32 $0xFFFFC000  }
0x31: {  	[spmem:s2] =	stream.indirect.scatter.add.f32 [tilespmem:s17], [sflag:$0x3], $0x80, s31, s15, $0xb8;
	[tilespmem:$0x1E400] =	vst v63  }
0x32: {  	_ =	swait.ge [sflag:s13], $0x4000  }
0x33: {  	s26 =	simm.s32 $0x800;
	s25 =	simm.s32 $0x100;
	[sflag:s13] =	ssyncset.done $0x0  }
.LBB2_2:
0x34: {  	s28 =	sadd.s32 $0x80, s25  }
0x35: {  	[sflag:s13] =	ssyncadd.s32 $0xFFFFC000;
	s29 =	smov.u32 s26;
	s30 =	sadd.s32 $0x400, s26  }
0x36: {  	[tilespmem:s17], [sflag:$0x2] =	stream.indirect.gather [hbm4b:s1+s15], $0x80, s28, s15, $0xb8;
	[tilespmem:$0x1E400] =	vst v63  }
0x37: {  	p1 =	sne.s32 s26, $0x4800;
	_ =	swait.ge [sflag:s18], $0x4000  }
0x38: {  	[sflag:s18] =	ssyncset.done $0x0  }
0x39: {  	s26 =	sadd.s32 $0x1400, s25;
	[sflag:s18] =	ssyncadd.s32 $0xFFFFC000  }
0x3a: {  	[spmem:s2] =	stream.indirect.scatter.add.f32 [tilespmem:s16], [sflag:$0x3], $0x80, s26, s15, $0xb8;
	[tilespmem:$0x1E400] =	vst v63  }
0x3b: {  	_ =	swait.ge [sflag:s13], $0x4000  }
0x3c: {  	[sflag:s13] =	ssyncset.done $0x0  }
0x3d: {  	s26 =	sadd.s32 $0x100, s25;
	[sflag:s13] =	ssyncadd.s32 $0xFFFFC000  }
0x3e: {  	[tilespmem:s16], [sflag:$0x1] =	stream.indirect.gather [hbm4b:s1+s15], $0x80, s26, s15, $0xb8;
	[tilespmem:$0x1E400] =	vst v63  }
0x3f: {  	_ =	swait.ge [sflag:s19], $0x4000  }
.Ltmp0:
0x40: {  	[sflag:s19] =	ssyncset.done $0x0;
	(pc) =	sbr.rel @p1 .LBB2_2-.Ltmp0, $4  }
0x41: {  	s25 =	sadd.s32 $0x1480, s25;
	[sflag:s19] =	ssyncadd.s32 $0xFFFFC000  }
0x42: {  	[spmem:s2] =	stream.indirect.scatter.add.f32 [tilespmem:s17], [sflag:$0x3], $0x80, s25, s15, $0xb8;
	[tilespmem:$0x1E400] =	vst v63  }
0x43: {  	_ =	swait.ge [sflag:s13], $0x4000  }
0x44: {  	s26 =	smov.u32 s30;
	s25 =	sshra.s32 s29, $0x2;
	[sflag:s13] =	ssyncset.done $0x0  }
0x45: {  	s26 =	sadd.s32 $0x80, s25;
	[sflag:s13] =	ssyncadd.s32 $0xFFFFC000  }
0x46: {  	[tilespmem:s17], [sflag:$0x2] =	stream.indirect.gather [hbm4b:s1+s15], $0x80, s26, s15, $0xb8;
	[tilespmem:$0x1E400] =	vst v63  }
0x47: {  	_ =	swait.ge [sflag:s18], $0x4000  }
0x48: {  	[sflag:s18] =	ssyncset.done $0x0  }
0x49: {  	s29 =	sadd.s32 $0x1400, s25;
	[sflag:s18] =	ssyncadd.s32 $0xFFFFC000  }
0x4a: {  	[spmem:s2] =	stream.indirect.scatter.add.f32 [tilespmem:s16], [sflag:$0x3], $0x80, s29, s15, $0xb8;
	[tilespmem:$0x1E400] =	vst v63  }
0x4b: {  	_ =	swait.ge [sflag:s13], $0x4000  }
0x4c: {  	[sflag:s13] =	ssyncset.done $0x0  }
0x4d: {  	s30 =	sadd.s32 $0x100, s25;
	[sflag:s13] =	ssyncadd.s32 $0xFFFFC000  }
0x4e: {  	[tilespmem:s16], [sflag:$0x1] =	stream.indirect.gather [hbm4b:s1+s15], $0x80, s30, s15, $0xb8;
	[tilespmem:$0x1E400] =	vst v63  }
0x4f: {  	_ =	swait.ge [sflag:s19], $0x4000  }
0x50: {  	[sflag:s19] =	ssyncset.done $0x0  }
0x51: {  	s31 =	sadd.s32 $0x1480, s25;
	[sflag:s19] =	ssyncadd.s32 $0xFFFFC000  }
0x52: {  	[spmem:s2] =	stream.indirect.scatter.add.f32 [tilespmem:s17], [sflag:$0x3], $0x80, s31, s15, $0xb8;
	[tilespmem:$0x1E400] =	vst v63  }
0x53: {  	_ =	swait.ge [sflag:s13], $0x4000  }
0x54: {  	[sflag:s13] =	ssyncset.done $0x0  }
0x55: {  	[sflag:s13] =	ssyncadd.s32 $0xFFFFC000  }
0x56: {  	[tilespmem:s17], [sflag:$0x2] =	stream.indirect.gather [hbm4b:s1+s15], $0x80, s20, s15, $0xb8;
	[tilespmem:$0x1E400] =	vst v63  }
0x57: {  	_ =	swait.ge [sflag:s18], $0x4000  }
0x58: {  	[sflag:s18] =	ssyncset.done $0x0  }
0x59: {  	[sflag:s18] =	ssyncadd.s32 $0xFFFFC000  }
0x5a: {  	[spmem:s2] =	stream.indirect.scatter.add.f32 [tilespmem:s16], [sflag:$0x3], $0x80, s21, s15, $0xb8;
	[tilespmem:$0x1E400] =	vst v63  }
0x5b: {  	_ =	swait.ge [sflag:s13], $0x4000  }
0x5c: {  	[sflag:s13] =	ssyncset.done $0x0  }
0x5d: {  	[sflag:s13] =	ssyncadd.s32 $0xFFFFC000  }
0x5e: {  	_ =	swait.ge [sflag:s19], $0x4000  }
0x5f: {  	[sflag:s19] =	ssyncset.done $0x0  }
0x60: {  	[sflag:s19] =	ssyncadd.s32 $0xFFFFC000  }
0x61: {  	[spmem:s2] =	stream.indirect.scatter.add.f32 [tilespmem:s17], [sflag:$0x3], $0x80, s22, s15, $0xb8;
	[tilespmem:$0x1E400] =	vst v63  }
0x62: {  	_ =	swait.ge [sflag:s13], $0x4000  }
0x63: {  	[sflag:s13] =	ssyncset.done $0x0  }
0x64: {  	s26 =	simm.s32 $0x0;
	[sflag:s13] =	ssyncadd.s32 $0xFFFFC000  }
0x65: {  	[tilespmem:s26], [sflag:$0x3] =	stream.linear.gather [hbm4b:s8+s26], $0x1400, $0x38;
	[tilespmem:$0x1E400] =	vst v63  }
0x66: {  	_ =	swait.ge [sflag:s13], $0x1400  }
0x67: {  	[sflag:s13] =	ssyncset.done $0x0  }
0x68: {  	[sflag:s13] =	ssyncadd.s32 $0xFFFFEC00  }
0x69: {  	[tilespmem:s14], [sflag:$0x3] =	stream.linear.gather [hbm4b:s9+s26], $0x1400, $0x38;
	[tilespmem:$0x1E400] =	vst v63  }
0x6a: {  	_ =	swait.ge [sflag:s13], $0x1400  }
0x6b: {  	[sflag:s13] =	ssyncset.done $0x0  }
0x6c: {  	[sflag:s13] =	ssyncadd.s32 $0xFFFFEC00  }
0x6d: {  	[tilespmem:s16], [sflag:$0x1] =	stream.indirect.gather [hbm4b:s1+s15], $0x80, s26, s15, $0xb8;
	[tilespmem:$0x1E400] =	vst v63  }
0x6e: {  	s28 =	simm.s32 $0x80  }
0x6f: {  	[tilespmem:s17], [sflag:$0x2] =	stream.indirect.gather [hbm4b:s1+s15], $0x80, s28, s15, $0xb8;
	[tilespmem:$0x1E400] =	vst v63  }
0x70: {  	_ =	swait.ge [sflag:s18], $0x4000  }
0x71: {  	[sflag:s18] =	ssyncset.done $0x0  }
0x72: {  	s29 =	simm.s32 $0x1400;
	[sflag:s18] =	ssyncadd.s32 $0xFFFFC000  }
0x73: {  	[spmem:s2] =	stream.indirect.scatter.add.f32 [tilespmem:s16], [sflag:$0x3], $0x80, s29, s15, $0xb8;
	[tilespmem:$0x1E400] =	vst v63  }
0x74: {  	_ =	swait.ge [sflag:s13], $0x4000  }
0x75: {  	[sflag:s13] =	ssyncset.done $0x0  }
0x76: {  	s30 =	simm.s32 $0x100;
	[sflag:s13] =	ssyncadd.s32 $0xFFFFC000  }
0x77: {  	[tilespmem:s16], [sflag:$0x1] =	stream.indirect.gather [hbm4b:s1+s15], $0x80, s30, s15, $0xb8;
	[tilespmem:$0x1E400] =	vst v63  }
0x78: {  	_ =	swait.ge [sflag:s19], $0x4000  }
0x79: {  	[sflag:s19] =	ssyncset.done $0x0  }
0x7a: {  	s31 =	simm.s32 $0x1480;
	[sflag:s19] =	ssyncadd.s32 $0xFFFFC000  }
0x7b: {  	[spmem:s2] =	stream.indirect.scatter.add.f32 [tilespmem:s17], [sflag:$0x3], $0x80, s31, s15, $0xb8;
	[tilespmem:$0x1E400] =	vst v63  }
0x7c: {  	_ =	swait.ge [sflag:s13], $0x4000  }
0x7d: {  	s25 =	simm.s32 $0x100;
	s26 =	simm.s32 $0x800;
	[sflag:s13] =	ssyncset.done $0x0  }
.LBB2_4:
0x7e: {  	s28 =	sadd.s32 $0x80, s25  }
0x7f: {  	[sflag:s13] =	ssyncadd.s32 $0xFFFFC000;
	s29 =	smov.u32 s26;
	s30 =	sadd.s32 $0x400, s26  }
0x80: {  	[tilespmem:s17], [sflag:$0x2] =	stream.indirect.gather [hbm4b:s1+s15], $0x80, s28, s15, $0xb8;
	[tilespmem:$0x1E400] =	vst v63  }
0x81: {  	p1 =	sne.s32 s26, $0x4800;
	_ =	swait.ge [sflag:s18], $0x4000  }
0x82: {  	[sflag:s18] =	ssyncset.done $0x0  }
0x83: {  	s26 =	sadd.s32 $0x1400, s25;
	[sflag:s18] =	ssyncadd.s32 $0xFFFFC000  }
0x84: {  	[spmem:s2] =	stream.indirect.scatter.add.f32 [tilespmem:s16], [sflag:$0x3], $0x80, s26, s15, $0xb8;
	[tilespmem:$0x1E400] =	vst v63  }
0x85: {  	_ =	swait.ge [sflag:s13], $0x4000  }
0x86: {  	[sflag:s13] =	ssyncset.done $0x0  }
0x87: {  	s26 =	sadd.s32 $0x100, s25;
	[sflag:s13] =	ssyncadd.s32 $0xFFFFC000  }
0x88: {  	[tilespmem:s16], [sflag:$0x1] =	stream.indirect.gather [hbm4b:s1+s15], $0x80, s26, s15, $0xb8;
	[tilespmem:$0x1E400] =	vst v63  }
0x89: {  	_ =	swait.ge [sflag:s19], $0x4000  }
.Ltmp1:
0x8a: {  	[sflag:s19] =	ssyncset.done $0x0;
	(pc) =	sbr.rel @p1 .LBB2_4-.Ltmp1, $4  }
0x8b: {  	s25 =	sadd.s32 $0x1480, s25;
	[sflag:s19] =	ssyncadd.s32 $0xFFFFC000  }
0x8c: {  	[spmem:s2] =	stream.indirect.scatter.add.f32 [tilespmem:s17], [sflag:$0x3], $0x80, s25, s15, $0xb8;
	[tilespmem:$0x1E400] =	vst v63  }
0x8d: {  	_ =	swait.ge [sflag:s13], $0x4000  }
0x8e: {  	s26 =	smov.u32 s30;
	s25 =	sshra.s32 s29, $0x2;
	[sflag:s13] =	ssyncset.done $0x0  }
0x8f: {  	s26 =	sadd.s32 $0x80, s25;
	[sflag:s13] =	ssyncadd.s32 $0xFFFFC000  }
0x90: {  	[tilespmem:s17], [sflag:$0x2] =	stream.indirect.gather [hbm4b:s1+s15], $0x80, s26, s15, $0xb8;
	[tilespmem:$0x1E400] =	vst v63  }
0x91: {  	_ =	swait.ge [sflag:s18], $0x4000  }
0x92: {  	[sflag:s18] =	ssyncset.done $0x0  }
0x93: {  	s28 =	sadd.s32 $0x1400, s25;
	[sflag:s18] =	ssyncadd.s32 $0xFFFFC000  }
0x94: {  	[spmem:s2] =	stream.indirect.scatter.add.f32 [tilespmem:s16], [sflag:$0x3], $0x80, s28, s15, $0xb8;
	[tilespmem:$0x1E400] =	vst v63  }
0x95: {  	_ =	swait.ge [sflag:s13], $0x4000  }
0x96: {  	[sflag:s13] =	ssyncset.done $0x0  }
0x97: {  	s29 =	sadd.s32 $0x100, s25;
	[sflag:s13] =	ssyncadd.s32 $0xFFFFC000  }
0x98: {  	[tilespmem:s16], [sflag:$0x1] =	stream.indirect.gather [hbm4b:s1+s15], $0x80, s29, s15, $0xb8;
	[tilespmem:$0x1E400] =	vst v63  }
0x99: {  	_ =	swait.ge [sflag:s19], $0x4000  }
0x9a: {  	[sflag:s19] =	ssyncset.done $0x0  }
0x9b: {  	s30 =	sadd.s32 $0x1480, s25;
	[sflag:s19] =	ssyncadd.s32 $0xFFFFC000  }
0x9c: {  	[spmem:s2] =	stream.indirect.scatter.add.f32 [tilespmem:s17], [sflag:$0x3], $0x80, s30, s15, $0xb8;
	[tilespmem:$0x1E400] =	vst v63  }
0x9d: {  	_ =	swait.ge [sflag:s13], $0x4000  }
0x9e: {  	[sflag:s13] =	ssyncset.done $0x0  }
0x9f: {  	[sflag:s13] =	ssyncadd.s32 $0xFFFFC000  }
0xa0: {  	[tilespmem:s17], [sflag:$0x2] =	stream.indirect.gather [hbm4b:s1+s15], $0x80, s20, s15, $0xb8;
	[tilespmem:$0x1E400] =	vst v63  }
0xa1: {  	_ =	swait.ge [sflag:s18], $0x4000  }
0xa2: {  	[sflag:s18] =	ssyncset.done $0x0  }
0xa3: {  	[sflag:s18] =	ssyncadd.s32 $0xFFFFC000  }
0xa4: {  	[spmem:s2] =	stream.indirect.scatter.add.f32 [tilespmem:s16], [sflag:$0x3], $0x80, s21, s15, $0xb8;
	[tilespmem:$0x1E400] =	vst v63  }
0xa5: {  	_ =	swait.ge [sflag:s13], $0x4000  }
0xa6: {  	[sflag:s13] =	ssyncset.done $0x0  }
0xa7: {  	[sflag:s13] =	ssyncadd.s32 $0xFFFFC000  }
0xa8: {  	_ =	swait.ge [sflag:s19], $0x4000  }
0xa9: {  	[sflag:s19] =	ssyncset.done $0x0  }
0xaa: {  	[sflag:s19] =	ssyncadd.s32 $0xFFFFC000  }
0xab: {  	[spmem:s2] =	stream.indirect.scatter.add.f32 [tilespmem:s17], [sflag:$0x3], $0x80, s22, s15, $0xb8;
	[tilespmem:$0x1E400] =	vst v63  }
0xac: {  	_ =	swait.ge [sflag:s13], $0x4000  }
0xad: {  	s24 =	sadd.s32 $0x1, s24;
	[sflag:s13] =	ssyncset.done $0x0  }
0xae: {  	s31 =	sshll.u32 s4, $0x6;
	p1 =	sne.s32 s24, s11;
	[sflag:s13] =	ssyncadd.s32 $0xFFFFC000  }
.Ltmp2:
0xaf: {  	s25 =	sor.u32 $0x1C03, s31;
	[bflag:$0x0] =	sbarrier.arrive $0xFFFF;
	(pc) =	sbr.rel @p1 .LBB2_1-.Ltmp2, $4  }
0xb0: {  	[hbm:s10], [sflag:s25] =	dma.local [spmem:s23], $0x2780  }
0xb1: {  	_ =	swait.ge [sflag:s13], $0x2780  }
0xb2: {  	[sflag:s13] =	ssyncset.done $0x0  }
0xb3: {  	[sflag:s13] =	ssyncadd.s32 $0xFFFFD880  }
0xb4: {  	_ =	sfence.sel $0x180000  }
0xb5: {  	[bflag:$0x0] =	sbarrier.arrive $0xFFFF  }
0xb6: {  	_ =	strace $0x9000004D  }
0xb7: {  	s0 =	sadd.s32 @!p0 $0x100000, s0;
	[bflag:$0x2] =	sbarrier.arrive $0xFFFF  }
0xb8: {  	[sflag:s0] =	ssyncadd.tile.s32 @!p0 $0x1;
	_ =	shalt  }
.Lfunc_end2:
_tile_overlayer_lowered:
.L_overlay_start_2:
0xb9: {  	(tag) =	ssettag $0x2  }
0xba: {  	s0 =	rddreg [dreg:$0x0];
	s2 =	stileid.u32  }
0xbb: {  	s1 =	rddreg [dreg:$0x1];
	p0 =	sne.s32 s2, $0x0  }
0xbc: {  	s3 =	rddreg [dreg:$0x2];
	[bflag:$0x3] =	sbarrier.arrive $0xFFFF;
	s2 =	simm.s32 @!p0 $0x1C03  }
0xbd: {  	[timem:s3], [sflag:s2] =	dma.local @!p0 [hbm:s0], s1  }
0xbe: {  	s0 =	simm.s32 @!p0 $0x3  }
0xbf: {  	_ =	swait.ge @!p0 [sflag:s0], s1  }
0xc0: {  	s1 =	ssub.s32 @!p0 $0x0, s1;
	[sflag:s0] =	ssyncset.done @!p0 $0x0  }
0xc1: {  	[sflag:s0] =	ssyncadd.s32 @!p0 s1  }
0xc2: {  	[bflag:$0x3] =	sbarrier.arrive $0xFFFF  }
0xc3: {  	_ =	shalt  }

// kernel: kernel.19.cloned.1.call-start
scs
__scs_entry_jumppad:
0x0: {  	(pc) =	sbr.rel $0x88, $3  }
0x1: {  	(tag) =	ssettag $0x0;
	lr =	simm.s32 $0x1  }
0x2: {  	[smem:$0x3F99] =	sst lr;
	_ =	strace $0xD0000000  }
0x3: {  	_ = 	snop  }
0x4: {  	_ = 	snop  }
0x5: {  	_ = 	snop  }
0x6: {  	_ = 	snop  }
0x7: {  	_ = 	snop  }
__scs_overlays_trampoline_lowered:
0x8: {  	[smem:$0x3FA8] =	sst s0  }
0x9: {  	[smem:$0x3FA9] =	sst s1  }
0xa: {  	[smem:$0x3FAA] =	sst s2  }
0xb: {  	[smem:$0x3FAB] =	sst s3  }
0xc: {  	[smem:$0x3FAC] =	sst s4  }
0xd: {  	[smem:$0x3FAD] =	sst s5  }
0xe: {  	[smem:$0x3FAE] =	sst s6  }
0xf: {  	[smem:$0x3FAF] =	sst s7  }
0x10: {  	[smem:$0x3FB0] =	sst s8  }
0x11: {  	[smem:$0x3FB1] =	sst s9;
	s0 =	simm.s32 @!p0 $0x0  }
0x12: {  	s1 =	sld [smem:$0x3F97];
	s0 =	simm.s32 @p0 $0x1  }
0x13: {  	[smem:$0x3FB2] =	sst s0;
	s0 =	simm.s32 @!p1 $0x0  }
0x14: {  	s2 =	sld [smem:$0x3F96];
	s0 =	simm.s32 @p1 $0x1  }
0x15: {  	[smem:$0x3FB3] =	sst s0;
	s0 =	simm.s32 @!p2 $0x0  }
0x16: {  	s3 =	sld [smem:$0x3FDB];
	s0 =	simm.s32 @p2 $0x1  }
0x17: {  	s4 =	simm.s32 $0x1BF5;
	[smem:$0x3FB5] =	sst s0  }
0x18: {  	s0 =	sld [smem:$0x3F98];
	_ =	swait.ge [sflag:s4], $0x0  }
0x19: {  	s7 =	sld [smem:$0x3F99]  }
0x1a: {  	s8 =	sadd.s32 $0xFFFFE003, lr  }
0x1b: {  	s9 =	sadd.s32 $0xFFFFFEF7, lr;
	s5 =	simm.s32 $0xFFFFFFFF;
	p2 =	slt.u32 s8, $0xFFFFF086  }
0x1c: {  	p1 =	slt.u32 s9, $0xF7A;
	s5 =	simm.s32 @!p2 $0x0  }
0x1d: {  	s5 =	simm.s32 @p1 $0x1;
	p0 =	seq.s32 s7, s2  }
0x1e: {  	s7 =	smul.u32 @!p0 $0xF7A, s2;
	p2 =	seq.s32 @!p0 s5, $0x0  }
0x1f: {  	s9 =	smul.u32 $0xF7A, s1;
	s8 =	simm.s32 @!p0 $0x1BF5;
	p2 =	por !p2, p0  }
0x20: {  	[sflag:s8] =	ssyncset.s32 @!p0 $0xFFFFF086;
	s6 =	sadd.s32 @!p0 s3, s7;
	s7 =	simm.s32 @!p0 $0x108  }
0x21: {  	s3 =	sadd.s32 s3, s9;
	s6 =	sadd.s32 @!p0 $0x88, s6;
	s7 =	simm.s32 @p2 $0x1082  }
0x22: {  	[simem:s7], [sflag:s8] =	dma.local @!p0 [hbm:s6], $0xF7A  }
0x23: {  	s9 =	sor.u32 $0xD0000000, s2;
	s6 =	simm.s32 $0x108;
	_ =	swait.ge @!p0 [sflag:s8], $0x0  }
0x24: {  	s3 =	sadd.s32 $0x88, s3;
	s6 =	simm.s32 @!p1 $0x1082;
	[sflag:s4] =	ssyncset.s32 $0xFFFFF086  }
0x25: {  	[simem:s6], [sflag:s4] =	dma.local [hbm:s3], $0xF7A  }
0x26: {  	[smem:$0x3F99] =	sst s1;
	(tag) =	ssettag s2;
	_ =	strace s9  }
0x27: {  	s1 =	sld [smem:$0x3FA9]  }
0x28: {  	s2 =	sld [smem:$0x3FAA]  }
0x29: {  	s4 =	sld [smem:$0x3FAC]  }
0x2a: {  	p0 =	seq.s32 s5, $0x0;
	s5 =	sld [smem:$0x3FAD]  }
0x2b: {  	s6 =	sld [smem:$0x3FAE]  }
0x2c: {  	s7 =	sld [smem:$0x3FAF]  }
0x2d: {  	s3 =	simm.s32 $0x108;
	s8 =	sld [smem:$0x3FB0]  }
0x2e: {  	s3 =	simm.s32 @!p0 $0x1082;
	s9 =	sld [smem:$0x3FB1]  }
0x2f: {  	lr =	sadd.s32 s0, s3;
	s0 =	sld [smem:$0x3FA8]  }
0x30: {  	s3 =	sld [smem:$0x3FAB]  }
0x31: {  	[smem:$0x3FB4] =	sst s10  }
0x32: {  	s10 =	sld [smem:$0x3FB2];
	_ =	sdelay $0x3  }
0x33: {  	p0 =	seq.s32 s10, $0x1;
	s10 =	sld [smem:$0x3FB4];
	_ =	sdelay $0x3  }
0x34: {  	[smem:$0x3FB4] =	sst s10  }
0x35: {  	s10 =	sld [smem:$0x3FB3];
	_ =	sdelay $0x3  }
0x36: {  	p1 =	seq.s32 s10, $0x1;
	s10 =	sld [smem:$0x3FB4];
	_ =	sdelay $0x3  }
0x37: {  	[smem:$0x3FB4] =	sst s10  }
0x38: {  	s10 =	sld [smem:$0x3FB5]  }
0x39: {  	_ = 	snop;
	(pc) =	sbr.ind lr, $3  }
0x3a: {  	_ = 	snop  }
0x3b: {  	_ = 	snop  }
0x3c: {  	p2 =	seq.s32 s10, $0x1;
	s10 =	sld [smem:$0x3FB4]  }
0x3d: {  	_ =	shalt  }
0x3e: {  	_ =	shalt  }
0x3f: {  	_ =	shalt  }
0x40: {  	_ =	shalt  }
0x41: {  	_ =	shalt  }
0x42: {  	_ =	shalt  }
0x43: {  	_ =	shalt  }
0x44: {  	_ =	shalt  }
0x45: {  	_ =	shalt  }
0x46: {  	_ =	shalt  }
0x47: {  	_ =	shalt  }
0x48: {  	_ =	shalt  }
0x49: {  	_ =	shalt  }
0x4a: {  	_ =	shalt  }
0x4b: {  	_ =	shalt  }
0x4c: {  	_ =	shalt  }
0x4d: {  	_ =	shalt  }
0x4e: {  	_ =	shalt  }
0x4f: {  	_ =	shalt  }
0x50: {  	_ =	shalt  }
0x51: {  	_ =	shalt  }
0x52: {  	_ =	shalt  }
0x53: {  	_ =	shalt  }
0x54: {  	_ =	shalt  }
0x55: {  	_ =	shalt  }
0x56: {  	_ =	shalt  }
0x57: {  	_ =	shalt  }
0x58: {  	_ =	shalt  }
0x59: {  	_ =	shalt  }
0x5a: {  	_ =	shalt  }
0x5b: {  	_ =	shalt  }
0x5c: {  	_ =	shalt  }
0x5d: {  	_ =	shalt  }
0x5e: {  	_ =	shalt  }
0x5f: {  	_ =	shalt  }
0x60: {  	_ =	shalt  }
0x61: {  	_ =	shalt  }
0x62: {  	_ =	shalt  }
0x63: {  	_ =	shalt  }
0x64: {  	_ =	shalt  }
0x65: {  	_ =	shalt  }
0x66: {  	_ =	shalt  }
0x67: {  	_ =	shalt  }
0x68: {  	_ =	shalt  }
0x69: {  	_ =	shalt  }
0x6a: {  	_ =	shalt  }
0x6b: {  	_ =	shalt  }
0x6c: {  	_ =	shalt  }
0x6d: {  	_ =	shalt  }
0x6e: {  	_ =	shalt  }
0x6f: {  	_ =	shalt  }
0x70: {  	_ =	shalt  }
0x71: {  	_ =	shalt  }
0x72: {  	_ =	shalt  }
0x73: {  	_ =	shalt  }
0x74: {  	_ =	shalt  }
0x75: {  	_ =	shalt  }
0x76: {  	_ =	shalt  }
0x77: {  	_ =	shalt  }
0x78: {  	_ =	shalt  }
0x79: {  	_ =	shalt  }
0x7a: {  	_ =	shalt  }
0x7b: {  	_ =	shalt  }
0x7c: {  	_ =	shalt  }
0x7d: {  	_ =	shalt  }
0x7e: {  	_ =	shalt  }
0x7f: {  	_ =	shalt  }
0x80: {  	_ =	shalt  }
0x81: {  	_ =	shalt  }
0x82: {  	_ =	shalt  }
0x83: {  	_ =	shalt  }
0x84: {  	_ =	shalt  }
0x85: {  	_ =	shalt  }
0x86: {  	_ =	shalt  }
0x87: {  	_ =	shalt  }
.Lfunc_end0:
.L_simem_size_0:
called_computation.3_lowered:
.L_overlay_start_0:
0x88: {  	s2 =	sld [smem:$0x3FD9]  }
0x89: {  	s3 =	sld [smem:$0x3FFE];
	_ =	sdelay $0x1  }
0x8a: {  	s1 =	srdreg.scid  }
0x8b: {  	s0 =	sand.u32 $0x1, s1  }
0x8c: {  	s17 =	sshll.u32 s0, $0xA;
	s2 =	sadd.s32 s3, s2  }
0x8d: {  	s2 =	sadd.s32 s2, s17  }
0x8e: {  	[smem:$0x3FC0] =	sst s2  }
0x8f: {  	_ = 	snop  }
0x90: {  	s2 =	sld [smem:$0x3FD0];
	(tm) =	ssettm $0x1  }
0x91: {  	s18 =	sld [smem:$0x3FFB];
	_ =	sdelay $0x3  }
0x92: {  	_ =	strace s18  }
0x93: {  	s3 =	sld [smem:$0x3FFC];
	_ =	sdelay $0x3  }
0x94: {  	_ =	strace s3  }
0x95: {  	s3 =	sld [smem:$0x3FFD];
	_ =	sdelay $0x3  }
0x96: {  	_ =	strace s3  }
0x97: {  	_ =	strace $0x8FFFFFFF  }
0x98: {  	s19 =	sld [smem:$0x3FDB];
	_ =	sdelay $0x1  }
0x99: {  	s4 =	simm.s32 $_scs_section_size  }
0x9a: {  	s5 =	simm.s32 $_size__tile_overlayer_lowered;
	s6 =	simm.s32 $_tile_overlayer_lowered  }
0x9b: {  	s22 =	simm.s32 $0x1BFF;
	s21 =	sshll.u32 s6, $0x1;
	s3 =	sadd.s32 s4, s19  }
0x9c: {  	s7 =	simm.s32 $0x0;
	s20 =	sshll.u32 s5, $0x1;
	s5 =	sadd.s32 s21, s3  }
0x9d: {  	[timem:s7], [sflag:s22] =	dma.local [hbm:s5], s20  }
0x9e: {  	_ =	swait.ge [sflag:s22], s20  }
0x9f: {  	s4 =	ssub.s32 $0x0, s20;
	[sflag:s22] =	ssyncset.done $0x0  }
0xa0: {  	[sflag:s22] =	ssyncadd.s32 s4;
	_ =	sdelay $0x1  }
0xa1: {  	s23 =	simm.s32 $0x1B8B  }
0xa2: {  	_ =	swait.ge [sflag:s23], $0x1  }
0xa3: {  	[sflag:s23] =	ssyncset.done $0x0  }
0xa4: {  	s25 =	simm.s32 $0x1B8E;
	s24 =	sld [smem:$0x3FFE];
	[sflag:s23] =	ssyncadd.s32 $0xFFFFFFFF  }
0xa5: {  	s26 =	simm.s32 $execute0_lowered;
	[smem:$0x3FD2] =	sst s25  }
0xa6: {  	s5 =	sshll.u32 s26, $0x1;
	_ =	strace $0x8000004F;
	[dreg:$0x1] =	wrdreg $0xFFFFFFFF  }
0xa7: {  	s28 =	simm.s32 $_size_execute0_lowered;
	s3 =	sadd.s32 s3, s5;
	[dreg:$0x0] =	wrdreg $0x0  }
0xa8: {  	s5 =	sshll.u32 s28, $0x1;
	[dreg:$0x2] =	wrdreg s3  }
0xa9: {  	[dreg:$0x3] =	wrdreg s5  }
0xaa: {  	[dreg:$0x4] =	wrdreg $0xC0  }
0xab: {  	_ =	task [dreg:s7], $0x5FFFF  }
0xac: {  	[dreg:$0x1] =	wrdreg $0xFFFFFFFF  }
0xad: {  	[dreg:$0x0] =	wrdreg $0x60  }
0xae: {  	[dreg:$0x2] =	wrdreg s2  }
0xaf: {  	[dreg:$0x3] =	wrdreg s24  }
0xb0: {  	[dreg:$0x4] =	wrdreg $0xA8000  }
0xb1: {  	[dreg:$0x5] =	wrdreg $0x9  }
0xb2: {  	_ =	task.clear_ibuf [dreg:s7], $0x6FFFF;
	_ =	strace $0x9000004F  }
0xb3: {  	s29 =	simm.s32 $0x9;
	_ =	strace $0x80000051  }
0xb4: {  	_ =	swait.ge [sflag:s29], $0x1  }
0xb5: {  	[sflag:s29] =	ssyncadd.s32 $0xFFFFFFFF  }
0xb6: {  	_ =	strace $0x90000051  }
0xb7: {  	_ =	sfence  }
0xb8: {  	s30 =	sld [smem:$0x0];
	_ =	sdelay $0x2  }
0xb9: {  	s31 =	sshll.u32 s1, $0xD;
	s1 =	sshrl.u32 s1, $0x2  }
0xba: {  	s3 =	sand.u32 $0x4000, s31;
	s1 =	sadd.s32 s1, s30  }
0xbb: {  	s0 =	sor.u32 s3, s0;
	s1 =	sshll.u32 s1, $0x11  }
0xbc: {  	s0 =	sor.u32 s1, s0  }
0xbd: {  	s0 =	sadd.s32 $0x8F2B, s0  }
0xbe: {  	[sflag:s0] =	ssyncadd.remote.s32 $0x1  }
0xbf: {  	_ =	sfence.sel $0xFFFF  }
0xc0: {  	[dreg:$0x0] =	wrdreg $0xFFFFFFFF;
	(pc) =	sbr.abs _section_cstart, $3  }
0xc1: {  	[dreg:$0x1] =	wrdreg $0xFFFFFFFF  }
0xc2: {  	_ =	task.clear_ibuf [dreg:s7], $0x2FFFF;
	_ =	strace $0x9FFFFFFF  }
0xc3: {  	(tm) =	ssettm $0x7FFFFFFF  }
tec
execute0_lowered:
.L_overlay_start_1:
0x0: {  	(tag) =	ssettag $0x1  }
0x1: {  	s1 =	rddreg [dreg:$0x0]  }
0x2: {  	s6 =	rddreg [dreg:$0x1]  }
0x3: {  	s2 =	rddreg [dreg:$0x2]  }
0x4: {  	s0 =	rddreg [dreg:$0x3]  }
0x5: {  	s3 =	simm.s32 $0x0;
	s4 =	srdreg.scid;
	s15 =	simm.s32 $0x80  }
0x6: {  	s16 =	simm.s32 $0x2800;
	s17 =	simm.s32 $0x6800;
	s18 =	simm.s32 $0x1  }
0x7: {  	s19 =	simm.s32 $0x2;
	s20 =	simm.s32 $0x1380;
	s21 =	simm.s32 $0x2700  }
0x8: {  	s22 =	simm.s32 $0x2780;
	s24 =	simm.s32 $0x0;
	[smem:$0x7FF] =	sst s3  }
0x9: {  	s5 =	sand.u32 $0x1, s4;
	s4 =	stileid.u32;
	s10 =	sadd.s32 $0xE600, s6  }
0xa: {  	s11 =	sadd.s32 $0x4600, s6;
	s7 =	smul.u32 $0x13C000, s5;
	_ =	strace $0x80000050  }
0xb: {  	s8 =	smul.u32 $0x13C00, s4;
	s9 =	sshll.u32 s5, $0x4;
	s29 =	ssub.s32 $0x2, s5  }
0xc: {  	s5 =	sadd.s32 $0x3FE00, s6;
	s14 =	smul.u32 $0x4F000, s4;
	p0 =	sne.s32 s4, $0x0  }
0xd: {  	s9 =	sor.u32 s4, s9;
	s12 =	sshrl.u32 s29, $0x1;
	s7 =	sadd.s32 s8, s7  }
0xe: {  	s9 =	smul.u32 $0x2800, s9;
	s12 =	ssub.s32 s29, s12;
	s31 =	sshrl.u32 s14, $0x2  }
0xf: {  	s14 =	simm.s32 $0x1400;
	s7 =	sshrl.u32 s7, $0x3;
	s23 =	sadd.s32 s31, s2  }
0x10: {  	s13 =	sadd.s32 s7, s6;
	s30 =	sshrl.u32 s9, $0x3;
	s23 =	sshrl.u32 s23, $0x3  }
0x11: {  	s6 =	sadd.s32 s10, s30;
	s9 =	sadd.s32 $0x280, s30;
	s7 =	sadd.s32 s11, s30  }
0x12: {  	s8 =	sadd.s32 s10, s9;
	s9 =	sadd.s32 s11, s9;
	s10 =	sadd.s32 $0x67600, s13  }
0x13: {  	s11 =	smax.u32 s12, $0x1;
	s12 =	sshrl.u32 @!p0 s2, $0x3;
	s13 =	simm.s32 $0x3  }
.LBB2_1:
0x14: {  	s25 =	simm.s32 @!p0 $0x1C03  }
0x15: {  	[spmem:s12], [sflag:s25] =	dma.local @!p0 [hbm:s5], $0x27800  }
0x16: {  	s25 =	simm.s32 @!p0 $0x3  }
0x17: {  	_ =	swait.ge @!p0 [sflag:s25], $0x27800  }
0x18: {  	[sflag:s25] =	ssyncset.done @!p0 $0x0  }
0x19: {  	[sflag:s25] =	ssyncadd.s32 @!p0 $0xFFFD8800  }
0x1a: {  	[bflag:$0x0] =	sbarrier.arrive $0xFFFF  }
0x1b: {  	[tilespmem:s3], [sflag:$0x3] =	stream.linear.gather [hbm4b:s6+s3], $0x1400, $0x38;
	[tilespmem:$0x1E400] =	vst v63  }
0x1c: {  	_ =	swait.ge [sflag:s13], $0x1400  }
0x1d: {  	[sflag:s13] =	ssyncset.done $0x0  }
0x1e: {  	[sflag:s13] =	ssyncadd.s32 $0xFFFFEC00  }
0x1f: {  	[tilespmem:s14], [sflag:$0x3] =	stream.linear.gather [hbm4b:s7+s3], $0x1400, $0x38;
	[tilespmem:$0x1E400] =	vst v63  }
0x20: {  	_ =	swait.ge [sflag:s13], $0x1400  }
0x21: {  	[sflag:s13] =	ssyncset.done $0x0  }
0x22: {  	[sflag:s13] =	ssyncadd.s32 $0xFFFFEC00  }
0x23: {  	[tilespmem:s16], [sflag:$0x1] =	stream.indirect.gather [hbm4b:s1+s15], $0x80, s3, s15, $0xb8;
	[tilespmem:$0x1E400] =	vst v63  }
0x24: {  	s28 =	simm.s32 $0x80  }
0x25: {  	[tilespmem:s17], [sflag:$0x2] =	stream.indirect.gather [hbm4b:s1+s15], $0x80, s28, s15, $0xb8;
	[tilespmem:$0x1E400] =	vst v63  }
0x26: {  	_ =	swait.ge [sflag:s18], $0x4000  }
0x27: {  	[sflag:s18] =	ssyncset.done $0x0  }
0x28: {  	s29 =	simm.s32 $0x1400;
	[sflag:s18] =	ssyncadd.s32 $0xFFFFC000  }
0x29: {  	[spmem:s2] =	stream.indirect.scatter.add.f32 [tilespmem:s16], [sflag:$0x3], $0x80, s29, s15, $0xb8;
	[tilespmem:$0x1E400] =	vst v63  }
0x2a: {  	_ =	swait.ge [sflag:s13], $0x4000  }
0x2b: {  	[sflag:s13] =	ssyncset.done $0x0  }
0x2c: {  	s30 =	simm.s32 $0x100;
	[sflag:s13] =	ssyncadd.s32 $0xFFFFC000  }
0x2d: {  	[tilespmem:s16], [sflag:$0x1] =	stream.indirect.gather [hbm4b:s1+s15], $0x80, s30, s15, $0xb8;
	[tilespmem:$0x1E400] =	vst v63  }
0x2e: {  	_ =	swait.ge [sflag:s19], $0x4000  }
0x2f: {  	[sflag:s19] =	ssyncset.done $0x0  }
0x30: {  	s31 =	simm.s32 $0x1480;
	[sflag:s19] =	ssyncadd.s32 $0xFFFFC000  }
0x31: {  	[spmem:s2] =	stream.indirect.scatter.add.f32 [tilespmem:s17], [sflag:$0x3], $0x80, s31, s15, $0xb8;
	[tilespmem:$0x1E400] =	vst v63  }
0x32: {  	_ =	swait.ge [sflag:s13], $0x4000  }
0x33: {  	s26 =	simm.s32 $0x800;
	s25 =	simm.s32 $0x100;
	[sflag:s13] =	ssyncset.done $0x0  }
.LBB2_2:
0x34: {  	s28 =	sadd.s32 $0x80, s25  }
0x35: {  	[sflag:s13] =	ssyncadd.s32 $0xFFFFC000;
	s29 =	smov.u32 s26;
	s30 =	sadd.s32 $0x400, s26  }
0x36: {  	[tilespmem:s17], [sflag:$0x2] =	stream.indirect.gather [hbm4b:s1+s15], $0x80, s28, s15, $0xb8;
	[tilespmem:$0x1E400] =	vst v63  }
0x37: {  	p1 =	sne.s32 s26, $0x4800;
	_ =	swait.ge [sflag:s18], $0x4000  }
0x38: {  	[sflag:s18] =	ssyncset.done $0x0  }
0x39: {  	s26 =	sadd.s32 $0x1400, s25;
	[sflag:s18] =	ssyncadd.s32 $0xFFFFC000  }
0x3a: {  	[spmem:s2] =	stream.indirect.scatter.add.f32 [tilespmem:s16], [sflag:$0x3], $0x80, s26, s15, $0xb8;
	[tilespmem:$0x1E400] =	vst v63  }
0x3b: {  	_ =	swait.ge [sflag:s13], $0x4000  }
0x3c: {  	[sflag:s13] =	ssyncset.done $0x0  }
0x3d: {  	s26 =	sadd.s32 $0x100, s25;
	[sflag:s13] =	ssyncadd.s32 $0xFFFFC000  }
0x3e: {  	[tilespmem:s16], [sflag:$0x1] =	stream.indirect.gather [hbm4b:s1+s15], $0x80, s26, s15, $0xb8;
	[tilespmem:$0x1E400] =	vst v63  }
0x3f: {  	_ =	swait.ge [sflag:s19], $0x4000  }
.Ltmp0:
0x40: {  	[sflag:s19] =	ssyncset.done $0x0;
	(pc) =	sbr.rel @p1 .LBB2_2-.Ltmp0, $4  }
0x41: {  	s25 =	sadd.s32 $0x1480, s25;
	[sflag:s19] =	ssyncadd.s32 $0xFFFFC000  }
0x42: {  	[spmem:s2] =	stream.indirect.scatter.add.f32 [tilespmem:s17], [sflag:$0x3], $0x80, s25, s15, $0xb8;
	[tilespmem:$0x1E400] =	vst v63  }
0x43: {  	_ =	swait.ge [sflag:s13], $0x4000  }
0x44: {  	s26 =	smov.u32 s30;
	s25 =	sshra.s32 s29, $0x2;
	[sflag:s13] =	ssyncset.done $0x0  }
0x45: {  	s26 =	sadd.s32 $0x80, s25;
	[sflag:s13] =	ssyncadd.s32 $0xFFFFC000  }
0x46: {  	[tilespmem:s17], [sflag:$0x2] =	stream.indirect.gather [hbm4b:s1+s15], $0x80, s26, s15, $0xb8;
	[tilespmem:$0x1E400] =	vst v63  }
0x47: {  	_ =	swait.ge [sflag:s18], $0x4000  }
0x48: {  	[sflag:s18] =	ssyncset.done $0x0  }
0x49: {  	s29 =	sadd.s32 $0x1400, s25;
	[sflag:s18] =	ssyncadd.s32 $0xFFFFC000  }
0x4a: {  	[spmem:s2] =	stream.indirect.scatter.add.f32 [tilespmem:s16], [sflag:$0x3], $0x80, s29, s15, $0xb8;
	[tilespmem:$0x1E400] =	vst v63  }
0x4b: {  	_ =	swait.ge [sflag:s13], $0x4000  }
0x4c: {  	[sflag:s13] =	ssyncset.done $0x0  }
0x4d: {  	s30 =	sadd.s32 $0x100, s25;
	[sflag:s13] =	ssyncadd.s32 $0xFFFFC000  }
0x4e: {  	[tilespmem:s16], [sflag:$0x1] =	stream.indirect.gather [hbm4b:s1+s15], $0x80, s30, s15, $0xb8;
	[tilespmem:$0x1E400] =	vst v63  }
0x4f: {  	_ =	swait.ge [sflag:s19], $0x4000  }
0x50: {  	[sflag:s19] =	ssyncset.done $0x0  }
0x51: {  	s31 =	sadd.s32 $0x1480, s25;
	[sflag:s19] =	ssyncadd.s32 $0xFFFFC000  }
0x52: {  	[spmem:s2] =	stream.indirect.scatter.add.f32 [tilespmem:s17], [sflag:$0x3], $0x80, s31, s15, $0xb8;
	[tilespmem:$0x1E400] =	vst v63  }
0x53: {  	_ =	swait.ge [sflag:s13], $0x4000  }
0x54: {  	[sflag:s13] =	ssyncset.done $0x0  }
0x55: {  	[sflag:s13] =	ssyncadd.s32 $0xFFFFC000  }
0x56: {  	[tilespmem:s17], [sflag:$0x2] =	stream.indirect.gather [hbm4b:s1+s15], $0x80, s20, s15, $0xb8;
	[tilespmem:$0x1E400] =	vst v63  }
0x57: {  	_ =	swait.ge [sflag:s18], $0x4000  }
0x58: {  	[sflag:s18] =	ssyncset.done $0x0  }
0x59: {  	[sflag:s18] =	ssyncadd.s32 $0xFFFFC000  }
0x5a: {  	[spmem:s2] =	stream.indirect.scatter.add.f32 [tilespmem:s16], [sflag:$0x3], $0x80, s21, s15, $0xb8;
	[tilespmem:$0x1E400] =	vst v63  }
0x5b: {  	_ =	swait.ge [sflag:s13], $0x4000  }
0x5c: {  	[sflag:s13] =	ssyncset.done $0x0  }
0x5d: {  	[sflag:s13] =	ssyncadd.s32 $0xFFFFC000  }
0x5e: {  	_ =	swait.ge [sflag:s19], $0x4000  }
0x5f: {  	[sflag:s19] =	ssyncset.done $0x0  }
0x60: {  	[sflag:s19] =	ssyncadd.s32 $0xFFFFC000  }
0x61: {  	[spmem:s2] =	stream.indirect.scatter.add.f32 [tilespmem:s17], [sflag:$0x3], $0x80, s22, s15, $0xb8;
	[tilespmem:$0x1E400] =	vst v63  }
0x62: {  	_ =	swait.ge [sflag:s13], $0x4000  }
0x63: {  	[sflag:s13] =	ssyncset.done $0x0  }
0x64: {  	s26 =	simm.s32 $0x0;
	[sflag:s13] =	ssyncadd.s32 $0xFFFFC000  }
0x65: {  	[tilespmem:s26], [sflag:$0x3] =	stream.linear.gather [hbm4b:s8+s26], $0x1400, $0x38;
	[tilespmem:$0x1E400] =	vst v63  }
0x66: {  	_ =	swait.ge [sflag:s13], $0x1400  }
0x67: {  	[sflag:s13] =	ssyncset.done $0x0  }
0x68: {  	[sflag:s13] =	ssyncadd.s32 $0xFFFFEC00  }
0x69: {  	[tilespmem:s14], [sflag:$0x3] =	stream.linear.gather [hbm4b:s9+s26], $0x1400, $0x38;
	[tilespmem:$0x1E400] =	vst v63  }
0x6a: {  	_ =	swait.ge [sflag:s13], $0x1400  }
0x6b: {  	[sflag:s13] =	ssyncset.done $0x0  }
0x6c: {  	[sflag:s13] =	ssyncadd.s32 $0xFFFFEC00  }
0x6d: {  	[tilespmem:s16], [sflag:$0x1] =	stream.indirect.gather [hbm4b:s1+s15], $0x80, s26, s15, $0xb8;
	[tilespmem:$0x1E400] =	vst v63  }
0x6e: {  	s28 =	simm.s32 $0x80  }
0x6f: {  	[tilespmem:s17], [sflag:$0x2] =	stream.indirect.gather [hbm4b:s1+s15], $0x80, s28, s15, $0xb8;
	[tilespmem:$0x1E400] =	vst v63  }
0x70: {  	_ =	swait.ge [sflag:s18], $0x4000  }
0x71: {  	[sflag:s18] =	ssyncset.done $0x0  }
0x72: {  	s29 =	simm.s32 $0x1400;
	[sflag:s18] =	ssyncadd.s32 $0xFFFFC000  }
0x73: {  	[spmem:s2] =	stream.indirect.scatter.add.f32 [tilespmem:s16], [sflag:$0x3], $0x80, s29, s15, $0xb8;
	[tilespmem:$0x1E400] =	vst v63  }
0x74: {  	_ =	swait.ge [sflag:s13], $0x4000  }
0x75: {  	[sflag:s13] =	ssyncset.done $0x0  }
0x76: {  	s30 =	simm.s32 $0x100;
	[sflag:s13] =	ssyncadd.s32 $0xFFFFC000  }
0x77: {  	[tilespmem:s16], [sflag:$0x1] =	stream.indirect.gather [hbm4b:s1+s15], $0x80, s30, s15, $0xb8;
	[tilespmem:$0x1E400] =	vst v63  }
0x78: {  	_ =	swait.ge [sflag:s19], $0x4000  }
0x79: {  	[sflag:s19] =	ssyncset.done $0x0  }
0x7a: {  	s31 =	simm.s32 $0x1480;
	[sflag:s19] =	ssyncadd.s32 $0xFFFFC000  }
0x7b: {  	[spmem:s2] =	stream.indirect.scatter.add.f32 [tilespmem:s17], [sflag:$0x3], $0x80, s31, s15, $0xb8;
	[tilespmem:$0x1E400] =	vst v63  }
0x7c: {  	_ =	swait.ge [sflag:s13], $0x4000  }
0x7d: {  	s25 =	simm.s32 $0x100;
	s26 =	simm.s32 $0x800;
	[sflag:s13] =	ssyncset.done $0x0  }
.LBB2_4:
0x7e: {  	s28 =	sadd.s32 $0x80, s25  }
0x7f: {  	[sflag:s13] =	ssyncadd.s32 $0xFFFFC000;
	s29 =	smov.u32 s26;
	s30 =	sadd.s32 $0x400, s26  }
0x80: {  	[tilespmem:s17], [sflag:$0x2] =	stream.indirect.gather [hbm4b:s1+s15], $0x80, s28, s15, $0xb8;
	[tilespmem:$0x1E400] =	vst v63  }
0x81: {  	p1 =	sne.s32 s26, $0x4800;
	_ =	swait.ge [sflag:s18], $0x4000  }
0x82: {  	[sflag:s18] =	ssyncset.done $0x0  }
0x83: {  	s26 =	sadd.s32 $0x1400, s25;
	[sflag:s18] =	ssyncadd.s32 $0xFFFFC000  }
0x84: {  	[spmem:s2] =	stream.indirect.scatter.add.f32 [tilespmem:s16], [sflag:$0x3], $0x80, s26, s15, $0xb8;
	[tilespmem:$0x1E400] =	vst v63  }
0x85: {  	_ =	swait.ge [sflag:s13], $0x4000  }
0x86: {  	[sflag:s13] =	ssyncset.done $0x0  }
0x87: {  	s26 =	sadd.s32 $0x100, s25;
	[sflag:s13] =	ssyncadd.s32 $0xFFFFC000  }
0x88: {  	[tilespmem:s16], [sflag:$0x1] =	stream.indirect.gather [hbm4b:s1+s15], $0x80, s26, s15, $0xb8;
	[tilespmem:$0x1E400] =	vst v63  }
0x89: {  	_ =	swait.ge [sflag:s19], $0x4000  }
.Ltmp1:
0x8a: {  	[sflag:s19] =	ssyncset.done $0x0;
	(pc) =	sbr.rel @p1 .LBB2_4-.Ltmp1, $4  }
0x8b: {  	s25 =	sadd.s32 $0x1480, s25;
	[sflag:s19] =	ssyncadd.s32 $0xFFFFC000  }
0x8c: {  	[spmem:s2] =	stream.indirect.scatter.add.f32 [tilespmem:s17], [sflag:$0x3], $0x80, s25, s15, $0xb8;
	[tilespmem:$0x1E400] =	vst v63  }
0x8d: {  	_ =	swait.ge [sflag:s13], $0x4000  }
0x8e: {  	s26 =	smov.u32 s30;
	s25 =	sshra.s32 s29, $0x2;
	[sflag:s13] =	ssyncset.done $0x0  }
0x8f: {  	s26 =	sadd.s32 $0x80, s25;
	[sflag:s13] =	ssyncadd.s32 $0xFFFFC000  }
0x90: {  	[tilespmem:s17], [sflag:$0x2] =	stream.indirect.gather [hbm4b:s1+s15], $0x80, s26, s15, $0xb8;
	[tilespmem:$0x1E400] =	vst v63  }
0x91: {  	_ =	swait.ge [sflag:s18], $0x4000  }
0x92: {  	[sflag:s18] =	ssyncset.done $0x0  }
0x93: {  	s28 =	sadd.s32 $0x1400, s25;
	[sflag:s18] =	ssyncadd.s32 $0xFFFFC000  }
0x94: {  	[spmem:s2] =	stream.indirect.scatter.add.f32 [tilespmem:s16], [sflag:$0x3], $0x80, s28, s15, $0xb8;
	[tilespmem:$0x1E400] =	vst v63  }
0x95: {  	_ =	swait.ge [sflag:s13], $0x4000  }
0x96: {  	[sflag:s13] =	ssyncset.done $0x0  }
0x97: {  	s29 =	sadd.s32 $0x100, s25;
	[sflag:s13] =	ssyncadd.s32 $0xFFFFC000  }
0x98: {  	[tilespmem:s16], [sflag:$0x1] =	stream.indirect.gather [hbm4b:s1+s15], $0x80, s29, s15, $0xb8;
	[tilespmem:$0x1E400] =	vst v63  }
0x99: {  	_ =	swait.ge [sflag:s19], $0x4000  }
0x9a: {  	[sflag:s19] =	ssyncset.done $0x0  }
0x9b: {  	s30 =	sadd.s32 $0x1480, s25;
	[sflag:s19] =	ssyncadd.s32 $0xFFFFC000  }
0x9c: {  	[spmem:s2] =	stream.indirect.scatter.add.f32 [tilespmem:s17], [sflag:$0x3], $0x80, s30, s15, $0xb8;
	[tilespmem:$0x1E400] =	vst v63  }
0x9d: {  	_ =	swait.ge [sflag:s13], $0x4000  }
0x9e: {  	[sflag:s13] =	ssyncset.done $0x0  }
0x9f: {  	[sflag:s13] =	ssyncadd.s32 $0xFFFFC000  }
0xa0: {  	[tilespmem:s17], [sflag:$0x2] =	stream.indirect.gather [hbm4b:s1+s15], $0x80, s20, s15, $0xb8;
	[tilespmem:$0x1E400] =	vst v63  }
0xa1: {  	_ =	swait.ge [sflag:s18], $0x4000  }
0xa2: {  	[sflag:s18] =	ssyncset.done $0x0  }
0xa3: {  	[sflag:s18] =	ssyncadd.s32 $0xFFFFC000  }
0xa4: {  	[spmem:s2] =	stream.indirect.scatter.add.f32 [tilespmem:s16], [sflag:$0x3], $0x80, s21, s15, $0xb8;
	[tilespmem:$0x1E400] =	vst v63  }
0xa5: {  	_ =	swait.ge [sflag:s13], $0x4000  }
0xa6: {  	[sflag:s13] =	ssyncset.done $0x0  }
0xa7: {  	[sflag:s13] =	ssyncadd.s32 $0xFFFFC000  }
0xa8: {  	_ =	swait.ge [sflag:s19], $0x4000  }
0xa9: {  	[sflag:s19] =	ssyncset.done $0x0  }
0xaa: {  	[sflag:s19] =	ssyncadd.s32 $0xFFFFC000  }
0xab: {  	[spmem:s2] =	stream.indirect.scatter.add.f32 [tilespmem:s17], [sflag:$0x3], $0x80, s22, s15, $0xb8;
	[tilespmem:$0x1E400] =	vst v63  }
0xac: {  	_ =	swait.ge [sflag:s13], $0x4000  }
0xad: {  	s24 =	sadd.s32 $0x1, s24;
	[sflag:s13] =	ssyncset.done $0x0  }
0xae: {  	s31 =	sshll.u32 s4, $0x6;
	p1 =	sne.s32 s24, s11;
	[sflag:s13] =	ssyncadd.s32 $0xFFFFC000  }
.Ltmp2:
0xaf: {  	s25 =	sor.u32 $0x1C03, s31;
	[bflag:$0x0] =	sbarrier.arrive $0xFFFF;
	(pc) =	sbr.rel @p1 .LBB2_1-.Ltmp2, $4  }
0xb0: {  	[hbm:s10], [sflag:s25] =	dma.local [spmem:s23], $0x2780  }
0xb1: {  	_ =	swait.ge [sflag:s13], $0x2780  }
0xb2: {  	[sflag:s13] =	ssyncset.done $0x0  }
0xb3: {  	[sflag:s13] =	ssyncadd.s32 $0xFFFFD880  }
0xb4: {  	_ =	sfence.sel $0x180000  }
0xb5: {  	[bflag:$0x0] =	sbarrier.arrive $0xFFFF  }
0xb6: {  	_ =	strace $0x90000050  }
0xb7: {  	s0 =	sadd.s32 @!p0 $0x100000, s0;
	[bflag:$0x2] =	sbarrier.arrive $0xFFFF  }
0xb8: {  	[sflag:s0] =	ssyncadd.tile.s32 @!p0 $0x1;
	_ =	shalt  }
.Lfunc_end2:
_tile_overlayer_lowered:
.L_overlay_start_2:
0xb9: {  	(tag) =	ssettag $0x2  }
0xba: {  	s0 =	rddreg [dreg:$0x0];
	s2 =	stileid.u32  }
0xbb: {  	s1 =	rddreg [dreg:$0x1];
	p0 =	sne.s32 s2, $0x0  }
0xbc: {  	s3 =	rddreg [dreg:$0x2];
	[bflag:$0x3] =	sbarrier.arrive $0xFFFF;
	s2 =	simm.s32 @!p0 $0x1C03  }
0xbd: {  	[timem:s3], [sflag:s2] =	dma.local @!p0 [hbm:s0], s1  }
0xbe: {  	s0 =	simm.s32 @!p0 $0x3  }
0xbf: {  	_ =	swait.ge @!p0 [sflag:s0], s1  }
0xc0: {  	s1 =	ssub.s32 @!p0 $0x0, s1;
	[sflag:s0] =	ssyncset.done @!p0 $0x0  }
0xc1: {  	[sflag:s0] =	ssyncadd.s32 @!p0 s1  }
0xc2: {  	[bflag:$0x3] =	sbarrier.arrive $0xFFFF  }
0xc3: {  	_ =	shalt  }

</sc_bundles>
